<compile_context>
chip_gen: v7x
topology: tpu7x:2x2x1
jax: 0.10.2.dev20260603
libtpu: 0.0.44.dev20260713+nightly
codegen_flags: <defaults>
</compile_context>

<pallas_src>
import functools

import jax
import jax.numpy as jnp
from jax import lax
from jax.experimental import pallas as pl
from jax.experimental.pallas import tpu as pltpu
from jax.experimental.pallas import tpu_sc as plsc

HIDDEN = 128
RELDIM = 16
N_NODES = 10000
N_EDGES = 320000

CH = 128
EB = 512
RB = 400
LANES = 16
RPS = 624
ZCH = 16

@functools.cache
def _vmesh():
    return plsc.VectorSubcoreMesh(core_axis_name="core", subcore_axis_name="subcore")



def _pre_body(ns_ref, w1a_ref, w1b_ref, a_ref, b_ref):
    ns = ns_ref[...]
    a_ref[...] = jnp.dot(ns, w1a_ref[...], preferred_element_type=jnp.float32)
    b_ref[...] = jnp.dot(ns, w1b_ref[...], preferred_element_type=jnp.float32)


def _precompute(node_states, w1a, w1b):
    return pl.pallas_call(
        _pre_body,
        grid=(N_NODES // RB,),
        in_specs=[
            pl.BlockSpec((RB, HIDDEN), lambda i: (i, 0)),
            pl.BlockSpec((HIDDEN, HIDDEN), lambda i: (0, 0)),
            pl.BlockSpec((HIDDEN, HIDDEN), lambda i: (0, 0)),
        ],
        out_specs=[
            pl.BlockSpec((RB, HIDDEN), lambda i: (i, 0)),
            pl.BlockSpec((RB, HIDDEN), lambda i: (i, 0)),
        ],
        out_shape=[
            jax.ShapeDtypeStruct((N_NODES, HIDDEN), jnp.float32),
            jax.ShapeDtypeStruct((N_NODES, HIDDEN), jnp.float32),
        ],
    )(node_states, w1a, w1b)



def _sc_gather(a_tab, b_tab, src, dst):
    @functools.partial(
        pl.kernel,
        out_type=jax.ShapeDtypeStruct((N_EDGES, HIDDEN), jnp.float32),
        mesh=_vmesh(),
        scratch_types=[
            pltpu.VMEM((CH, HIDDEN), jnp.float32),
        ],
    )
    def k(a_hbm, b_hbm, src_hbm, dst_hbm, o_hbm, bufb):
        def body(isrc, idst, o_vmem):
            pltpu.sync_copy(a_hbm.at[isrc.at[0]], o_vmem)
            pltpu.sync_copy(b_hbm.at[idst.at[0]], bufb)

            @pl.loop(0, CH)
            def _(r):
                for j in range(HIDDEN // LANES):
                    slc = (pl.ds(r, 1), pl.ds(j * LANES, LANES))
                    o_vmem.at[slc][...] = o_vmem.at[slc][...] + bufb.at[slc][...]

        pltpu.emit_pipeline(
            body,
            grid=(N_EDGES // CH,),
            in_specs=[
                pl.BlockSpec((1, CH), lambda i: (0, i)),
                pl.BlockSpec((1, CH), lambda i: (0, i)),
            ],
            out_specs=[pl.BlockSpec((CH, HIDDEN), lambda i: (i, 0))],
            core_axis_name=("core", "subcore"),
            dimension_semantics=(pltpu.PARALLEL,),
        )(src_hbm, dst_hbm, o_hbm)

    return k(a_tab, b_tab, src, dst)



def _mlp_body(g_ref, rel_ref, w1r_ref, b1_ref, w2_ref, b2_ref, out_ref):
    pre = g_ref[...] + jnp.dot(rel_ref[...], w1r_ref[...],
                               preferred_element_type=jnp.float32) + b1_ref[...]
    h = jnp.maximum(pre, 0.0)
    m = jnp.dot(h, w2_ref[...], preferred_element_type=jnp.float32) + b2_ref[...]
    out_ref[...] = jnp.maximum(m, 0.0)


def _edge_mlp(g, rel, w1r, b1, w2, b2):
    return pl.pallas_call(
        _mlp_body,
        grid=(N_EDGES // EB,),
        in_specs=[
            pl.BlockSpec((EB, HIDDEN), lambda i: (i, 0)),
            pl.BlockSpec((EB, RELDIM), lambda i: (i, 0)),
            pl.BlockSpec((RELDIM, HIDDEN), lambda i: (0, 0)),
            pl.BlockSpec((1, HIDDEN), lambda i: (0, 0)),
            pl.BlockSpec((HIDDEN, HIDDEN), lambda i: (0, 0)),
            pl.BlockSpec((1, HIDDEN), lambda i: (0, 0)),
        ],
        out_specs=pl.BlockSpec((EB, HIDDEN), lambda i: (i, 0)),
        out_shape=jax.ShapeDtypeStruct((N_EDGES, HIDDEN), jnp.float32),
    )(g, rel, w1r, b1, w2, b2)



def _sc_scatter(msg, dst):
    @functools.partial(
        pl.kernel,
        out_type=jax.ShapeDtypeStruct((2, N_NODES, HIDDEN), jnp.float32),
        mesh=_vmesh(),
        scratch_types=[
            pltpu.VMEM_SHARED((N_NODES, HIDDEN), jnp.float32),
            pltpu.VMEM((ZCH, HIDDEN), jnp.float32),
        ],
    )
    def k(msg_hbm, dst_hbm, o_hbm, acc, zbuf):
        core = lax.axis_index("core")
        sub = lax.axis_index("subcore")
        start = sub * RPS

        @pl.loop(0, ZCH)
        def _(r):
            for j in range(HIDDEN // LANES):
                zbuf.at[pl.ds(r, 1), pl.ds(j * LANES, LANES)][...] = (
                    jnp.zeros((1, LANES), jnp.float32))

        @pl.loop(0, RPS // ZCH)
        def _(kk):
            pltpu.sync_copy(zbuf, acc.at[pl.ds(start + kk * ZCH, ZCH)])

        @pl.when(sub == 15)
        def _():
            pltpu.sync_copy(zbuf.at[pl.ds(0, 16)],
                            acc.at[pl.ds(N_NODES - 16, 16)])

        plsc.subcore_barrier()

        def body(m_vmem, idx_vmem):
            pltpu.sync_copy(m_vmem, acc.at[idx_vmem.at[0]], add=True)

        pltpu.emit_pipeline(
            body,
            grid=(N_EDGES // CH,),
            in_specs=[
                pl.BlockSpec((CH, HIDDEN), lambda i: (i, 0)),
                pl.BlockSpec((1, CH), lambda i: (0, i)),
            ],
            out_specs=[],
            core_axis_name=("core", "subcore"),
            dimension_semantics=(pltpu.PARALLEL,),
        )(msg_hbm, dst_hbm)

        plsc.subcore_barrier()

        @pl.loop(0, RPS // ZCH)
        def _(kk):
            pltpu.sync_copy(acc.at[pl.ds(start + kk * ZCH, ZCH)],
                            o_hbm.at[core, pl.ds(start + kk * ZCH, ZCH)])

        @pl.when(sub == 15)
        def _():
            pltpu.sync_copy(acc.at[pl.ds(N_NODES - 16, 16)],
                            o_hbm.at[core, pl.ds(N_NODES - 16, 16)])

    return k(msg, dst)



def _final_body(ns_ref, p0_ref, p1_ref, w3_ref, b3_ref, g_ref, be_ref, out_ref):
    agg = p0_ref[0] + p1_ref[0]
    t = jnp.dot(agg, w3_ref[...], preferred_element_type=jnp.float32) + b3_ref[...]
    u = ns_ref[...] + jnp.maximum(t, 0.0)
    mean = jnp.mean(u, axis=-1, keepdims=True)
    var = jnp.mean(jnp.square(u - mean), axis=-1, keepdims=True)
    out_ref[...] = (u - mean) * lax.rsqrt(var + 1e-5) * g_ref[...] + be_ref[...]


def _final(node_states, parts, w3, b3, gamma, beta):
    return pl.pallas_call(
        _final_body,
        grid=(N_NODES // RB,),
        in_specs=[
            pl.BlockSpec((RB, HIDDEN), lambda i: (i, 0)),
            pl.BlockSpec((1, RB, HIDDEN), lambda i: (0, i, 0)),
            pl.BlockSpec((1, RB, HIDDEN), lambda i: (1, i, 0)),
            pl.BlockSpec((HIDDEN, HIDDEN), lambda i: (0, 0)),
            pl.BlockSpec((1, HIDDEN), lambda i: (0, 0)),
            pl.BlockSpec((1, HIDDEN), lambda i: (0, 0)),
            pl.BlockSpec((1, HIDDEN), lambda i: (0, 0)),
        ],
        out_specs=pl.BlockSpec((RB, HIDDEN), lambda i: (i, 0)),
        out_shape=jax.ShapeDtypeStruct((N_NODES, HIDDEN), jnp.float32),
    )(node_states, parts, parts, w3, b3, gamma, beta)



def kernel(node_states, edge_index, edge_rel_emb, W1, b1, W2, b2, W3, b3,
           gamma, beta):
    ei = edge_index.astype(jnp.int32)
    src = ei[0:1]
    dst = ei[1:2]
    w1a = W1[:HIDDEN]
    w1b = W1[HIDDEN:2 * HIDDEN]
    w1r = W1[2 * HIDDEN:]
    b1r = b1.reshape(1, HIDDEN)
    b2r = b2.reshape(1, HIDDEN)
    b3r = b3.reshape(1, HIDDEN)
    gr = gamma.reshape(1, HIDDEN)
    br = beta.reshape(1, HIDDEN)

    a_tab, b_tab = _precompute(node_states, w1a, w1b)
    g = _sc_gather(a_tab, b_tab, src, dst)
    msg = _edge_mlp(g, edge_rel_emb, w1r, b1r, W2, b2r)
    parts = _sc_scatter(msg, dst)
    return _final(node_states, parts, W3, b3r, gr, br)

# --- scband reference (transcript-rebuilt; emitter-appended) ---
"""Pipeline reference for scband-message-passing-layer-32220844655116 (READ-ONLY COPY).

The authoritative reference and input builder live on the scoring server;
editing this copy changes nothing except your own understanding.
"""

import jax, jax.numpy as jnp
import numpy as np

HIDDEN = 128
RELDIM = 16
N_NODES = 10000
N_EDGES = 320000


def setup_inputs(seed: int = 0) -> dict:
    key = jax.random.key(seed)
    ks = jax.random.split(key, 12)
    node_states = jax.random.normal(ks[0], (N_NODES, HIDDEN), dtype=jnp.float32)
    edge_index = jax.random.randint(ks[1], (2, N_EDGES), 0, N_NODES, dtype=jnp.int64)
    edge_rel_emb = jax.random.normal(ks[2], (N_EDGES, RELDIM), dtype=jnp.float32)
    d_in = 2 * HIDDEN + RELDIM
    s1 = 1.0 / np.sqrt(d_in)
    s2 = 1.0 / np.sqrt(HIDDEN)
    W1 = jax.random.uniform(ks[3], (d_in, HIDDEN), jnp.float32, -s1, s1)
    b1 = jax.random.uniform(ks[4], (HIDDEN,), jnp.float32, -s1, s1)
    W2 = jax.random.uniform(ks[5], (HIDDEN, HIDDEN), jnp.float32, -s2, s2)
    b2 = jax.random.uniform(ks[6], (HIDDEN,), jnp.float32, -s2, s2)
    W3 = jax.random.uniform(ks[7], (HIDDEN, HIDDEN), jnp.float32, -s2, s2)
    b3 = jax.random.uniform(ks[8], (HIDDEN,), jnp.float32, -s2, s2)
    gamma = jnp.ones((HIDDEN,), dtype=jnp.float32)
    beta = jnp.zeros((HIDDEN,), dtype=jnp.float32)
    return {
        "node_states": node_states,
        "edge_index": edge_index,
        "edge_rel_emb": edge_rel_emb,
        "W1": W1, "b1": b1, "W2": W2, "b2": b2,
        "W3": W3, "b3": b3, "gamma": gamma, "beta": beta,
    }


def reference(node_states, edge_index, edge_rel_emb, W1, b1, W2, b2, W3, b3, gamma, beta):
    src = edge_index[0]
    dst = edge_index[1]
    src_h = jnp.take(node_states, src, axis=0)
    dst_h = jnp.take(node_states, dst, axis=0)
    m_input = jnp.concatenate([src_h, dst_h, edge_rel_emb], axis=-1)
    h = jax.nn.relu(m_input @ W1 + b1)
    messages = jax.nn.relu(h @ W2 + b2)
    agg = jnp.zeros_like(node_states).at[dst].add(messages)
    updated = node_states + jax.nn.relu(agg @ W3 + b3)
    mean = jnp.mean(updated, axis=-1, keepdims=True)
    var = jnp.mean(jnp.square(updated - mean), axis=-1, keepdims=True)
    normed = (updated - mean) / jnp.sqrt(var + 1e-5)
    return normed * gamma + beta

if __name__ == "__main__":
    import jax
    _d = setup_inputs()
    print(jax.jit(kernel)(*tuple(_d.values())))

</pallas_src>

<mosaic_0001>
#map = affine_map<(d0, d1) -> (0, 0)>
#map1 = affine_map<(d0, d1) -> (0, 0, 0)>
module attributes {stable_mosaic.version = 14 : i64} {
  func.func @k(%arg0: i32, %arg1: i32, %arg2: memref<320000x128xf32, #tpu.memory_space<hbm>>, %arg3: memref<1x320000xi32, #tpu.memory_space<hbm>>, %arg4: memref<2x10000x128xf32, #tpu.memory_space<hbm>>, %arg5: memref<10000x128xf32, #tpu.memory_space<vmem_shared>>, %arg6: memref<16x128xf32, #tpu.memory_space<vmem>>) attributes {dimension_semantics = [#tpu.dimension_semantics<core_parallel>, #tpu.dimension_semantics<subcore_parallel>], iteration_bounds = array<i64: 2, 16>, scalar_prefetch = 0 : i64, scratch_operands = 2 : i64, tpu.core_type = #tpu.core_type<sc_vector_subcore>, window_params = [{transform_indices = #map}, {transform_indices = #map}, {transform_indices = #map1}]} {
    %mul3A = arith.constant 624 : i32
    %mul3A_0 = arith.muli %arg1, %mul3A : i32
    %scan3A = arith.constant 0 : i32
    %scan3A_1 = arith.constant 16 : i32
    %scan3A_2 = arith.addi %scan3A, %scan3A_1 : i32
    %scan3A_3 = arith.constant 1 : i32
    scf.for %scan3A_41 = %scan3A to %scan3A_2 step %scan3A_3  : i32 {
      %mul3A_42 = arith.constant 1 : i32
      %mul3A_43 = arith.muli %scan3A_41, %mul3A_42 : i32
      %add3A_44 = arith.constant 0 : i32
      %add3A_45 = arith.addi %add3A_44, %mul3A_43 : i32
      %broadcast_in_dim3A = arith.constant 0.000000e+00 : f32
      %broadcast_in_dim3A_46 = vector.broadcast %broadcast_in_dim3A : f32 to vector<1x16xf32>
      %swap3A = arith.index_cast %add3A_45 : i32 to index
      %swap3A_47 = arith.constant 0 : index
      %swap3A_48 = tpu.vector_load %arg6[%swap3A, %swap3A_47] {strides = array<i32>} : memref<16x128xf32, #tpu.memory_space<vmem>>, vector<1x16xf32>,
      %swap3A_49 = vector.shape_cast %swap3A_48 : vector<1x16xf32> to vector<1x16xf32>
      %swap3A_50 = vector.shape_cast %broadcast_in_dim3A_46 : vector<1x16xf32> to vector<1x16xf32>
      tpu.vector_store %arg6[%swap3A, %swap3A_47], %swap3A_50 {strides = array<i32>} : memref<16x128xf32, #tpu.memory_space<vmem>>, vector<1x16xf32>,
      %broadcast_in_dim3A_51 = arith.constant 0.000000e+00 : f32
      %broadcast_in_dim3A_52 = vector.broadcast %broadcast_in_dim3A_51 : f32 to vector<1x16xf32>
      %swap3A_53 = arith.index_cast %add3A_45 : i32 to index
      %swap3A_54 = arith.constant 16 : index
      %swap3A_55 = tpu.vector_load %arg6[%swap3A_53, %swap3A_54] {strides = array<i32>} : memref<16x128xf32, #tpu.memory_space<vmem>>, vector<1x16xf32>,
      %swap3A_56 = vector.shape_cast %swap3A_55 : vector<1x16xf32> to vector<1x16xf32>
      %swap3A_57 = vector.shape_cast %broadcast_in_dim3A_52 : vector<1x16xf32> to vector<1x16xf32>
      tpu.vector_store %arg6[%swap3A_53, %swap3A_54], %swap3A_57 {strides = array<i32>} : memref<16x128xf32, #tpu.memory_space<vmem>>, vector<1x16xf32>,
      %broadcast_in_dim3A_58 = arith.constant 0.000000e+00 : f32
      %broadcast_in_dim3A_59 = vector.broadcast %broadcast_in_dim3A_58 : f32 to vector<1x16xf32>
      %swap3A_60 = arith.index_cast %add3A_45 : i32 to index
      %swap3A_61 = arith.constant 32 : index
      %swap3A_62 = tpu.vector_load %arg6[%swap3A_60, %swap3A_61] {strides = array<i32>} : memref<16x128xf32, #tpu.memory_space<vmem>>, vector<1x16xf32>,
      %swap3A_63 = vector.shape_cast %swap3A_62 : vector<1x16xf32> to vector<1x16xf32>
      %swap3A_64 = vector.shape_cast %broadcast_in_dim3A_59 : vector<1x16xf32> to vector<1x16xf32>
      tpu.vector_store %arg6[%swap3A_60, %swap3A_61], %swap3A_64 {strides = array<i32>} : memref<16x128xf32, #tpu.memory_space<vmem>>, vector<1x16xf32>,
      %broadcast_in_dim3A_65 = arith.constant 0.000000e+00 : f32
      %broadcast_in_dim3A_66 = vector.broadcast %broadcast_in_dim3A_65 : f32 to vector<1x16xf32>
      %swap3A_67 = arith.index_cast %add3A_45 : i32 to index
      %swap3A_68 = arith.constant 48 : index
      %swap3A_69 = tpu.vector_load %arg6[%swap3A_67, %swap3A_68] {strides = array<i32>} : memref<16x128xf32, #tpu.memory_space<vmem>>, vector<1x16xf32>,
      %swap3A_70 = vector.shape_cast %swap3A_69 : vector<1x16xf32> to vector<1x16xf32>
      %swap3A_71 = vector.shape_cast %broadcast_in_dim3A_66 : vector<1x16xf32> to vector<1x16xf32>
      tpu.vector_store %arg6[%swap3A_67, %swap3A_68], %swap3A_71 {strides = array<i32>} : memref<16x128xf32, #tpu.memory_space<vmem>>, vector<1x16xf32>,
      %broadcast_in_dim3A_72 = arith.constant 0.000000e+00 : f32
      %broadcast_in_dim3A_73 = vector.broadcast %broadcast_in_dim3A_72 : f32 to vector<1x16xf32>
      %swap3A_74 = arith.index_cast %add3A_45 : i32 to index
      %swap3A_75 = arith.constant 64 : index
      %swap3A_76 = tpu.vector_load %arg6[%swap3A_74, %swap3A_75] {strides = array<i32>} : memref<16x128xf32, #tpu.memory_space<vmem>>, vector<1x16xf32>,
      %swap3A_77 = vector.shape_cast %swap3A_76 : vector<1x16xf32> to vector<1x16xf32>
      %swap3A_78 = vector.shape_cast %broadcast_in_dim3A_73 : vector<1x16xf32> to vector<1x16xf32>
      tpu.vector_store %arg6[%swap3A_74, %swap3A_75], %swap3A_78 {strides = array<i32>} : memref<16x128xf32, #tpu.memory_space<vmem>>, vector<1x16xf32>,
      %broadcast_in_dim3A_79 = arith.constant 0.000000e+00 : f32
      %broadcast_in_dim3A_80 = vector.broadcast %broadcast_in_dim3A_79 : f32 to vector<1x16xf32>
      %swap3A_81 = arith.index_cast %add3A_45 : i32 to index
      %swap3A_82 = arith.constant 80 : index
      %swap3A_83 = tpu.vector_load %arg6[%swap3A_81, %swap3A_82] {strides = array<i32>} : memref<16x128xf32, #tpu.memory_space<vmem>>, vector<1x16xf32>,
      %swap3A_84 = vector.shape_cast %swap3A_83 : vector<1x16xf32> to vector<1x16xf32>
      %swap3A_85 = vector.shape_cast %broadcast_in_dim3A_80 : vector<1x16xf32> to vector<1x16xf32>
      tpu.vector_store %arg6[%swap3A_81, %swap3A_82], %swap3A_85 {strides = array<i32>} : memref<16x128xf32, #tpu.memory_space<vmem>>, vector<1x16xf32>,
      %broadcast_in_dim3A_86 = arith.constant 0.000000e+00 : f32
      %broadcast_in_dim3A_87 = vector.broadcast %broadcast_in_dim3A_86 : f32 to vector<1x16xf32>
      %swap3A_88 = arith.index_cast %add3A_45 : i32 to index
      %swap3A_89 = arith.constant 96 : index
      %swap3A_90 = tpu.vector_load %arg6[%swap3A_88, %swap3A_89] {strides = array<i32>} : memref<16x128xf32, #tpu.memory_space<vmem>>, vector<1x16xf32>,
      %swap3A_91 = vector.shape_cast %swap3A_90 : vector<1x16xf32> to vector<1x16xf32>
      %swap3A_92 = vector.shape_cast %broadcast_in_dim3A_87 : vector<1x16xf32> to vector<1x16xf32>
      tpu.vector_store %arg6[%swap3A_88, %swap3A_89], %swap3A_92 {strides = array<i32>} : memref<16x128xf32, #tpu.memory_space<vmem>>, vector<1x16xf32>,
      %broadcast_in_dim3A_93 = arith.constant 0.000000e+00 : f32
      %broadcast_in_dim3A_94 = vector.broadcast %broadcast_in_dim3A_93 : f32 to vector<1x16xf32>
      %swap3A_95 = arith.index_cast %add3A_45 : i32 to index
      %swap3A_96 = arith.constant 112 : index
      %swap3A_97 = tpu.vector_load %arg6[%swap3A_95, %swap3A_96] {strides = array<i32>} : memref<16x128xf32, #tpu.memory_space<vmem>>, vector<1x16xf32>,
      %swap3A_98 = vector.shape_cast %swap3A_97 : vector<1x16xf32> to vector<1x16xf32>
      %swap3A_99 = vector.shape_cast %broadcast_in_dim3A_94 : vector<1x16xf32> to vector<1x16xf32>
      tpu.vector_store %arg6[%swap3A_95, %swap3A_96], %swap3A_99 {strides = array<i32>} : memref<16x128xf32, #tpu.memory_space<vmem>>, vector<1x16xf32>,
    }
    %scan3A_4 = arith.constant 16 : i32
    %scan3A_5 = arith.constant 0 : i32
    %scan3A_6 = arith.constant 39 : i32
    %scan3A_7 = arith.addi %scan3A_5, %scan3A_6 : i32
    %scan3A_8 = arith.constant 1 : i32
    scf.for %scan3A_41 = %scan3A_5 to %scan3A_7 step %scan3A_8  : i32 {
      %mul3A_42 = arith.constant 1 : i32
      %mul3A_43 = arith.muli %scan3A_41, %mul3A_42 : i32
      %add3A_44 = arith.constant 0 : i32
      %add3A_45 = arith.addi %add3A_44, %mul3A_43 : i32
      %mul3A_46 = arith.constant 16 : i32
      %mul3A_47 = arith.muli %add3A_45, %mul3A_46 : i32
      %add3A_48 = arith.addi %mul3A_0, %mul3A_47 : i32
      "tpu.region"() ({
        %run_scoped3A = tpu.sem_alloc : memref<!tpu.dma_semaphore, #tpu.memory_space<semaphore_mem>>
        %dma_start3A = arith.constant 0 : i32
        %dma_start3A_49 = tpu.memref_slice %arg5[%add3A_48, %dma_start3A] : memref<10000x128xf32, #tpu.memory_space<vmem_shared>> -> memref<16x128xf32, #tpu.memory_space<vmem_shared>>
        %dma_start3A_50 = arith.constant 0 : i32
        %dma_start3A_51 = tpu.memref_slice %arg5[%add3A_48, %dma_start3A_50] : memref<10000x128xf32, #tpu.memory_space<vmem_shared>> -> memref<16x128xf32, #tpu.memory_space<vmem_shared>>
        tpu.enqueue_dma source(%arg6 : memref<16x128xf32, #tpu.memory_space<vmem>>) target(%dma_start3A_51 : memref<16x128xf32, #tpu.memory_space<vmem_shared>>) target_semaphore(%run_scoped3A : memref<!tpu.dma_semaphore, #tpu.memory_space<semaphore_mem>>)
        %dma_wait3A = arith.constant 0 : i32
        %dma_wait3A_52 = tpu.memref_slice %arg5[%add3A_48, %dma_wait3A] : memref<10000x128xf32, #tpu.memory_space<vmem_shared>> -> memref<16x128xf32, #tpu.memory_space<vmem_shared>>
        %dma_wait3A_53 = arith.constant 0 : i32
        %dma_wait3A_54 = tpu.memref_slice %arg5[%add3A_48, %dma_wait3A_53] : memref<10000x128xf32, #tpu.memory_space<vmem_shared>> -> memref<16x128xf32, #tpu.memory_space<vmem_shared>>
        tpu.wait_dma2 semaphore(%run_scoped3A : memref<!tpu.dma_semaphore, #tpu.memory_space<semaphore_mem>>) src(%arg6 : memref<16x128xf32, #tpu.memory_space<vmem>>) dst(%dma_wait3A_54 : memref<16x128xf32, #tpu.memory_space<vmem_shared>>)
        tpu.yield
      }) : () -> ()
    }
    %scan3A_9 = arith.constant 39 : i32
    %eq3A = arith.constant 15 : i32
    %eq3A_10 = arith.cmpi eq, %arg1, %eq3A : i32
    %convert_element_type3A = arith.extui %eq3A_10 : i1 to i32
    %cond3A = arith.constant 0 : i32
    %cond3A_11 = arith.cmpi ne, %convert_element_type3A, %cond3A : i32
    scf.if %cond3A_11 {
      "tpu.region"() ({
        %run_scoped3A = tpu.sem_alloc : memref<!tpu.dma_semaphore, #tpu.memory_space<semaphore_mem>>
        %dma_start3A = arith.constant 0 : i32
        %dma_start3A_41 = arith.constant 0 : i32
        %dma_start3A_42 = tpu.memref_slice %arg6[%dma_start3A, %dma_start3A_41] : memref<16x128xf32, #tpu.memory_space<vmem>> -> memref<16x128xf32, #tpu.memory_space<vmem>>
        %dma_start3A_43 = arith.constant 9984 : i32
        %dma_start3A_44 = arith.constant 0 : i32
        %dma_start3A_45 = tpu.memref_slice %arg5[%dma_start3A_43, %dma_start3A_44] : memref<10000x128xf32, #tpu.memory_space<vmem_shared>> -> memref<16x128xf32, #tpu.memory_space<vmem_shared>>
        %dma_start3A_46 = arith.constant 9984 : i32
        %dma_start3A_47 = arith.constant 0 : i32
        %dma_start3A_48 = tpu.memref_slice %arg5[%dma_start3A_46, %dma_start3A_47] : memref<10000x128xf32, #tpu.memory_space<vmem_shared>> -> memref<16x128xf32, #tpu.memory_space<vmem_shared>>
        %dma_start3A_49 = arith.constant 0 : i32
        %dma_start3A_50 = arith.constant 0 : i32
        %dma_start3A_51 = tpu.memref_slice %arg6[%dma_start3A_49, %dma_start3A_50] : memref<16x128xf32, #tpu.memory_space<vmem>> -> memref<16x128xf32, #tpu.memory_space<vmem>>
        tpu.enqueue_dma source(%dma_start3A_51 : memref<16x128xf32, #tpu.memory_space<vmem>>) target(%dma_start3A_48 : memref<16x128xf32, #tpu.memory_space<vmem_shared>>) target_semaphore(%run_scoped3A : memref<!tpu.dma_semaphore, #tpu.memory_space<semaphore_mem>>)
        %dma_wait3A = arith.constant 0 : i32
        %dma_wait3A_52 = arith.constant 0 : i32
        %dma_wait3A_53 = tpu.memref_slice %arg6[%dma_wait3A, %dma_wait3A_52] : memref<16x128xf32, #tpu.memory_space<vmem>> -> memref<16x128xf32, #tpu.memory_space<vmem>>
        %dma_wait3A_54 = arith.constant 9984 : i32
        %dma_wait3A_55 = arith.constant 0 : i32
        %dma_wait3A_56 = tpu.memref_slice %arg5[%dma_wait3A_54, %dma_wait3A_55] : memref<10000x128xf32, #tpu.memory_space<vmem_shared>> -> memref<16x128xf32, #tpu.memory_space<vmem_shared>>
        %dma_wait3A_57 = arith.constant 9984 : i32
        %dma_wait3A_58 = arith.constant 0 : i32
        %dma_wait3A_59 = tpu.memref_slice %arg5[%dma_wait3A_57, %dma_wait3A_58] : memref<10000x128xf32, #tpu.memory_space<vmem_shared>> -> memref<16x128xf32, #tpu.memory_space<vmem_shared>>
        %dma_wait3A_60 = arith.constant 0 : i32
        %dma_wait3A_61 = arith.constant 0 : i32
        %dma_wait3A_62 = tpu.memref_slice %arg6[%dma_wait3A_60, %dma_wait3A_61] : memref<16x128xf32, #tpu.memory_space<vmem>> -> memref<16x128xf32, #tpu.memory_space<vmem>>
        tpu.wait_dma2 semaphore(%run_scoped3A : memref<!tpu.dma_semaphore, #tpu.memory_space<semaphore_mem>>) src(%dma_wait3A_62 : memref<16x128xf32, #tpu.memory_space<vmem>>) dst(%dma_wait3A_59 : memref<16x128xf32, #tpu.memory_space<vmem_shared>>)
        tpu.yield
      }) : () -> ()
    } else {
    }
    %barrier3A = arith.constant 0 : index
    tpu.barrier barrier_id(%barrier3A)
    %mul3A_12 = arith.constant 1 : i32
    %mul3A_13 = arith.muli %arg1, %mul3A_12 : i32
    %add3A = arith.constant 0 : i32
    %add3A_14 = arith.addi %add3A, %mul3A_13 : i32
    %mul3A_15 = arith.constant 16 : i32
    %mul3A_16 = arith.muli %arg0, %mul3A_15 : i32
    %add3A_17 = arith.addi %add3A_14, %mul3A_16 : i32
    %lt3A = arith.constant 4 : i32
    %lt3A_18 = arith.cmpi slt, %add3A_17, %lt3A : i32
    %jit3A = arith.constant 79 : i32
    %jit3A_19 = arith.constant 78 : i32
    %select_n3A = arith.select %lt3A_18, %jit3A, %jit3A_19 : i32
    %lt3A_20 = arith.constant 4 : i32
    %lt3A_21 = arith.cmpi slt, %add3A_17, %lt3A_20 : i32
    %mul3A_22 = arith.muli %add3A_17, %select_n3A : i32
    %mul3A_23 = arith.constant 78 : i32
    %mul3A_24 = arith.muli %add3A_17, %mul3A_23 : i32
    %add3A_25 = arith.constant 4 : i32
    %add3A_26 = arith.addi %mul3A_24, %add3A_25 : i32
    %select_n3A_27 = arith.select %lt3A_21, %mul3A_22, %add3A_26 : i32
    %mul3A_28 = arith.constant 1 : i32
    %mul3A_29 = arith.muli %mul3A_28, %select_n3A : i32
    "tpu.region"() ({
      %run_scoped3A = memref.alloca() : memref<2x128x128xf32, #tpu.memory_space<vmem>>
      %run_scoped3A_41 = tpu.sem_alloc : memref<2x!tpu.dma_semaphore, #tpu.memory_space<semaphore_mem>>
      %run_scoped3A_42 = memref.alloca() : memref<2x1x128xi32, #tpu.memory_space<vmem>>
      %run_scoped3A_43 = tpu.sem_alloc : memref<2x!tpu.dma_semaphore, #tpu.memory_space<semaphore_mem>>
      %gt3A = arith.constant 0 : i32
      %gt3A_44 = arith.cmpi sgt, %mul3A_29, %gt3A : i32
      %convert_element_type3A_45 = arith.extui %gt3A_44 : i1 to i32
      %cond3A_46 = arith.constant 0 : i32
      %cond3A_47 = arith.cmpi ne, %convert_element_type3A_45, %cond3A_46 : i32
      scf.if %cond3A_47 {
        %mul3A_48 = arith.constant 1 : i32
        %mul3A_49 = arith.muli %mul3A_48, %select_n3A : i32
        %sub3A = arith.constant 1 : i32
        %sub3A_50 = arith.subi %mul3A_49, %sub3A : i32
        %eq3A_51 = arith.constant 0 : i32
        %eq3A_52 = arith.cmpi eq, %sub3A_50, %eq3A_51 : i32
        %add3A_53 = arith.constant 0 : i32
        %add3A_54 = arith.addi %add3A_53, %select_n3A_27 : i32
        %select_n3A_55 = arith.constant true
        %select_n3A_56 = arith.constant 0 : i32
        %select_n3A_57 = arith.constant -1 : i32
        %select_n3A_58 = arith.select %select_n3A_55, %select_n3A_57, %select_n3A_56 : i32
        %eq3A_59 = arith.constant -1 : i32
        %eq3A_60 = arith.cmpi eq, %select_n3A_58, %eq3A_59 : i32
        %sub3A_61 = arith.constant 1 : i32
        %sub3A_62 = arith.subi %select_n3A, %sub3A_61 : i32
        %select_n3A_63 = arith.select %eq3A_60, %sub3A_62, %select_n3A_58 : i32
        %add3A_64 = arith.addi %select_n3A_63, %select_n3A_27 : i32
        %select_n3A_65 = arith.constant true
        %select_n3A_66 = arith.constant 0 : i32
        %select_n3A_67 = arith.constant 1 : i32
        %select_n3A_68 = arith.select %select_n3A_65, %select_n3A_67, %select_n3A_66 : i32
        %eq3A_69 = arith.cmpi eq, %select_n3A_68, %select_n3A : i32
        %select_n3A_70 = arith.constant 0 : i32
        %select_n3A_71 = arith.select %eq3A_69, %select_n3A_70, %select_n3A_68 : i32
        %add3A_72 = arith.addi %select_n3A_71, %select_n3A_27 : i32
        %add3A_73 = arith.constant 1 : i32
        %add3A_74 = arith.addi %select_n3A_71, %add3A_73 : i32
        %select_n3A_75 = arith.constant true
        %select_n3A_76 = arith.select %select_n3A_75, %add3A_74, %select_n3A_71 : i32
        %eq3A_77 = arith.cmpi eq, %select_n3A_76, %select_n3A : i32
        %select_n3A_78 = arith.constant 0 : i32
        %select_n3A_79 = arith.select %eq3A_77, %select_n3A_78, %select_n3A_76 : i32
        %add3A_80 = arith.addi %select_n3A_79, %select_n3A_27 : i32
        "tpu.trace_start"() <{level = 10 : i32, message = "ep_initialize_0"}> : () -> ()
        %rem3A = arith.constant 0 : i32
        %rem3A_81 = arith.constant 2 : i32
        %rem3A_82 = arith.remui %rem3A, %rem3A_81 : i32
        %mul3A_83 = arith.constant 128 : i32
        %mul3A_84 = arith.muli %mul3A_83, %add3A_54 : i32
        %dma_start3A = arith.constant 0 : i32
        %dma_start3A_85 = arith.constant 0 : i32
        %dma_start3A_86 = tpu.memref_slice %run_scoped3A[%rem3A_82, %dma_start3A, %dma_start3A_85] : memref<2x128x128xf32, #tpu.memory_space<vmem>> -> memref<1x128x128xf32, #tpu.memory_space<vmem>>
        %dma_start3A_87 = tpu.memref_squeeze %dma_start3A_86 : memref<1x128x128xf32, #tpu.memory_space<vmem>> -> memref<128x128xf32, #tpu.memory_space<vmem>>
        %dma_start3A_88 = arith.constant 0 : i32
        %dma_start3A_89 = tpu.memref_slice %arg2[%mul3A_84, %dma_start3A_88] : memref<320000x128xf32, #tpu.memory_space<hbm>> -> memref<128x128xf32, #tpu.memory_space<hbm>>
        %dma_start3A_90 = tpu.memref_slice %run_scoped3A_41[%rem3A_82] : memref<2x!tpu.dma_semaphore, #tpu.memory_space<semaphore_mem>> -> memref<1x!tpu.dma_semaphore, #tpu.memory_space<semaphore_mem>>
        %dma_start3A_91 = tpu.memref_squeeze %dma_start3A_90 : memref<1x!tpu.dma_semaphore, #tpu.memory_space<semaphore_mem>> -> memref<!tpu.dma_semaphore, #tpu.memory_space<semaphore_mem>>
        %dma_start3A_92 = arith.constant 0 : i32
        %dma_start3A_93 = arith.constant 0 : i32
        %dma_start3A_94 = tpu.memref_slice %run_scoped3A[%rem3A_82, %dma_start3A_92, %dma_start3A_93] : memref<2x128x128xf32, #tpu.memory_space<vmem>> -> memref<1x128x128xf32, #tpu.memory_space<vmem>>
        %dma_start3A_95 = tpu.memref_squeeze %dma_start3A_94 : memref<1x128x128xf32, #tpu.memory_space<vmem>> -> memref<128x128xf32, #tpu.memory_space<vmem>>
        %dma_start3A_96 = arith.constant 0 : i32
        %dma_start3A_97 = tpu.memref_slice %arg2[%mul3A_84, %dma_start3A_96] : memref<320000x128xf32, #tpu.memory_space<hbm>> -> memref<128x128xf32, #tpu.memory_space<hbm>>
        tpu.enqueue_dma source(%dma_start3A_97 : memref<128x128xf32, #tpu.memory_space<hbm>>) target(%dma_start3A_95 : memref<128x128xf32, #tpu.memory_space<vmem>>) target_semaphore(%dma_start3A_91 : memref<!tpu.dma_semaphore, #tpu.memory_space<semaphore_mem>>)
        %add3A_98 = arith.constant 0 : i32
        %add3A_99 = arith.constant 1 : i32
        %add3A_100 = arith.addi %add3A_98, %add3A_99 : i32
        %select_n3A_101 = arith.constant true
        %select_n3A_102 = arith.constant 0 : i32
        %select_n3A_103 = arith.select %select_n3A_101, %add3A_100, %select_n3A_102 : i32
        %rem3A_104 = arith.constant 0 : i32
        %rem3A_105 = arith.constant 2 : i32
        %rem3A_106 = arith.remui %rem3A_104, %rem3A_105 : i32
        %mul3A_107 = arith.constant 128 : i32
        %mul3A_108 = arith.muli %mul3A_107, %add3A_54 : i32
        %dma_start3A_109 = arith.constant 0 : i32
        %dma_start3A_110 = arith.constant 0 : i32
        %dma_start3A_111 = tpu.memref_slice %run_scoped3A_42[%rem3A_106, %dma_start3A_109, %dma_start3A_110] : memref<2x1x128xi32, #tpu.memory_space<vmem>> -> memref<1x1x128xi32, #tpu.memory_space<vmem>>
        %dma_start3A_112 = tpu.memref_squeeze %dma_start3A_111 : memref<1x1x128xi32, #tpu.memory_space<vmem>> -> memref<1x128xi32, #tpu.memory_space<vmem>>
        %dma_start3A_113 = arith.constant 0 : i32
        %dma_start3A_114 = tpu.memref_slice %arg3[%dma_start3A_113, %mul3A_108] : memref<1x320000xi32, #tpu.memory_space<hbm>> -> memref<1x128xi32, #tpu.memory_space<hbm>>
        %dma_start3A_115 = tpu.memref_slice %run_scoped3A_43[%rem3A_106] : memref<2x!tpu.dma_semaphore, #tpu.memory_space<semaphore_mem>> -> memref<1x!tpu.dma_semaphore, #tpu.memory_space<semaphore_mem>>
        %dma_start3A_116 = tpu.memref_squeeze %dma_start3A_115 : memref<1x!tpu.dma_semaphore, #tpu.memory_space<semaphore_mem>> -> memref<!tpu.dma_semaphore, #tpu.memory_space<semaphore_mem>>
        %dma_start3A_117 = arith.constant 0 : i32
        %dma_start3A_118 = arith.constant 0 : i32
        %dma_start3A_119 = tpu.memref_slice %run_scoped3A_42[%rem3A_106, %dma_start3A_117, %dma_start3A_118] : memref<2x1x128xi32, #tpu.memory_space<vmem>> -> memref<1x1x128xi32, #tpu.memory_space<vmem>>
        %dma_start3A_120 = tpu.memref_squeeze %dma_start3A_119 : memref<1x1x128xi32, #tpu.memory_space<vmem>> -> memref<1x128xi32, #tpu.memory_space<vmem>>
        %dma_start3A_121 = arith.constant 0 : i32
        %dma_start3A_122 = tpu.memref_slice %arg3[%dma_start3A_121, %mul3A_108] : memref<1x320000xi32, #tpu.memory_space<hbm>> -> memref<1x128xi32, #tpu.memory_space<hbm>>
        tpu.enqueue_dma source(%dma_start3A_122 : memref<1x128xi32, #tpu.memory_space<hbm>>) target(%dma_start3A_120 : memref<1x128xi32, #tpu.memory_space<vmem>>) target_semaphore(%dma_start3A_116 : memref<!tpu.dma_semaphore, #tpu.memory_space<semaphore_mem>>)
        %add3A_123 = arith.constant 0 : i32
        %add3A_124 = arith.constant 1 : i32
        %add3A_125 = arith.addi %add3A_123, %add3A_124 : i32
        %select_n3A_126 = arith.constant true
        %select_n3A_127 = arith.constant 0 : i32
        %select_n3A_128 = arith.select %select_n3A_126, %add3A_125, %select_n3A_127 : i32
        %while3A = arith.constant 0 : i32
        %while3A_129 = arith.constant 0 : i32
        %while3A_130 = arith.constant 0 : i32
        %while3A_131 = arith.constant 0 : i32
        "tpu.trace_stop"() : () -> ()
        %while3A_132 = arith.subi %mul3A_29, %while3A : i32
        %while3A_133 = arith.addi %while3A, %while3A_132 : i32
        %while3A_134 = arith.constant 1 : i32
        %while3A_135 = arith.divsi %while3A_132, %while3A_134 : i32
        %while3A_136 = arith.muli %while3A_135, %while3A_134 : i32
        %while3A_137 = arith.addi %while3A, %while3A_136 : i32
        %while3A_138 = arith.constant 1 : i32
        %while3A_139:5 = scf.for %while3A_193 = %while3A to %while3A_137 step %while3A_138 iter_args(%while3A_194 = %select_n3A_103, %while3A_195 = %while3A_129, %while3A_196 = %select_n3A_128, %while3A_197 = %while3A_130, %while3A_198 = %while3A_131) -> (i32, i32, i32, i32, i32)  : i32 {
          %mul3A_199 = arith.constant 1 : i32
          %mul3A_200 = arith.muli %mul3A_199, %select_n3A : i32
          %eq3A_201 = arith.constant 0 : i32
          %eq3A_202 = arith.cmpi eq, %while3A_193, %eq3A_201 : i32
          %sub3A_203 = arith.constant 1 : i32
          %sub3A_204 = arith.subi %mul3A_200, %sub3A_203 : i32
          %eq3A_205 = arith.cmpi eq, %while3A_193, %sub3A_204 : i32
          %add3A_206 = arith.addi %while3A_198, %select_n3A_27 : i32
          %sub3A_207 = arith.constant 1 : i32
          %sub3A_208 = arith.subi %while3A_198, %sub3A_207 : i32
          %select_n3A_209 = arith.constant true
          %select_n3A_210 = arith.select %select_n3A_209, %sub3A_208, %while3A_198 : i32
          %eq3A_211 = arith.constant -1 : i32
          %eq3A_212 = arith.cmpi eq, %select_n3A_210, %eq3A_211 : i32
          %sub3A_213 = arith.constant 1 : i32
          %sub3A_214 = arith.subi %select_n3A, %sub3A_213 : i32
          %select_n3A_215 = arith.select %eq3A_212, %sub3A_214, %select_n3A_210 : i32
          %add3A_216 = arith.addi %select_n3A_215, %select_n3A_27 : i32
          %add3A_217 = arith.constant 1 : i32
          %add3A_218 = arith.addi %while3A_198, %add3A_217 : i32
          %select_n3A_219 = arith.constant true
          %select_n3A_220 = arith.select %select_n3A_219, %add3A_218, %while3A_198 : i32
          %eq3A_221 = arith.cmpi eq, %select_n3A_220, %select_n3A : i32
          %select_n3A_222 = arith.constant 0 : i32
          %select_n3A_223 = arith.select %eq3A_221, %select_n3A_222, %select_n3A_220 : i32
          %add3A_224 = arith.addi %select_n3A_223, %select_n3A_27 : i32
          %add3A_225 = arith.constant 1 : i32
          %add3A_226 = arith.addi %select_n3A_223, %add3A_225 : i32
          %select_n3A_227 = arith.constant true
          %select_n3A_228 = arith.select %select_n3A_227, %add3A_226, %select_n3A_223 : i32
          %eq3A_229 = arith.cmpi eq, %select_n3A_228, %select_n3A : i32
          %select_n3A_230 = arith.constant 0 : i32
          %select_n3A_231 = arith.select %eq3A_229, %select_n3A_230, %select_n3A_228 : i32
          %add3A_232 = arith.addi %select_n3A_231, %select_n3A_27 : i32
          %ne3A = arith.cmpi ne, %add3A_206, %add3A_224 : i32
          %or3A = arith.constant false
          %or3A_233 = arith.ori %or3A, %ne3A : i1
          %or3A_234 = arith.constant false
          %or3A_235 = arith.ori %or3A_233, %or3A_234 : i1
          %sub3A_236 = arith.constant 2 : i32
          %sub3A_237 = arith.subi %mul3A_200, %sub3A_236 : i32
          %add3A_238 = arith.constant 1 : i32
          %add3A_239 = arith.addi %sub3A_237, %add3A_238 : i32
          %ge3A = arith.cmpi sge, %while3A_193, %add3A_239 : i32
          %not3A = arith.constant true
          %not3A_240 = arith.xori %ge3A, %not3A : i1
          %and3A = arith.andi %or3A_235, %not3A_240 : i1
          %convert_element_type3A_241 = arith.extui %and3A : i1 to i32
          %cond3A_242 = arith.constant 0 : i32
          %cond3A_243 = arith.cmpi ne, %convert_element_type3A_241, %cond3A_242 : i32
          scf.if %cond3A_243 {
            "tpu.trace_start"() <{level = 10 : i32, message = "ep_copy_in"}> : () -> ()
            %rem3A_356 = arith.constant 2 : i32
            %rem3A_357 = arith.remui %while3A_194, %rem3A_356 : i32
            %mul3A_358 = arith.constant 128 : i32
            %mul3A_359 = arith.muli %mul3A_358, %add3A_224 : i32
            %dma_start3A_360 = arith.constant 0 : i32
            %dma_start3A_361 = arith.constant 0 : i32
            %dma_start3A_362 = tpu.memref_slice %run_scoped3A[%rem3A_357, %dma_start3A_360, %dma_start3A_361] : memref<2x128x128xf32, #tpu.memory_space<vmem>> -> memref<1x128x128xf32, #tpu.memory_space<vmem>>
            %dma_start3A_363 = tpu.memref_squeeze %dma_start3A_362 : memref<1x128x128xf32, #tpu.memory_space<vmem>> -> memref<128x128xf32, #tpu.memory_space<vmem>>
            %dma_start3A_364 = arith.constant 0 : i32
            %dma_start3A_365 = tpu.memref_slice %arg2[%mul3A_359, %dma_start3A_364] : memref<320000x128xf32, #tpu.memory_space<hbm>> -> memref<128x128xf32, #tpu.memory_space<hbm>>
            %dma_start3A_366 = tpu.memref_slice %run_scoped3A_41[%rem3A_357] : memref<2x!tpu.dma_semaphore, #tpu.memory_space<semaphore_mem>> -> memref<1x!tpu.dma_semaphore, #tpu.memory_space<semaphore_mem>>
            %dma_start3A_367 = tpu.memref_squeeze %dma_start3A_366 : memref<1x!tpu.dma_semaphore, #tpu.memory_space<semaphore_mem>> -> memref<!tpu.dma_semaphore, #tpu.memory_space<semaphore_mem>>
            %dma_start3A_368 = arith.constant 0 : i32
            %dma_start3A_369 = arith.constant 0 : i32
            %dma_start3A_370 = tpu.memref_slice %run_scoped3A[%rem3A_357, %dma_start3A_368, %dma_start3A_369] : memref<2x128x128xf32, #tpu.memory_space<vmem>> -> memref<1x128x128xf32, #tpu.memory_space<vmem>>
            %dma_start3A_371 = tpu.memref_squeeze %dma_start3A_370 : memref<1x128x128xf32, #tpu.memory_space<vmem>> -> memref<128x128xf32, #tpu.memory_space<vmem>>
            %dma_start3A_372 = arith.constant 0 : i32
            %dma_start3A_373 = tpu.memref_slice %arg2[%mul3A_359, %dma_start3A_372] : memref<320000x128xf32, #tpu.memory_space<hbm>> -> memref<128x128xf32, #tpu.memory_space<hbm>>
            tpu.enqueue_dma source(%dma_start3A_373 : memref<128x128xf32, #tpu.memory_space<hbm>>) target(%dma_start3A_371 : memref<128x128xf32, #tpu.memory_space<vmem>>) target_semaphore(%dma_start3A_367 : memref<!tpu.dma_semaphore, #tpu.memory_space<semaphore_mem>>)
            "tpu.trace_stop"() : () -> ()
          } else {
          }
          %and3A_244 = arith.constant true
          %and3A_245 = arith.andi %and3A, %and3A_244 : i1
          %add3A_246 = arith.constant 1 : i32
          %add3A_247 = arith.addi %while3A_194, %add3A_246 : i32
          %select_n3A_248 = arith.select %and3A_245, %add3A_247, %while3A_194 : i32
          %ne3A_249 = arith.cmpi ne, %add3A_206, %add3A_224 : i32
          %or3A_250 = arith.constant false
          %or3A_251 = arith.ori %or3A_250, %ne3A_249 : i1
          %sub3A_252 = arith.constant 2 : i32
          %sub3A_253 = arith.subi %mul3A_200, %sub3A_252 : i32
          %add3A_254 = arith.constant 1 : i32
          %add3A_255 = arith.addi %sub3A_253, %add3A_254 : i32
          %ge3A_256 = arith.cmpi sge, %while3A_193, %add3A_255 : i32
          %not3A_257 = arith.constant true
          %not3A_258 = arith.xori %ge3A_256, %not3A_257 : i1
          %and3A_259 = arith.andi %or3A_251, %not3A_258 : i1
          %convert_element_type3A_260 = arith.extui %and3A_259 : i1 to i32
          %cond3A_261 = arith.constant 0 : i32
          %cond3A_262 = arith.cmpi ne, %convert_element_type3A_260, %cond3A_261 : i32
          scf.if %cond3A_262 {
            "tpu.trace_start"() <{level = 10 : i32, message = "ep_copy_in"}> : () -> ()
            %rem3A_356 = arith.constant 2 : i32
            %rem3A_357 = arith.remui %while3A_196, %rem3A_356 : i32
            %mul3A_358 = arith.constant 128 : i32
            %mul3A_359 = arith.muli %mul3A_358, %add3A_224 : i32
            %dma_start3A_360 = arith.constant 0 : i32
            %dma_start3A_361 = arith.constant 0 : i32
            %dma_start3A_362 = tpu.memref_slice %run_scoped3A_42[%rem3A_357, %dma_start3A_360, %dma_start3A_361] : memref<2x1x128xi32, #tpu.memory_space<vmem>> -> memref<1x1x128xi32, #tpu.memory_space<vmem>>
            %dma_start3A_363 = tpu.memref_squeeze %dma_start3A_362 : memref<1x1x128xi32, #tpu.memory_space<vmem>> -> memref<1x128xi32, #tpu.memory_space<vmem>>
            %dma_start3A_364 = arith.constant 0 : i32
            %dma_start3A_365 = tpu.memref_slice %arg3[%dma_start3A_364, %mul3A_359] : memref<1x320000xi32, #tpu.memory_space<hbm>> -> memref<1x128xi32, #tpu.memory_space<hbm>>
            %dma_start3A_366 = tpu.memref_slice %run_scoped3A_43[%rem3A_357] : memref<2x!tpu.dma_semaphore, #tpu.memory_space<semaphore_mem>> -> memref<1x!tpu.dma_semaphore, #tpu.memory_space<semaphore_mem>>
            %dma_start3A_367 = tpu.memref_squeeze %dma_start3A_366 : memref<1x!tpu.dma_semaphore, #tpu.memory_space<semaphore_mem>> -> memref<!tpu.dma_semaphore, #tpu.memory_space<semaphore_mem>>
            %dma_start3A_368 = arith.constant 0 : i32
            %dma_start3A_369 = arith.constant 0 : i32
            %dma_start3A_370 = tpu.memref_slice %run_scoped3A_42[%rem3A_357, %dma_start3A_368, %dma_start3A_369] : memref<2x1x128xi32, #tpu.memory_space<vmem>> -> memref<1x1x128xi32, #tpu.memory_space<vmem>>
            %dma_start3A_371 = tpu.memref_squeeze %dma_start3A_370 : memref<1x1x128xi32, #tpu.memory_space<vmem>> -> memref<1x128xi32, #tpu.memory_space<vmem>>
            %dma_start3A_372 = arith.constant 0 : i32
            %dma_start3A_373 = tpu.memref_slice %arg3[%dma_start3A_372, %mul3A_359] : memref<1x320000xi32, #tpu.memory_space<hbm>> -> memref<1x128xi32, #tpu.memory_space<hbm>>
            tpu.enqueue_dma source(%dma_start3A_373 : memref<1x128xi32, #tpu.memory_space<hbm>>) target(%dma_start3A_371 : memref<1x128xi32, #tpu.memory_space<vmem>>) target_semaphore(%dma_start3A_367 : memref<!tpu.dma_semaphore, #tpu.memory_space<semaphore_mem>>)
            "tpu.trace_stop"() : () -> ()
          } else {
          }
          %and3A_263 = arith.constant true
          %and3A_264 = arith.andi %and3A_259, %and3A_263 : i1
          %add3A_265 = arith.constant 1 : i32
          %add3A_266 = arith.addi %while3A_196, %add3A_265 : i32
          %select_n3A_267 = arith.select %and3A_264, %add3A_266, %while3A_196 : i32
          %ne3A_268 = arith.cmpi ne, %add3A_206, %add3A_216 : i32
          %or3A_269 = arith.constant false
          %or3A_270 = arith.ori %or3A_269, %ne3A_268 : i1
          %or3A_271 = arith.constant false
          %or3A_272 = arith.ori %or3A_270, %or3A_271 : i1
          %or3A_273 = arith.ori %or3A_272, %eq3A_202 : i1
          %convert_element_type3A_274 = arith.extui %or3A_273 : i1 to i32
          %cond3A_275 = arith.constant 0 : i32
          %cond3A_276 = arith.cmpi ne, %convert_element_type3A_274, %cond3A_275 : i32
          scf.if %cond3A_276 {
            "tpu.trace_start"() <{level = 10 : i32, message = "ep_wait_in"}> : () -> ()
            %mul3A_356 = arith.constant 128 : i32
            %mul3A_357 = arith.muli %mul3A_356, %add3A_206 : i32
            %rem3A_358 = arith.constant 2 : i32
            %rem3A_359 = arith.remui %while3A_195, %rem3A_358 : i32
            %dma_wait3A = arith.constant 0 : i32
            %dma_wait3A_360 = arith.constant 0 : i32
            %dma_wait3A_361 = tpu.memref_slice %run_scoped3A[%rem3A_359, %dma_wait3A, %dma_wait3A_360] : memref<2x128x128xf32, #tpu.memory_space<vmem>> -> memref<1x128x128xf32, #tpu.memory_space<vmem>>
            %dma_wait3A_362 = tpu.memref_squeeze %dma_wait3A_361 : memref<1x128x128xf32, #tpu.memory_space<vmem>> -> memref<128x128xf32, #tpu.memory_space<vmem>>
            %dma_wait3A_363 = arith.constant 0 : i32
            %dma_wait3A_364 = tpu.memref_slice %arg2[%mul3A_357, %dma_wait3A_363] : memref<320000x128xf32, #tpu.memory_space<hbm>> -> memref<128x128xf32, #tpu.memory_space<hbm>>
            %dma_wait3A_365 = tpu.memref_slice %run_scoped3A_41[%rem3A_359] : memref<2x!tpu.dma_semaphore, #tpu.memory_space<semaphore_mem>> -> memref<1x!tpu.dma_semaphore, #tpu.memory_space<semaphore_mem>>
            %dma_wait3A_366 = tpu.memref_squeeze %dma_wait3A_365 : memref<1x!tpu.dma_semaphore, #tpu.memory_space<semaphore_mem>> -> memref<!tpu.dma_semaphore, #tpu.memory_space<semaphore_mem>>
            %dma_wait3A_367 = arith.constant 0 : i32
            %dma_wait3A_368 = arith.constant 0 : i32
            %dma_wait3A_369 = tpu.memref_slice %run_scoped3A[%rem3A_359, %dma_wait3A_367, %dma_wait3A_368] : memref<2x128x128xf32, #tpu.memory_space<vmem>> -> memref<1x128x128xf32, #tpu.memory_space<vmem>>
            %dma_wait3A_370 = tpu.memref_squeeze %dma_wait3A_369 : memref<1x128x128xf32, #tpu.memory_space<vmem>> -> memref<128x128xf32, #tpu.memory_space<vmem>>
            %dma_wait3A_371 = arith.constant 0 : i32
            %dma_wait3A_372 = tpu.memref_slice %arg2[%mul3A_357, %dma_wait3A_371] : memref<320000x128xf32, #tpu.memory_space<hbm>> -> memref<128x128xf32, #tpu.memory_space<hbm>>
            tpu.wait_dma2 semaphore(%dma_wait3A_366 : memref<!tpu.dma_semaphore, #tpu.memory_space<semaphore_mem>>) src(%dma_wait3A_372 : memref<128x128xf32, #tpu.memory_space<hbm>>) dst(%dma_wait3A_370 : memref<128x128xf32, #tpu.memory_space<vmem>>)
            "tpu.trace_stop"() : () -> ()
          } else {
          }
          %ne3A_277 = arith.cmpi ne, %add3A_206, %add3A_216 : i32
          %or3A_278 = arith.constant false
          %or3A_279 = arith.ori %or3A_278, %ne3A_277 : i1
          %or3A_280 = arith.ori %or3A_279, %eq3A_202 : i1
          %convert_element_type3A_281 = arith.extui %or3A_280 : i1 to i32
          %cond3A_282 = arith.constant 0 : i32
          %cond3A_283 = arith.cmpi ne, %convert_element_type3A_281, %cond3A_282 : i32
          scf.if %cond3A_283 {
            "tpu.trace_start"() <{level = 10 : i32, message = "ep_wait_in"}> : () -> ()
            %mul3A_356 = arith.constant 128 : i32
            %mul3A_357 = arith.muli %mul3A_356, %add3A_206 : i32
            %rem3A_358 = arith.constant 2 : i32
            %rem3A_359 = arith.remui %while3A_197, %rem3A_358 : i32
            %dma_wait3A = arith.constant 0 : i32
            %dma_wait3A_360 = arith.constant 0 : i32
            %dma_wait3A_361 = tpu.memref_slice %run_scoped3A_42[%rem3A_359, %dma_wait3A, %dma_wait3A_360] : memref<2x1x128xi32, #tpu.memory_space<vmem>> -> memref<1x1x128xi32, #tpu.memory_space<vmem>>
            %dma_wait3A_362 = tpu.memref_squeeze %dma_wait3A_361 : memref<1x1x128xi32, #tpu.memory_space<vmem>> -> memref<1x128xi32, #tpu.memory_space<vmem>>
            %dma_wait3A_363 = arith.constant 0 : i32
            %dma_wait3A_364 = tpu.memref_slice %arg3[%dma_wait3A_363, %mul3A_357] : memref<1x320000xi32, #tpu.memory_space<hbm>> -> memref<1x128xi32, #tpu.memory_space<hbm>>
            %dma_wait3A_365 = tpu.memref_slice %run_scoped3A_43[%rem3A_359] : memref<2x!tpu.dma_semaphore, #tpu.memory_space<semaphore_mem>> -> memref<1x!tpu.dma_semaphore, #tpu.memory_space<semaphore_mem>>
            %dma_wait3A_366 = tpu.memref_squeeze %dma_wait3A_365 : memref<1x!tpu.dma_semaphore, #tpu.memory_space<semaphore_mem>> -> memref<!tpu.dma_semaphore, #tpu.memory_space<semaphore_mem>>
            %dma_wait3A_367 = arith.constant 0 : i32
            %dma_wait3A_368 = arith.constant 0 : i32
            %dma_wait3A_369 = tpu.memref_slice %run_scoped3A_42[%rem3A_359, %dma_wait3A_367, %dma_wait3A_368] : memref<2x1x128xi32, #tpu.memory_space<vmem>> -> memref<1x1x128xi32, #tpu.memory_space<vmem>>
            %dma_wait3A_370 = tpu.memref_squeeze %dma_wait3A_369 : memref<1x1x128xi32, #tpu.memory_space<vmem>> -> memref<1x128xi32, #tpu.memory_space<vmem>>
            %dma_wait3A_371 = arith.constant 0 : i32
            %dma_wait3A_372 = tpu.memref_slice %arg3[%dma_wait3A_371, %mul3A_357] : memref<1x320000xi32, #tpu.memory_space<hbm>> -> memref<1x128xi32, #tpu.memory_space<hbm>>
            tpu.wait_dma2 semaphore(%dma_wait3A_366 : memref<!tpu.dma_semaphore, #tpu.memory_space<semaphore_mem>>) src(%dma_wait3A_372 : memref<1x128xi32, #tpu.memory_space<hbm>>) dst(%dma_wait3A_370 : memref<1x128xi32, #tpu.memory_space<vmem>>)
            "tpu.trace_stop"() : () -> ()
          } else {
          }
          %rem3A_284 = arith.constant 2 : i32
          %rem3A_285 = arith.remui %while3A_195, %rem3A_284 : i32
          %rem3A_286 = arith.constant 2 : i32
          %rem3A_287 = arith.remui %while3A_197, %rem3A_286 : i32
          %run_scoped3A_288 = arith.constant 0 : i32
          "tpu.trace_start"() <{level = 10 : i32, message = "ep_run_kernel"}> : () -> ()
          "tpu.region"() ({
            %run_scoped3A_356 = tpu.sem_alloc : memref<!tpu.dma_semaphore, #tpu.memory_space<semaphore_mem>>
            %dma_start3A_357 = arith.constant 0 : i32
            %dma_start3A_358 = arith.constant 0 : i32
            %dma_start3A_359 = tpu.memref_slice %run_scoped3A[%rem3A_285, %dma_start3A_357, %dma_start3A_358] : memref<2x128x128xf32, #tpu.memory_space<vmem>> -> memref<1x128x128xf32, #tpu.memory_space<vmem>>
            %dma_start3A_360 = tpu.memref_squeeze %dma_start3A_359 : memref<1x128x128xf32, #tpu.memory_space<vmem>> -> memref<128x128xf32, #tpu.memory_space<vmem>>
            %dma_start3A_361 = arith.constant 0 : i32
            %dma_start3A_362 = arith.constant 0 : i32
            %dma_start3A_363 = tpu.memref_slice %run_scoped3A_42[%rem3A_287, %dma_start3A_361, %dma_start3A_362] : memref<2x1x128xi32, #tpu.memory_space<vmem>> -> memref<1x1x128xi32, #tpu.memory_space<vmem>>
            %dma_start3A_364 = tpu.memref_squeeze %dma_start3A_363 : memref<1x1x128xi32, #tpu.memory_space<vmem>> -> memref<1x128xi32, #tpu.memory_space<vmem>>
            %dma_start3A_365 = arith.constant 0 : i32
            %dma_start3A_366 = tpu.memref_slice %dma_start3A_364[%run_scoped3A_288, %dma_start3A_365] : memref<1x128xi32, #tpu.memory_space<vmem>> -> memref<1x128xi32, #tpu.memory_space<vmem>>
            %dma_start3A_367 = tpu.memref_squeeze %dma_start3A_366 : memref<1x128xi32, #tpu.memory_space<vmem>> -> memref<128xi32, #tpu.memory_space<vmem>>
            %dma_start3A_368 = arith.constant 0 : i32
            %dma_start3A_369 = arith.constant 0 : i32
            %dma_start3A_370 = tpu.memref_slice %arg5[%dma_start3A_368, %dma_start3A_369] : memref<10000x128xf32, #tpu.memory_space<vmem_shared>> -> memref<10000x128xf32, #tpu.memory_space<vmem_shared>>
            tpu.enqueue_indirect_dma source(%dma_start3A_360 : memref<128x128xf32, #tpu.memory_space<vmem>>) target(%dma_start3A_370 : memref<10000x128xf32, #tpu.memory_space<vmem_shared>>) offsets(%dma_start3A_367 : memref<128xi32, #tpu.memory_space<vmem>>) semaphore(%run_scoped3A_356 : memref<!tpu.dma_semaphore, #tpu.memory_space<semaphore_mem>>) {add = true}
            %dma_wait3A = arith.constant 0 : i32
            %dma_wait3A_371 = arith.constant 0 : i32
            %dma_wait3A_372 = tpu.memref_slice %run_scoped3A[%rem3A_285, %dma_wait3A, %dma_wait3A_371] : memref<2x128x128xf32, #tpu.memory_space<vmem>> -> memref<1x128x128xf32, #tpu.memory_space<vmem>>
            %dma_wait3A_373 = tpu.memref_squeeze %dma_wait3A_372 : memref<1x128x128xf32, #tpu.memory_space<vmem>> -> memref<128x128xf32, #tpu.memory_space<vmem>>
            %dma_wait3A_374 = arith.constant 0 : i32
            %dma_wait3A_375 = arith.constant 0 : i32
            %dma_wait3A_376 = tpu.memref_slice %run_scoped3A_42[%rem3A_287, %dma_wait3A_374, %dma_wait3A_375] : memref<2x1x128xi32, #tpu.memory_space<vmem>> -> memref<1x1x128xi32, #tpu.memory_space<vmem>>
            %dma_wait3A_377 = tpu.memref_squeeze %dma_wait3A_376 : memref<1x1x128xi32, #tpu.memory_space<vmem>> -> memref<1x128xi32, #tpu.memory_space<vmem>>
            %dma_wait3A_378 = arith.constant 0 : i32
            %dma_wait3A_379 = tpu.memref_slice %dma_wait3A_377[%run_scoped3A_288, %dma_wait3A_378] : memref<1x128xi32, #tpu.memory_space<vmem>> -> memref<1x128xi32, #tpu.memory_space<vmem>>
            %dma_wait3A_380 = tpu.memref_squeeze %dma_wait3A_379 : memref<1x128xi32, #tpu.memory_space<vmem>> -> memref<128xi32, #tpu.memory_space<vmem>>
            %dma_wait3A_381 = arith.constant 0 : i32
            %dma_wait3A_382 = arith.constant 0 : i32
            %dma_wait3A_383 = tpu.memref_slice %arg5[%dma_wait3A_381, %dma_wait3A_382] : memref<10000x128xf32, #tpu.memory_space<vmem_shared>> -> memref<10000x128xf32, #tpu.memory_space<vmem_shared>>
            tpu.wait_indirect_dma semaphore(%run_scoped3A_356 : memref<!tpu.dma_semaphore, #tpu.memory_space<semaphore_mem>>) src(%dma_wait3A_373 : memref<128x128xf32, #tpu.memory_space<vmem>>) dst(%dma_wait3A_383 : memref<10000x128xf32, #tpu.memory_space<vmem_shared>>)
            tpu.yield
          }) : () -> ()
          "tpu.trace_stop"() : () -> ()
          %ne3A_289 = arith.cmpi ne, %add3A_206, %add3A_224 : i32
          %or3A_290 = arith.constant false
          %or3A_291 = arith.ori %or3A_290, %ne3A_289 : i1
          %or3A_292 = arith.constant false
          %or3A_293 = arith.ori %or3A_291, %or3A_292 : i1
          %or3A_294 = arith.ori %or3A_293, %eq3A_205 : i1
          %convert_element_type3A_295 = arith.extui %or3A_294 : i1 to i32
          %cond3A_296 = arith.constant 0 : i32
          %cond3A_297 = arith.cmpi ne, %convert_element_type3A_295, %cond3A_296 : i32
          scf.if %cond3A_297 {
          } else {
          }
          %and3A_298 = arith.constant false
          %and3A_299 = arith.andi %or3A_294, %and3A_298 : i1
          %ne3A_300 = arith.cmpi ne, %add3A_206, %add3A_224 : i32
          %or3A_301 = arith.constant false
          %or3A_302 = arith.ori %or3A_301, %ne3A_300 : i1
          %or3A_303 = arith.ori %or3A_302, %eq3A_205 : i1
          %convert_element_type3A_304 = arith.extui %or3A_303 : i1 to i32
          %cond3A_305 = arith.constant 0 : i32
          %cond3A_306 = arith.cmpi ne, %convert_element_type3A_304, %cond3A_305 : i32
          scf.if %cond3A_306 {
          } else {
          }
          %and3A_307 = arith.constant false
          %and3A_308 = arith.andi %or3A_303, %and3A_307 : i1
          %ne3A_309 = arith.cmpi ne, %add3A_206, %add3A_216 : i32
          %or3A_310 = arith.constant false
          %or3A_311 = arith.ori %or3A_310, %ne3A_309 : i1
          %or3A_312 = arith.constant false
          %or3A_313 = arith.ori %or3A_311, %or3A_312 : i1
          %not3A_314 = arith.constant true
          %not3A_315 = arith.xori %eq3A_202, %not3A_314 : i1
          %and3A_316 = arith.andi %or3A_313, %not3A_315 : i1
          %convert_element_type3A_317 = arith.extui %and3A_316 : i1 to i32
          %cond3A_318 = arith.constant 0 : i32
          %cond3A_319 = arith.cmpi ne, %convert_element_type3A_317, %cond3A_318 : i32
          scf.if %cond3A_319 {
          } else {
          }
          %and3A_320 = arith.constant false
          %and3A_321 = arith.andi %and3A_316, %and3A_320 : i1
          %ne3A_322 = arith.cmpi ne, %add3A_206, %add3A_216 : i32
          %or3A_323 = arith.constant false
          %or3A_324 = arith.ori %or3A_323, %ne3A_322 : i1
          %not3A_325 = arith.constant true
          %not3A_326 = arith.xori %eq3A_202, %not3A_325 : i1
          %and3A_327 = arith.andi %or3A_324, %not3A_326 : i1
          %convert_element_type3A_328 = arith.extui %and3A_327 : i1 to i32
          %cond3A_329 = arith.constant 0 : i32
          %cond3A_330 = arith.cmpi ne, %convert_element_type3A_328, %cond3A_329 : i32
          scf.if %cond3A_330 {
          } else {
          }
          %and3A_331 = arith.constant false
          %and3A_332 = arith.andi %and3A_327, %and3A_331 : i1
          %ne3A_333 = arith.cmpi ne, %add3A_206, %add3A_224 : i32
          %or3A_334 = arith.constant false
          %or3A_335 = arith.ori %or3A_334, %ne3A_333 : i1
          %or3A_336 = arith.constant false
          %or3A_337 = arith.ori %or3A_335, %or3A_336 : i1
          %or3A_338 = arith.ori %or3A_337, %eq3A_205 : i1
          %add3A_339 = arith.constant 1 : i32
          %add3A_340 = arith.addi %while3A_195, %add3A_339 : i32
          %select_n3A_341 = arith.select %or3A_338, %add3A_340, %while3A_195 : i32
          %ne3A_342 = arith.cmpi ne, %add3A_206, %add3A_224 : i32
          %or3A_343 = arith.constant false
          %or3A_344 = arith.ori %or3A_343, %ne3A_342 : i1
          %or3A_345 = arith.ori %or3A_344, %eq3A_205 : i1
          %add3A_346 = arith.constant 1 : i32
          %add3A_347 = arith.addi %while3A_197, %add3A_346 : i32
          %select_n3A_348 = arith.select %or3A_345, %add3A_347, %while3A_197 : i32
          %add3A_349 = arith.constant 1 : i32
          %add3A_350 = arith.addi %while3A_198, %add3A_349 : i32
          %select_n3A_351 = arith.constant true
          %select_n3A_352 = arith.select %select_n3A_351, %add3A_350, %while3A_198 : i32
          %eq3A_353 = arith.cmpi eq, %select_n3A_352, %select_n3A : i32
          %select_n3A_354 = arith.constant 0 : i32
          %select_n3A_355 = arith.select %eq3A_353, %select_n3A_354, %select_n3A_352 : i32
          scf.yield %select_n3A_248, %select_n3A_341, %select_n3A_267, %select_n3A_348, %select_n3A_355 : i32, i32, i32, i32, i32
        }
        %while3A_140 = arith.constant 1 : i32
        %while3A_141:5 = scf.for %while3A_193 = %while3A_137 to %while3A_133 step %while3A_140 iter_args(%while3A_194 = %while3A_139#0, %while3A_195 = %while3A_139#1, %while3A_196 = %while3A_139#2, %while3A_197 = %while3A_139#3, %while3A_198 = %while3A_139#4) -> (i32, i32, i32, i32, i32)  : i32 {
          %mul3A_199 = arith.constant 1 : i32
          %mul3A_200 = arith.muli %mul3A_199, %select_n3A : i32
          %eq3A_201 = arith.constant 0 : i32
          %eq3A_202 = arith.cmpi eq, %while3A_193, %eq3A_201 : i32
          %sub3A_203 = arith.constant 1 : i32
          %sub3A_204 = arith.subi %mul3A_200, %sub3A_203 : i32
          %eq3A_205 = arith.cmpi eq, %while3A_193, %sub3A_204 : i32
          %add3A_206 = arith.addi %while3A_198, %select_n3A_27 : i32
          %sub3A_207 = arith.constant 1 : i32
          %sub3A_208 = arith.subi %while3A_198, %sub3A_207 : i32
          %select_n3A_209 = arith.constant true
          %select_n3A_210 = arith.select %select_n3A_209, %sub3A_208, %while3A_198 : i32
          %eq3A_211 = arith.constant -1 : i32
          %eq3A_212 = arith.cmpi eq, %select_n3A_210, %eq3A_211 : i32
          %sub3A_213 = arith.constant 1 : i32
          %sub3A_214 = arith.subi %select_n3A, %sub3A_213 : i32
          %select_n3A_215 = arith.select %eq3A_212, %sub3A_214, %select_n3A_210 : i32
          %add3A_216 = arith.addi %select_n3A_215, %select_n3A_27 : i32
          %add3A_217 = arith.constant 1 : i32
          %add3A_218 = arith.addi %while3A_198, %add3A_217 : i32
          %select_n3A_219 = arith.constant true
          %select_n3A_220 = arith.select %select_n3A_219, %add3A_218, %while3A_198 : i32
          %eq3A_221 = arith.cmpi eq, %select_n3A_220, %select_n3A : i32
          %select_n3A_222 = arith.constant 0 : i32
          %select_n3A_223 = arith.select %eq3A_221, %select_n3A_222, %select_n3A_220 : i32
          %add3A_224 = arith.addi %select_n3A_223, %select_n3A_27 : i32
          %add3A_225 = arith.constant 1 : i32
          %add3A_226 = arith.addi %select_n3A_223, %add3A_225 : i32
          %select_n3A_227 = arith.constant true
          %select_n3A_228 = arith.select %select_n3A_227, %add3A_226, %select_n3A_223 : i32
          %eq3A_229 = arith.cmpi eq, %select_n3A_228, %select_n3A : i32
          %select_n3A_230 = arith.constant 0 : i32
          %select_n3A_231 = arith.select %eq3A_229, %select_n3A_230, %select_n3A_228 : i32
          %add3A_232 = arith.addi %select_n3A_231, %select_n3A_27 : i32
          %ne3A = arith.cmpi ne, %add3A_206, %add3A_224 : i32
          %or3A = arith.constant false
          %or3A_233 = arith.ori %or3A, %ne3A : i1
          %or3A_234 = arith.constant false
          %or3A_235 = arith.ori %or3A_233, %or3A_234 : i1
          %sub3A_236 = arith.constant 2 : i32
          %sub3A_237 = arith.subi %mul3A_200, %sub3A_236 : i32
          %add3A_238 = arith.constant 1 : i32
          %add3A_239 = arith.addi %sub3A_237, %add3A_238 : i32
          %ge3A = arith.cmpi sge, %while3A_193, %add3A_239 : i32
          %not3A = arith.constant true
          %not3A_240 = arith.xori %ge3A, %not3A : i1
          %and3A = arith.andi %or3A_235, %not3A_240 : i1
          %convert_element_type3A_241 = arith.extui %and3A : i1 to i32
          %cond3A_242 = arith.constant 0 : i32
          %cond3A_243 = arith.cmpi ne, %convert_element_type3A_241, %cond3A_242 : i32
          scf.if %cond3A_243 {
            "tpu.trace_start"() <{level = 10 : i32, message = "ep_copy_in"}> : () -> ()
            %rem3A_356 = arith.constant 2 : i32
            %rem3A_357 = arith.remui %while3A_194, %rem3A_356 : i32
            %mul3A_358 = arith.constant 128 : i32
            %mul3A_359 = arith.muli %mul3A_358, %add3A_224 : i32
            %dma_start3A_360 = arith.constant 0 : i32
            %dma_start3A_361 = arith.constant 0 : i32
            %dma_start3A_362 = tpu.memref_slice %run_scoped3A[%rem3A_357, %dma_start3A_360, %dma_start3A_361] : memref<2x128x128xf32, #tpu.memory_space<vmem>> -> memref<1x128x128xf32, #tpu.memory_space<vmem>>
            %dma_start3A_363 = tpu.memref_squeeze %dma_start3A_362 : memref<1x128x128xf32, #tpu.memory_space<vmem>> -> memref<128x128xf32, #tpu.memory_space<vmem>>
            %dma_start3A_364 = arith.constant 0 : i32
            %dma_start3A_365 = tpu.memref_slice %arg2[%mul3A_359, %dma_start3A_364] : memref<320000x128xf32, #tpu.memory_space<hbm>> -> memref<128x128xf32, #tpu.memory_space<hbm>>
            %dma_start3A_366 = tpu.memref_slice %run_scoped3A_41[%rem3A_357] : memref<2x!tpu.dma_semaphore, #tpu.memory_space<semaphore_mem>> -> memref<1x!tpu.dma_semaphore, #tpu.memory_space<semaphore_mem>>
            %dma_start3A_367 = tpu.memref_squeeze %dma_start3A_366 : memref<1x!tpu.dma_semaphore, #tpu.memory_space<semaphore_mem>> -> memref<!tpu.dma_semaphore, #tpu.memory_space<semaphore_mem>>
            %dma_start3A_368 = arith.constant 0 : i32
            %dma_start3A_369 = arith.constant 0 : i32
            %dma_start3A_370 = tpu.memref_slice %run_scoped3A[%rem3A_357, %dma_start3A_368, %dma_start3A_369] : memref<2x128x128xf32, #tpu.memory_space<vmem>> -> memref<1x128x128xf32, #tpu.memory_space<vmem>>
            %dma_start3A_371 = tpu.memref_squeeze %dma_start3A_370 : memref<1x128x128xf32, #tpu.memory_space<vmem>> -> memref<128x128xf32, #tpu.memory_space<vmem>>
            %dma_start3A_372 = arith.constant 0 : i32
            %dma_start3A_373 = tpu.memref_slice %arg2[%mul3A_359, %dma_start3A_372] : memref<320000x128xf32, #tpu.memory_space<hbm>> -> memref<128x128xf32, #tpu.memory_space<hbm>>
            tpu.enqueue_dma source(%dma_start3A_373 : memref<128x128xf32, #tpu.memory_space<hbm>>) target(%dma_start3A_371 : memref<128x128xf32, #tpu.memory_space<vmem>>) target_semaphore(%dma_start3A_367 : memref<!tpu.dma_semaphore, #tpu.memory_space<semaphore_mem>>)
            "tpu.trace_stop"() : () -> ()
          } else {
          }
          %and3A_244 = arith.constant true
          %and3A_245 = arith.andi %and3A, %and3A_244 : i1
          %add3A_246 = arith.constant 1 : i32
          %add3A_247 = arith.addi %while3A_194, %add3A_246 : i32
          %select_n3A_248 = arith.select %and3A_245, %add3A_247, %while3A_194 : i32
          %ne3A_249 = arith.cmpi ne, %add3A_206, %add3A_224 : i32
          %or3A_250 = arith.constant false
          %or3A_251 = arith.ori %or3A_250, %ne3A_249 : i1
          %sub3A_252 = arith.constant 2 : i32
          %sub3A_253 = arith.subi %mul3A_200, %sub3A_252 : i32
          %add3A_254 = arith.constant 1 : i32
          %add3A_255 = arith.addi %sub3A_253, %add3A_254 : i32
          %ge3A_256 = arith.cmpi sge, %while3A_193, %add3A_255 : i32
          %not3A_257 = arith.constant true
          %not3A_258 = arith.xori %ge3A_256, %not3A_257 : i1
          %and3A_259 = arith.andi %or3A_251, %not3A_258 : i1
          %convert_element_type3A_260 = arith.extui %and3A_259 : i1 to i32
          %cond3A_261 = arith.constant 0 : i32
          %cond3A_262 = arith.cmpi ne, %convert_element_type3A_260, %cond3A_261 : i32
          scf.if %cond3A_262 {
            "tpu.trace_start"() <{level = 10 : i32, message = "ep_copy_in"}> : () -> ()
            %rem3A_356 = arith.constant 2 : i32
            %rem3A_357 = arith.remui %while3A_196, %rem3A_356 : i32
            %mul3A_358 = arith.constant 128 : i32
            %mul3A_359 = arith.muli %mul3A_358, %add3A_224 : i32
            %dma_start3A_360 = arith.constant 0 : i32
            %dma_start3A_361 = arith.constant 0 : i32
            %dma_start3A_362 = tpu.memref_slice %run_scoped3A_42[%rem3A_357, %dma_start3A_360, %dma_start3A_361] : memref<2x1x128xi32, #tpu.memory_space<vmem>> -> memref<1x1x128xi32, #tpu.memory_space<vmem>>
            %dma_start3A_363 = tpu.memref_squeeze %dma_start3A_362 : memref<1x1x128xi32, #tpu.memory_space<vmem>> -> memref<1x128xi32, #tpu.memory_space<vmem>>
            %dma_start3A_364 = arith.constant 0 : i32
            %dma_start3A_365 = tpu.memref_slice %arg3[%dma_start3A_364, %mul3A_359] : memref<1x320000xi32, #tpu.memory_space<hbm>> -> memref<1x128xi32, #tpu.memory_space<hbm>>
            %dma_start3A_366 = tpu.memref_slice %run_scoped3A_43[%rem3A_357] : memref<2x!tpu.dma_semaphore, #tpu.memory_space<semaphore_mem>> -> memref<1x!tpu.dma_semaphore, #tpu.memory_space<semaphore_mem>>
            %dma_start3A_367 = tpu.memref_squeeze %dma_start3A_366 : memref<1x!tpu.dma_semaphore, #tpu.memory_space<semaphore_mem>> -> memref<!tpu.dma_semaphore, #tpu.memory_space<semaphore_mem>>
            %dma_start3A_368 = arith.constant 0 : i32
            %dma_start3A_369 = arith.constant 0 : i32
            %dma_start3A_370 = tpu.memref_slice %run_scoped3A_42[%rem3A_357, %dma_start3A_368, %dma_start3A_369] : memref<2x1x128xi32, #tpu.memory_space<vmem>> -> memref<1x1x128xi32, #tpu.memory_space<vmem>>
            %dma_start3A_371 = tpu.memref_squeeze %dma_start3A_370 : memref<1x1x128xi32, #tpu.memory_space<vmem>> -> memref<1x128xi32, #tpu.memory_space<vmem>>
            %dma_start3A_372 = arith.constant 0 : i32
            %dma_start3A_373 = tpu.memref_slice %arg3[%dma_start3A_372, %mul3A_359] : memref<1x320000xi32, #tpu.memory_space<hbm>> -> memref<1x128xi32, #tpu.memory_space<hbm>>
            tpu.enqueue_dma source(%dma_start3A_373 : memref<1x128xi32, #tpu.memory_space<hbm>>) target(%dma_start3A_371 : memref<1x128xi32, #tpu.memory_space<vmem>>) target_semaphore(%dma_start3A_367 : memref<!tpu.dma_semaphore, #tpu.memory_space<semaphore_mem>>)
            "tpu.trace_stop"() : () -> ()
          } else {
          }
          %and3A_263 = arith.constant true
          %and3A_264 = arith.andi %and3A_259, %and3A_263 : i1
          %add3A_265 = arith.constant 1 : i32
          %add3A_266 = arith.addi %while3A_196, %add3A_265 : i32
          %select_n3A_267 = arith.select %and3A_264, %add3A_266, %while3A_196 : i32
          %ne3A_268 = arith.cmpi ne, %add3A_206, %add3A_216 : i32
          %or3A_269 = arith.constant false
          %or3A_270 = arith.ori %or3A_269, %ne3A_268 : i1
          %or3A_271 = arith.constant false
          %or3A_272 = arith.ori %or3A_270, %or3A_271 : i1
          %or3A_273 = arith.ori %or3A_272, %eq3A_202 : i1
          %convert_element_type3A_274 = arith.extui %or3A_273 : i1 to i32
          %cond3A_275 = arith.constant 0 : i32
          %cond3A_276 = arith.cmpi ne, %convert_element_type3A_274, %cond3A_275 : i32
          scf.if %cond3A_276 {
            "tpu.trace_start"() <{level = 10 : i32, message = "ep_wait_in"}> : () -> ()
            %mul3A_356 = arith.constant 128 : i32
            %mul3A_357 = arith.muli %mul3A_356, %add3A_206 : i32
            %rem3A_358 = arith.constant 2 : i32
            %rem3A_359 = arith.remui %while3A_195, %rem3A_358 : i32
            %dma_wait3A = arith.constant 0 : i32
            %dma_wait3A_360 = arith.constant 0 : i32
            %dma_wait3A_361 = tpu.memref_slice %run_scoped3A[%rem3A_359, %dma_wait3A, %dma_wait3A_360] : memref<2x128x128xf32, #tpu.memory_space<vmem>> -> memref<1x128x128xf32, #tpu.memory_space<vmem>>
            %dma_wait3A_362 = tpu.memref_squeeze %dma_wait3A_361 : memref<1x128x128xf32, #tpu.memory_space<vmem>> -> memref<128x128xf32, #tpu.memory_space<vmem>>
            %dma_wait3A_363 = arith.constant 0 : i32
            %dma_wait3A_364 = tpu.memref_slice %arg2[%mul3A_357, %dma_wait3A_363] : memref<320000x128xf32, #tpu.memory_space<hbm>> -> memref<128x128xf32, #tpu.memory_space<hbm>>
            %dma_wait3A_365 = tpu.memref_slice %run_scoped3A_41[%rem3A_359] : memref<2x!tpu.dma_semaphore, #tpu.memory_space<semaphore_mem>> -> memref<1x!tpu.dma_semaphore, #tpu.memory_space<semaphore_mem>>
            %dma_wait3A_366 = tpu.memref_squeeze %dma_wait3A_365 : memref<1x!tpu.dma_semaphore, #tpu.memory_space<semaphore_mem>> -> memref<!tpu.dma_semaphore, #tpu.memory_space<semaphore_mem>>
            %dma_wait3A_367 = arith.constant 0 : i32
            %dma_wait3A_368 = arith.constant 0 : i32
            %dma_wait3A_369 = tpu.memref_slice %run_scoped3A[%rem3A_359, %dma_wait3A_367, %dma_wait3A_368] : memref<2x128x128xf32, #tpu.memory_space<vmem>> -> memref<1x128x128xf32, #tpu.memory_space<vmem>>
            %dma_wait3A_370 = tpu.memref_squeeze %dma_wait3A_369 : memref<1x128x128xf32, #tpu.memory_space<vmem>> -> memref<128x128xf32, #tpu.memory_space<vmem>>
            %dma_wait3A_371 = arith.constant 0 : i32
            %dma_wait3A_372 = tpu.memref_slice %arg2[%mul3A_357, %dma_wait3A_371] : memref<320000x128xf32, #tpu.memory_space<hbm>> -> memref<128x128xf32, #tpu.memory_space<hbm>>
            tpu.wait_dma2 semaphore(%dma_wait3A_366 : memref<!tpu.dma_semaphore, #tpu.memory_space<semaphore_mem>>) src(%dma_wait3A_372 : memref<128x128xf32, #tpu.memory_space<hbm>>) dst(%dma_wait3A_370 : memref<128x128xf32, #tpu.memory_space<vmem>>)
            "tpu.trace_stop"() : () -> ()
          } else {
          }
          %ne3A_277 = arith.cmpi ne, %add3A_206, %add3A_216 : i32
          %or3A_278 = arith.constant false
          %or3A_279 = arith.ori %or3A_278, %ne3A_277 : i1
          %or3A_280 = arith.ori %or3A_279, %eq3A_202 : i1
          %convert_element_type3A_281 = arith.extui %or3A_280 : i1 to i32
          %cond3A_282 = arith.constant 0 : i32
          %cond3A_283 = arith.cmpi ne, %convert_element_type3A_281, %cond3A_282 : i32
          scf.if %cond3A_283 {
            "tpu.trace_start"() <{level = 10 : i32, message = "ep_wait_in"}> : () -> ()
            %mul3A_356 = arith.constant 128 : i32
            %mul3A_357 = arith.muli %mul3A_356, %add3A_206 : i32
            %rem3A_358 = arith.constant 2 : i32
            %rem3A_359 = arith.remui %while3A_197, %rem3A_358 : i32
            %dma_wait3A = arith.constant 0 : i32
            %dma_wait3A_360 = arith.constant 0 : i32
            %dma_wait3A_361 = tpu.memref_slice %run_scoped3A_42[%rem3A_359, %dma_wait3A, %dma_wait3A_360] : memref<2x1x128xi32, #tpu.memory_space<vmem>> -> memref<1x1x128xi32, #tpu.memory_space<vmem>>
            %dma_wait3A_362 = tpu.memref_squeeze %dma_wait3A_361 : memref<1x1x128xi32, #tpu.memory_space<vmem>> -> memref<1x128xi32, #tpu.memory_space<vmem>>
            %dma_wait3A_363 = arith.constant 0 : i32
            %dma_wait3A_364 = tpu.memref_slice %arg3[%dma_wait3A_363, %mul3A_357] : memref<1x320000xi32, #tpu.memory_space<hbm>> -> memref<1x128xi32, #tpu.memory_space<hbm>>
            %dma_wait3A_365 = tpu.memref_slice %run_scoped3A_43[%rem3A_359] : memref<2x!tpu.dma_semaphore, #tpu.memory_space<semaphore_mem>> -> memref<1x!tpu.dma_semaphore, #tpu.memory_space<semaphore_mem>>
            %dma_wait3A_366 = tpu.memref_squeeze %dma_wait3A_365 : memref<1x!tpu.dma_semaphore, #tpu.memory_space<semaphore_mem>> -> memref<!tpu.dma_semaphore, #tpu.memory_space<semaphore_mem>>
            %dma_wait3A_367 = arith.constant 0 : i32
            %dma_wait3A_368 = arith.constant 0 : i32
            %dma_wait3A_369 = tpu.memref_slice %run_scoped3A_42[%rem3A_359, %dma_wait3A_367, %dma_wait3A_368] : memref<2x1x128xi32, #tpu.memory_space<vmem>> -> memref<1x1x128xi32, #tpu.memory_space<vmem>>
            %dma_wait3A_370 = tpu.memref_squeeze %dma_wait3A_369 : memref<1x1x128xi32, #tpu.memory_space<vmem>> -> memref<1x128xi32, #tpu.memory_space<vmem>>
            %dma_wait3A_371 = arith.constant 0 : i32
            %dma_wait3A_372 = tpu.memref_slice %arg3[%dma_wait3A_371, %mul3A_357] : memref<1x320000xi32, #tpu.memory_space<hbm>> -> memref<1x128xi32, #tpu.memory_space<hbm>>
            tpu.wait_dma2 semaphore(%dma_wait3A_366 : memref<!tpu.dma_semaphore, #tpu.memory_space<semaphore_mem>>) src(%dma_wait3A_372 : memref<1x128xi32, #tpu.memory_space<hbm>>) dst(%dma_wait3A_370 : memref<1x128xi32, #tpu.memory_space<vmem>>)
            "tpu.trace_stop"() : () -> ()
          } else {
          }
          %rem3A_284 = arith.constant 2 : i32
          %rem3A_285 = arith.remui %while3A_195, %rem3A_284 : i32
          %rem3A_286 = arith.constant 2 : i32
          %rem3A_287 = arith.remui %while3A_197, %rem3A_286 : i32
          %run_scoped3A_288 = arith.constant 0 : i32
          "tpu.trace_start"() <{level = 10 : i32, message = "ep_run_kernel"}> : () -> ()
          "tpu.region"() ({
            %run_scoped3A_356 = tpu.sem_alloc : memref<!tpu.dma_semaphore, #tpu.memory_space<semaphore_mem>>
            %dma_start3A_357 = arith.constant 0 : i32
            %dma_start3A_358 = arith.constant 0 : i32
            %dma_start3A_359 = tpu.memref_slice %run_scoped3A[%rem3A_285, %dma_start3A_357, %dma_start3A_358] : memref<2x128x128xf32, #tpu.memory_space<vmem>> -> memref<1x128x128xf32, #tpu.memory_space<vmem>>
            %dma_start3A_360 = tpu.memref_squeeze %dma_start3A_359 : memref<1x128x128xf32, #tpu.memory_space<vmem>> -> memref<128x128xf32, #tpu.memory_space<vmem>>
            %dma_start3A_361 = arith.constant 0 : i32
            %dma_start3A_362 = arith.constant 0 : i32
            %dma_start3A_363 = tpu.memref_slice %run_scoped3A_42[%rem3A_287, %dma_start3A_361, %dma_start3A_362] : memref<2x1x128xi32, #tpu.memory_space<vmem>> -> memref<1x1x128xi32, #tpu.memory_space<vmem>>
            %dma_start3A_364 = tpu.memref_squeeze %dma_start3A_363 : memref<1x1x128xi32, #tpu.memory_space<vmem>> -> memref<1x128xi32, #tpu.memory_space<vmem>>
            %dma_start3A_365 = arith.constant 0 : i32
            %dma_start3A_366 = tpu.memref_slice %dma_start3A_364[%run_scoped3A_288, %dma_start3A_365] : memref<1x128xi32, #tpu.memory_space<vmem>> -> memref<1x128xi32, #tpu.memory_space<vmem>>
            %dma_start3A_367 = tpu.memref_squeeze %dma_start3A_366 : memref<1x128xi32, #tpu.memory_space<vmem>> -> memref<128xi32, #tpu.memory_space<vmem>>
            %dma_start3A_368 = arith.constant 0 : i32
            %dma_start3A_369 = arith.constant 0 : i32
            %dma_start3A_370 = tpu.memref_slice %arg5[%dma_start3A_368, %dma_start3A_369] : memref<10000x128xf32, #tpu.memory_space<vmem_shared>> -> memref<10000x128xf32, #tpu.memory_space<vmem_shared>>
            tpu.enqueue_indirect_dma source(%dma_start3A_360 : memref<128x128xf32, #tpu.memory_space<vmem>>) target(%dma_start3A_370 : memref<10000x128xf32, #tpu.memory_space<vmem_shared>>) offsets(%dma_start3A_367 : memref<128xi32, #tpu.memory_space<vmem>>) semaphore(%run_scoped3A_356 : memref<!tpu.dma_semaphore, #tpu.memory_space<semaphore_mem>>) {add = true}
            %dma_wait3A = arith.constant 0 : i32
            %dma_wait3A_371 = arith.constant 0 : i32
            %dma_wait3A_372 = tpu.memref_slice %run_scoped3A[%rem3A_285, %dma_wait3A, %dma_wait3A_371] : memref<2x128x128xf32, #tpu.memory_space<vmem>> -> memref<1x128x128xf32, #tpu.memory_space<vmem>>
            %dma_wait3A_373 = tpu.memref_squeeze %dma_wait3A_372 : memref<1x128x128xf32, #tpu.memory_space<vmem>> -> memref<128x128xf32, #tpu.memory_space<vmem>>
            %dma_wait3A_374 = arith.constant 0 : i32
            %dma_wait3A_375 = arith.constant 0 : i32
            %dma_wait3A_376 = tpu.memref_slice %run_scoped3A_42[%rem3A_287, %dma_wait3A_374, %dma_wait3A_375] : memref<2x1x128xi32, #tpu.memory_space<vmem>> -> memref<1x1x128xi32, #tpu.memory_space<vmem>>
            %dma_wait3A_377 = tpu.memref_squeeze %dma_wait3A_376 : memref<1x1x128xi32, #tpu.memory_space<vmem>> -> memref<1x128xi32, #tpu.memory_space<vmem>>
            %dma_wait3A_378 = arith.constant 0 : i32
            %dma_wait3A_379 = tpu.memref_slice %dma_wait3A_377[%run_scoped3A_288, %dma_wait3A_378] : memref<1x128xi32, #tpu.memory_space<vmem>> -> memref<1x128xi32, #tpu.memory_space<vmem>>
            %dma_wait3A_380 = tpu.memref_squeeze %dma_wait3A_379 : memref<1x128xi32, #tpu.memory_space<vmem>> -> memref<128xi32, #tpu.memory_space<vmem>>
            %dma_wait3A_381 = arith.constant 0 : i32
            %dma_wait3A_382 = arith.constant 0 : i32
            %dma_wait3A_383 = tpu.memref_slice %arg5[%dma_wait3A_381, %dma_wait3A_382] : memref<10000x128xf32, #tpu.memory_space<vmem_shared>> -> memref<10000x128xf32, #tpu.memory_space<vmem_shared>>
            tpu.wait_indirect_dma semaphore(%run_scoped3A_356 : memref<!tpu.dma_semaphore, #tpu.memory_space<semaphore_mem>>) src(%dma_wait3A_373 : memref<128x128xf32, #tpu.memory_space<vmem>>) dst(%dma_wait3A_383 : memref<10000x128xf32, #tpu.memory_space<vmem_shared>>)
            tpu.yield
          }) : () -> ()
          "tpu.trace_stop"() : () -> ()
          %ne3A_289 = arith.cmpi ne, %add3A_206, %add3A_224 : i32
          %or3A_290 = arith.constant false
          %or3A_291 = arith.ori %or3A_290, %ne3A_289 : i1
          %or3A_292 = arith.constant false
          %or3A_293 = arith.ori %or3A_291, %or3A_292 : i1
          %or3A_294 = arith.ori %or3A_293, %eq3A_205 : i1
          %convert_element_type3A_295 = arith.extui %or3A_294 : i1 to i32
          %cond3A_296 = arith.constant 0 : i32
          %cond3A_297 = arith.cmpi ne, %convert_element_type3A_295, %cond3A_296 : i32
          scf.if %cond3A_297 {
          } else {
          }
          %and3A_298 = arith.constant false
          %and3A_299 = arith.andi %or3A_294, %and3A_298 : i1
          %ne3A_300 = arith.cmpi ne, %add3A_206, %add3A_224 : i32
          %or3A_301 = arith.constant false
          %or3A_302 = arith.ori %or3A_301, %ne3A_300 : i1
          %or3A_303 = arith.ori %or3A_302, %eq3A_205 : i1
          %convert_element_type3A_304 = arith.extui %or3A_303 : i1 to i32
          %cond3A_305 = arith.constant 0 : i32
          %cond3A_306 = arith.cmpi ne, %convert_element_type3A_304, %cond3A_305 : i32
          scf.if %cond3A_306 {
          } else {
          }
          %and3A_307 = arith.constant false
          %and3A_308 = arith.andi %or3A_303, %and3A_307 : i1
          %ne3A_309 = arith.cmpi ne, %add3A_206, %add3A_216 : i32
          %or3A_310 = arith.constant false
          %or3A_311 = arith.ori %or3A_310, %ne3A_309 : i1
          %or3A_312 = arith.constant false
          %or3A_313 = arith.ori %or3A_311, %or3A_312 : i1
          %not3A_314 = arith.constant true
          %not3A_315 = arith.xori %eq3A_202, %not3A_314 : i1
          %and3A_316 = arith.andi %or3A_313, %not3A_315 : i1
          %convert_element_type3A_317 = arith.extui %and3A_316 : i1 to i32
          %cond3A_318 = arith.constant 0 : i32
          %cond3A_319 = arith.cmpi ne, %convert_element_type3A_317, %cond3A_318 : i32
          scf.if %cond3A_319 {
          } else {
          }
          %and3A_320 = arith.constant false
          %and3A_321 = arith.andi %and3A_316, %and3A_320 : i1
          %ne3A_322 = arith.cmpi ne, %add3A_206, %add3A_216 : i32
          %or3A_323 = arith.constant false
          %or3A_324 = arith.ori %or3A_323, %ne3A_322 : i1
          %not3A_325 = arith.constant true
          %not3A_326 = arith.xori %eq3A_202, %not3A_325 : i1
          %and3A_327 = arith.andi %or3A_324, %not3A_326 : i1
          %convert_element_type3A_328 = arith.extui %and3A_327 : i1 to i32
          %cond3A_329 = arith.constant 0 : i32
          %cond3A_330 = arith.cmpi ne, %convert_element_type3A_328, %cond3A_329 : i32
          scf.if %cond3A_330 {
          } else {
          }
          %and3A_331 = arith.constant false
          %and3A_332 = arith.andi %and3A_327, %and3A_331 : i1
          %ne3A_333 = arith.cmpi ne, %add3A_206, %add3A_224 : i32
          %or3A_334 = arith.constant false
          %or3A_335 = arith.ori %or3A_334, %ne3A_333 : i1
          %or3A_336 = arith.constant false
          %or3A_337 = arith.ori %or3A_335, %or3A_336 : i1
          %or3A_338 = arith.ori %or3A_337, %eq3A_205 : i1
          %add3A_339 = arith.constant 1 : i32
          %add3A_340 = arith.addi %while3A_195, %add3A_339 : i32
          %select_n3A_341 = arith.select %or3A_338, %add3A_340, %while3A_195 : i32
          %ne3A_342 = arith.cmpi ne, %add3A_206, %add3A_224 : i32
          %or3A_343 = arith.constant false
          %or3A_344 = arith.ori %or3A_343, %ne3A_342 : i1
          %or3A_345 = arith.ori %or3A_344, %eq3A_205 : i1
          %add3A_346 = arith.constant 1 : i32
          %add3A_347 = arith.addi %while3A_197, %add3A_346 : i32
          %select_n3A_348 = arith.select %or3A_345, %add3A_347, %while3A_197 : i32
          %add3A_349 = arith.constant 1 : i32
          %add3A_350 = arith.addi %while3A_198, %add3A_349 : i32
          %select_n3A_351 = arith.constant true
          %select_n3A_352 = arith.select %select_n3A_351, %add3A_350, %while3A_198 : i32
          %eq3A_353 = arith.cmpi eq, %select_n3A_352, %select_n3A : i32
          %select_n3A_354 = arith.constant 0 : i32
          %select_n3A_355 = arith.select %eq3A_353, %select_n3A_354, %select_n3A_352 : i32
          scf.yield %select_n3A_248, %select_n3A_341, %select_n3A_267, %select_n3A_348, %select_n3A_355 : i32, i32, i32, i32, i32
        }
        %sub3A_142 = arith.constant 1 : i32
        %sub3A_143 = arith.subi %while3A_141#4, %sub3A_142 : i32
        %select_n3A_144 = arith.constant true
        %select_n3A_145 = arith.select %select_n3A_144, %sub3A_143, %while3A_141#4 : i32
        %eq3A_146 = arith.constant -1 : i32
        %eq3A_147 = arith.cmpi eq, %select_n3A_145, %eq3A_146 : i32
        %sub3A_148 = arith.constant 1 : i32
        %sub3A_149 = arith.subi %select_n3A, %sub3A_148 : i32
        %select_n3A_150 = arith.select %eq3A_147, %sub3A_149, %select_n3A_145 : i32
        %sub3A_151 = arith.constant 1 : i32
        %sub3A_152 = arith.subi %mul3A_29, %sub3A_151 : i32
        %mul3A_153 = arith.constant 1 : i32
        %mul3A_154 = arith.muli %mul3A_153, %select_n3A : i32
        %eq3A_155 = arith.constant 0 : i32
        %eq3A_156 = arith.cmpi eq, %sub3A_152, %eq3A_155 : i32
        %sub3A_157 = arith.constant 1 : i32
        %sub3A_158 = arith.subi %mul3A_154, %sub3A_157 : i32
        %eq3A_159 = arith.cmpi eq, %sub3A_152, %sub3A_158 : i32
        %add3A_160 = arith.addi %select_n3A_150, %select_n3A_27 : i32
        %sub3A_161 = arith.constant 1 : i32
        %sub3A_162 = arith.subi %select_n3A_150, %sub3A_161 : i32
        %select_n3A_163 = arith.constant true
        %select_n3A_164 = arith.select %select_n3A_163, %sub3A_162, %select_n3A_150 : i32
        %eq3A_165 = arith.constant -1 : i32
        %eq3A_166 = arith.cmpi eq, %select_n3A_164, %eq3A_165 : i32
        %sub3A_167 = arith.constant 1 : i32
        %sub3A_168 = arith.subi %select_n3A, %sub3A_167 : i32
        %select_n3A_169 = arith.select %eq3A_166, %sub3A_168, %select_n3A_164 : i32
        %add3A_170 = arith.addi %select_n3A_169, %select_n3A_27 : i32
        %add3A_171 = arith.constant 1 : i32
        %add3A_172 = arith.addi %select_n3A_150, %add3A_171 : i32
        %select_n3A_173 = arith.constant true
        %select_n3A_174 = arith.select %select_n3A_173, %add3A_172, %select_n3A_150 : i32
        %eq3A_175 = arith.cmpi eq, %select_n3A_174, %select_n3A : i32
        %select_n3A_176 = arith.constant 0 : i32
        %select_n3A_177 = arith.select %eq3A_175, %select_n3A_176, %select_n3A_174 : i32
        %add3A_178 = arith.addi %select_n3A_177, %select_n3A_27 : i32
        %add3A_179 = arith.constant 1 : i32
        %add3A_180 = arith.addi %select_n3A_177, %add3A_179 : i32
        %select_n3A_181 = arith.constant true
        %select_n3A_182 = arith.select %select_n3A_181, %add3A_180, %select_n3A_177 : i32
        %eq3A_183 = arith.cmpi eq, %select_n3A_182, %select_n3A : i32
        %select_n3A_184 = arith.constant 0 : i32
        %select_n3A_185 = arith.select %eq3A_183, %select_n3A_184, %select_n3A_182 : i32
        %add3A_186 = arith.addi %select_n3A_185, %select_n3A_27 : i32
        %convert_element_type3A_187 = arith.extui %eq3A_159 : i1 to i32
        %cond3A_188 = arith.constant 0 : i32
        %cond3A_189 = arith.cmpi ne, %convert_element_type3A_187, %cond3A_188 : i32
        scf.if %cond3A_189 {
        } else {
        }
        %convert_element_type3A_190 = arith.extui %eq3A_159 : i1 to i32
        %cond3A_191 = arith.constant 0 : i32
        %cond3A_192 = arith.cmpi ne, %convert_element_type3A_190, %cond3A_191 : i32
        scf.if %cond3A_192 {
        } else {
        }
      } else {
      }
      tpu.yield
    }) : () -> ()
    %barrier3A_30 = arith.constant 0 : index
    tpu.barrier barrier_id(%barrier3A_30)
    %scan3A_31 = arith.constant 0 : i32
    %scan3A_32 = arith.constant 39 : i32
    %scan3A_33 = arith.addi %scan3A_31, %scan3A_32 : i32
    %scan3A_34 = arith.constant 1 : i32
    scf.for %scan3A_41 = %scan3A_31 to %scan3A_33 step %scan3A_34  : i32 {
      %mul3A_42 = arith.constant 1 : i32
      %mul3A_43 = arith.muli %scan3A_41, %mul3A_42 : i32
      %add3A_44 = arith.constant 0 : i32
      %add3A_45 = arith.addi %add3A_44, %mul3A_43 : i32
      %mul3A_46 = arith.constant 16 : i32
      %mul3A_47 = arith.muli %add3A_45, %mul3A_46 : i32
      %add3A_48 = arith.addi %mul3A_0, %mul3A_47 : i32
      %mul3A_49 = arith.constant 16 : i32
      %mul3A_50 = arith.muli %add3A_45, %mul3A_49 : i32
      %add3A_51 = arith.addi %mul3A_0, %mul3A_50 : i32
      "tpu.region"() ({
        %run_scoped3A = tpu.sem_alloc : memref<!tpu.dma_semaphore, #tpu.memory_space<semaphore_mem>>
        %dma_start3A = arith.constant 0 : i32
        %dma_start3A_52 = tpu.memref_slice %arg4[%arg0, %add3A_51, %dma_start3A] : memref<2x10000x128xf32, #tpu.memory_space<hbm>> -> memref<1x16x128xf32, #tpu.memory_space<hbm>>
        %dma_start3A_53 = tpu.memref_squeeze %dma_start3A_52 : memref<1x16x128xf32, #tpu.memory_space<hbm>> -> memref<16x128xf32, #tpu.memory_space<hbm>>
        %dma_start3A_54 = arith.constant 0 : i32
        %dma_start3A_55 = tpu.memref_slice %arg5[%add3A_48, %dma_start3A_54] : memref<10000x128xf32, #tpu.memory_space<vmem_shared>> -> memref<16x128xf32, #tpu.memory_space<vmem_shared>>
        tpu.enqueue_dma source(%dma_start3A_55 : memref<16x128xf32, #tpu.memory_space<vmem_shared>>) target(%dma_start3A_53 : memref<16x128xf32, #tpu.memory_space<hbm>>) target_semaphore(%run_scoped3A : memref<!tpu.dma_semaphore, #tpu.memory_space<semaphore_mem>>)
        %dma_wait3A = arith.constant 0 : i32
        %dma_wait3A_56 = tpu.memref_slice %arg4[%arg0, %add3A_51, %dma_wait3A] : memref<2x10000x128xf32, #tpu.memory_space<hbm>> -> memref<1x16x128xf32, #tpu.memory_space<hbm>>
        %dma_wait3A_57 = tpu.memref_squeeze %dma_wait3A_56 : memref<1x16x128xf32, #tpu.memory_space<hbm>> -> memref<16x128xf32, #tpu.memory_space<hbm>>
        %dma_wait3A_58 = arith.constant 0 : i32
        %dma_wait3A_59 = tpu.memref_slice %arg5[%add3A_48, %dma_wait3A_58] : memref<10000x128xf32, #tpu.memory_space<vmem_shared>> -> memref<16x128xf32, #tpu.memory_space<vmem_shared>>
        tpu.wait_dma2 semaphore(%run_scoped3A : memref<!tpu.dma_semaphore, #tpu.memory_space<semaphore_mem>>) src(%dma_wait3A_59 : memref<16x128xf32, #tpu.memory_space<vmem_shared>>) dst(%dma_wait3A_57 : memref<16x128xf32, #tpu.memory_space<hbm>>)
        tpu.yield
      }) : () -> ()
    }
    %scan3A_35 = arith.constant 39 : i32
    %eq3A_36 = arith.constant 15 : i32
    %eq3A_37 = arith.cmpi eq, %arg1, %eq3A_36 : i32
    %convert_element_type3A_38 = arith.extui %eq3A_37 : i1 to i32
    %cond3A_39 = arith.constant 0 : i32
    %cond3A_40 = arith.cmpi ne, %convert_element_type3A_38, %cond3A_39 : i32
    scf.if %cond3A_40 {
      "tpu.region"() ({
        %run_scoped3A = tpu.sem_alloc : memref<!tpu.dma_semaphore, #tpu.memory_space<semaphore_mem>>
        %dma_start3A = arith.constant 9984 : i32
        %dma_start3A_41 = arith.constant 0 : i32
        %dma_start3A_42 = tpu.memref_slice %arg4[%arg0, %dma_start3A, %dma_start3A_41] : memref<2x10000x128xf32, #tpu.memory_space<hbm>> -> memref<1x16x128xf32, #tpu.memory_space<hbm>>
        %dma_start3A_43 = tpu.memref_squeeze %dma_start3A_42 : memref<1x16x128xf32, #tpu.memory_space<hbm>> -> memref<16x128xf32, #tpu.memory_space<hbm>>
        %dma_start3A_44 = arith.constant 9984 : i32
        %dma_start3A_45 = arith.constant 0 : i32
        %dma_start3A_46 = tpu.memref_slice %arg5[%dma_start3A_44, %dma_start3A_45] : memref<10000x128xf32, #tpu.memory_space<vmem_shared>> -> memref<16x128xf32, #tpu.memory_space<vmem_shared>>
        tpu.enqueue_dma source(%dma_start3A_46 : memref<16x128xf32, #tpu.memory_space<vmem_shared>>) target(%dma_start3A_43 : memref<16x128xf32, #tpu.memory_space<hbm>>) target_semaphore(%run_scoped3A : memref<!tpu.dma_semaphore, #tpu.memory_space<semaphore_mem>>)
        %dma_wait3A = arith.constant 9984 : i32
        %dma_wait3A_47 = arith.constant 0 : i32
        %dma_wait3A_48 = tpu.memref_slice %arg4[%arg0, %dma_wait3A, %dma_wait3A_47] : memref<2x10000x128xf32, #tpu.memory_space<hbm>> -> memref<1x16x128xf32, #tpu.memory_space<hbm>>
        %dma_wait3A_49 = tpu.memref_squeeze %dma_wait3A_48 : memref<1x16x128xf32, #tpu.memory_space<hbm>> -> memref<16x128xf32, #tpu.memory_space<hbm>>
        %dma_wait3A_50 = arith.constant 9984 : i32
        %dma_wait3A_51 = arith.constant 0 : i32
        %dma_wait3A_52 = tpu.memref_slice %arg5[%dma_wait3A_50, %dma_wait3A_51] : memref<10000x128xf32, #tpu.memory_space<vmem_shared>> -> memref<16x128xf32, #tpu.memory_space<vmem_shared>>
        tpu.wait_dma2 semaphore(%run_scoped3A : memref<!tpu.dma_semaphore, #tpu.memory_space<semaphore_mem>>) src(%dma_wait3A_52 : memref<16x128xf32, #tpu.memory_space<vmem_shared>>) dst(%dma_wait3A_49 : memref<16x128xf32, #tpu.memory_space<hbm>>)
        tpu.yield
      }) : () -> ()
    } else {
    }
    return
  }
}

#map = affine_map<(d0, d1) -> (0, 0)>
module attributes {stable_mosaic.version = 14 : i64} {
  func.func @k(%arg0: i32, %arg1: i32, %arg2: memref<10000x128xf32, #tpu.memory_space<hbm>>, %arg3: memref<10000x128xf32, #tpu.memory_space<hbm>>, %arg4: memref<1x320000xi32, #tpu.memory_space<hbm>>, %arg5: memref<1x320000xi32, #tpu.memory_space<hbm>>, %arg6: memref<320000x128xf32, #tpu.memory_space<hbm>>, %arg7: memref<128x128xf32, #tpu.memory_space<vmem>>) attributes {dimension_semantics = [#tpu.dimension_semantics<core_parallel>, #tpu.dimension_semantics<subcore_parallel>], iteration_bounds = array<i64: 2, 16>, scalar_prefetch = 0 : i64, scratch_operands = 1 : i64, tpu.core_type = #tpu.core_type<sc_vector_subcore>, window_params = [{transform_indices = #map}, {transform_indices = #map}, {transform_indices = #map}, {transform_indices = #map}, {transform_indices = #map}]} {
    %mul3A = arith.constant 1 : i32
    %mul3A_0 = arith.muli %arg1, %mul3A : i32
    %add3A = arith.constant 0 : i32
    %add3A_1 = arith.addi %add3A, %mul3A_0 : i32
    %mul3A_2 = arith.constant 16 : i32
    %mul3A_3 = arith.muli %arg0, %mul3A_2 : i32
    %add3A_4 = arith.addi %add3A_1, %mul3A_3 : i32
    %lt3A = arith.constant 4 : i32
    %lt3A_5 = arith.cmpi slt, %add3A_4, %lt3A : i32
    %jit3A = arith.constant 79 : i32
    %jit3A_6 = arith.constant 78 : i32
    %select_n3A = arith.select %lt3A_5, %jit3A, %jit3A_6 : i32
    %lt3A_7 = arith.constant 4 : i32
    %lt3A_8 = arith.cmpi slt, %add3A_4, %lt3A_7 : i32
    %mul3A_9 = arith.muli %add3A_4, %select_n3A : i32
    %mul3A_10 = arith.constant 78 : i32
    %mul3A_11 = arith.muli %add3A_4, %mul3A_10 : i32
    %add3A_12 = arith.constant 4 : i32
    %add3A_13 = arith.addi %mul3A_11, %add3A_12 : i32
    %select_n3A_14 = arith.select %lt3A_8, %mul3A_9, %add3A_13 : i32
    %mul3A_15 = arith.constant 1 : i32
    %mul3A_16 = arith.muli %mul3A_15, %select_n3A : i32
    "tpu.region"() ({
      %run_scoped3A = memref.alloca() : memref<2x1x128xi32, #tpu.memory_space<vmem>>
      %run_scoped3A_17 = tpu.sem_alloc : memref<2x!tpu.dma_semaphore, #tpu.memory_space<semaphore_mem>>
      %run_scoped3A_18 = memref.alloca() : memref<2x1x128xi32, #tpu.memory_space<vmem>>
      %run_scoped3A_19 = tpu.sem_alloc : memref<2x!tpu.dma_semaphore, #tpu.memory_space<semaphore_mem>>
      %run_scoped3A_20 = memref.alloca() : memref<2x128x128xf32, #tpu.memory_space<vmem>>
      %run_scoped3A_21 = tpu.sem_alloc : memref<2x!tpu.dma_semaphore, #tpu.memory_space<semaphore_mem>>
      %gt3A = arith.constant 0 : i32
      %gt3A_22 = arith.cmpi sgt, %mul3A_16, %gt3A : i32
      %convert_element_type3A = arith.extui %gt3A_22 : i1 to i32
      %cond3A = arith.constant 0 : i32
      %cond3A_23 = arith.cmpi ne, %convert_element_type3A, %cond3A : i32
      scf.if %cond3A_23 {
        %mul3A_24 = arith.constant 1 : i32
        %mul3A_25 = arith.muli %mul3A_24, %select_n3A : i32
        %sub3A = arith.constant 1 : i32
        %sub3A_26 = arith.subi %mul3A_25, %sub3A : i32
        %eq3A = arith.constant 0 : i32
        %eq3A_27 = arith.cmpi eq, %sub3A_26, %eq3A : i32
        %add3A_28 = arith.constant 0 : i32
        %add3A_29 = arith.addi %add3A_28, %select_n3A_14 : i32
        %select_n3A_30 = arith.constant true
        %select_n3A_31 = arith.constant 0 : i32
        %select_n3A_32 = arith.constant -1 : i32
        %select_n3A_33 = arith.select %select_n3A_30, %select_n3A_32, %select_n3A_31 : i32
        %eq3A_34 = arith.constant -1 : i32
        %eq3A_35 = arith.cmpi eq, %select_n3A_33, %eq3A_34 : i32
        %sub3A_36 = arith.constant 1 : i32
        %sub3A_37 = arith.subi %select_n3A, %sub3A_36 : i32
        %select_n3A_38 = arith.select %eq3A_35, %sub3A_37, %select_n3A_33 : i32
        %add3A_39 = arith.addi %select_n3A_38, %select_n3A_14 : i32
        %select_n3A_40 = arith.constant true
        %select_n3A_41 = arith.constant 0 : i32
        %select_n3A_42 = arith.constant 1 : i32
        %select_n3A_43 = arith.select %select_n3A_40, %select_n3A_42, %select_n3A_41 : i32
        %eq3A_44 = arith.cmpi eq, %select_n3A_43, %select_n3A : i32
        %select_n3A_45 = arith.constant 0 : i32
        %select_n3A_46 = arith.select %eq3A_44, %select_n3A_45, %select_n3A_43 : i32
        %add3A_47 = arith.addi %select_n3A_46, %select_n3A_14 : i32
        %add3A_48 = arith.constant 1 : i32
        %add3A_49 = arith.addi %select_n3A_46, %add3A_48 : i32
        %select_n3A_50 = arith.constant true
        %select_n3A_51 = arith.select %select_n3A_50, %add3A_49, %select_n3A_46 : i32
        %eq3A_52 = arith.cmpi eq, %select_n3A_51, %select_n3A : i32
        %select_n3A_53 = arith.constant 0 : i32
        %select_n3A_54 = arith.select %eq3A_52, %select_n3A_53, %select_n3A_51 : i32
        %add3A_55 = arith.addi %select_n3A_54, %select_n3A_14 : i32
        "tpu.trace_start"() <{level = 10 : i32, message = "ep_initialize_0"}> : () -> ()
        %rem3A = arith.constant 0 : i32
        %rem3A_56 = arith.constant 2 : i32
        %rem3A_57 = arith.remui %rem3A, %rem3A_56 : i32
        %mul3A_58 = arith.constant 128 : i32
        %mul3A_59 = arith.muli %mul3A_58, %add3A_29 : i32
        %dma_start3A = arith.constant 0 : i32
        %dma_start3A_60 = arith.constant 0 : i32
        %dma_start3A_61 = tpu.memref_slice %run_scoped3A[%rem3A_57, %dma_start3A, %dma_start3A_60] : memref<2x1x128xi32, #tpu.memory_space<vmem>> -> memref<1x1x128xi32, #tpu.memory_space<vmem>>
        %dma_start3A_62 = tpu.memref_squeeze %dma_start3A_61 : memref<1x1x128xi32, #tpu.memory_space<vmem>> -> memref<1x128xi32, #tpu.memory_space<vmem>>
        %dma_start3A_63 = arith.constant 0 : i32
        %dma_start3A_64 = tpu.memref_slice %arg4[%dma_start3A_63, %mul3A_59] : memref<1x320000xi32, #tpu.memory_space<hbm>> -> memref<1x128xi32, #tpu.memory_space<hbm>>
        %dma_start3A_65 = tpu.memref_slice %run_scoped3A_17[%rem3A_57] : memref<2x!tpu.dma_semaphore, #tpu.memory_space<semaphore_mem>> -> memref<1x!tpu.dma_semaphore, #tpu.memory_space<semaphore_mem>>
        %dma_start3A_66 = tpu.memref_squeeze %dma_start3A_65 : memref<1x!tpu.dma_semaphore, #tpu.memory_space<semaphore_mem>> -> memref<!tpu.dma_semaphore, #tpu.memory_space<semaphore_mem>>
        %dma_start3A_67 = arith.constant 0 : i32
        %dma_start3A_68 = arith.constant 0 : i32
        %dma_start3A_69 = tpu.memref_slice %run_scoped3A[%rem3A_57, %dma_start3A_67, %dma_start3A_68] : memref<2x1x128xi32, #tpu.memory_space<vmem>> -> memref<1x1x128xi32, #tpu.memory_space<vmem>>
        %dma_start3A_70 = tpu.memref_squeeze %dma_start3A_69 : memref<1x1x128xi32, #tpu.memory_space<vmem>> -> memref<1x128xi32, #tpu.memory_space<vmem>>
        %dma_start3A_71 = arith.constant 0 : i32
        %dma_start3A_72 = tpu.memref_slice %arg4[%dma_start3A_71, %mul3A_59] : memref<1x320000xi32, #tpu.memory_space<hbm>> -> memref<1x128xi32, #tpu.memory_space<hbm>>
        tpu.enqueue_dma source(%dma_start3A_72 : memref<1x128xi32, #tpu.memory_space<hbm>>) target(%dma_start3A_70 : memref<1x128xi32, #tpu.memory_space<vmem>>) target_semaphore(%dma_start3A_66 : memref<!tpu.dma_semaphore, #tpu.memory_space<semaphore_mem>>)
        %add3A_73 = arith.constant 0 : i32
        %add3A_74 = arith.constant 1 : i32
        %add3A_75 = arith.addi %add3A_73, %add3A_74 : i32
        %select_n3A_76 = arith.constant true
        %select_n3A_77 = arith.constant 0 : i32
        %select_n3A_78 = arith.select %select_n3A_76, %add3A_75, %select_n3A_77 : i32
        %rem3A_79 = arith.constant 0 : i32
        %rem3A_80 = arith.constant 2 : i32
        %rem3A_81 = arith.remui %rem3A_79, %rem3A_80 : i32
        %mul3A_82 = arith.constant 128 : i32
        %mul3A_83 = arith.muli %mul3A_82, %add3A_29 : i32
        %dma_start3A_84 = arith.constant 0 : i32
        %dma_start3A_85 = arith.constant 0 : i32
        %dma_start3A_86 = tpu.memref_slice %run_scoped3A_18[%rem3A_81, %dma_start3A_84, %dma_start3A_85] : memref<2x1x128xi32, #tpu.memory_space<vmem>> -> memref<1x1x128xi32, #tpu.memory_space<vmem>>
        %dma_start3A_87 = tpu.memref_squeeze %dma_start3A_86 : memref<1x1x128xi32, #tpu.memory_space<vmem>> -> memref<1x128xi32, #tpu.memory_space<vmem>>
        %dma_start3A_88 = arith.constant 0 : i32
        %dma_start3A_89 = tpu.memref_slice %arg5[%dma_start3A_88, %mul3A_83] : memref<1x320000xi32, #tpu.memory_space<hbm>> -> memref<1x128xi32, #tpu.memory_space<hbm>>
        %dma_start3A_90 = tpu.memref_slice %run_scoped3A_19[%rem3A_81] : memref<2x!tpu.dma_semaphore, #tpu.memory_space<semaphore_mem>> -> memref<1x!tpu.dma_semaphore, #tpu.memory_space<semaphore_mem>>
        %dma_start3A_91 = tpu.memref_squeeze %dma_start3A_90 : memref<1x!tpu.dma_semaphore, #tpu.memory_space<semaphore_mem>> -> memref<!tpu.dma_semaphore, #tpu.memory_space<semaphore_mem>>
        %dma_start3A_92 = arith.constant 0 : i32
        %dma_start3A_93 = arith.constant 0 : i32
        %dma_start3A_94 = tpu.memref_slice %run_scoped3A_18[%rem3A_81, %dma_start3A_92, %dma_start3A_93] : memref<2x1x128xi32, #tpu.memory_space<vmem>> -> memref<1x1x128xi32, #tpu.memory_space<vmem>>
        %dma_start3A_95 = tpu.memref_squeeze %dma_start3A_94 : memref<1x1x128xi32, #tpu.memory_space<vmem>> -> memref<1x128xi32, #tpu.memory_space<vmem>>
        %dma_start3A_96 = arith.constant 0 : i32
        %dma_start3A_97 = tpu.memref_slice %arg5[%dma_start3A_96, %mul3A_83] : memref<1x320000xi32, #tpu.memory_space<hbm>> -> memref<1x128xi32, #tpu.memory_space<hbm>>
        tpu.enqueue_dma source(%dma_start3A_97 : memref<1x128xi32, #tpu.memory_space<hbm>>) target(%dma_start3A_95 : memref<1x128xi32, #tpu.memory_space<vmem>>) target_semaphore(%dma_start3A_91 : memref<!tpu.dma_semaphore, #tpu.memory_space<semaphore_mem>>)
        %add3A_98 = arith.constant 0 : i32
        %add3A_99 = arith.constant 1 : i32
        %add3A_100 = arith.addi %add3A_98, %add3A_99 : i32
        %select_n3A_101 = arith.constant true
        %select_n3A_102 = arith.constant 0 : i32
        %select_n3A_103 = arith.select %select_n3A_101, %add3A_100, %select_n3A_102 : i32
        %while3A = arith.constant 0 : i32
        %while3A_104 = arith.constant 0 : i32
        %while3A_105 = arith.constant 0 : i32
        %while3A_106 = arith.constant 0 : i32
        %while3A_107 = arith.constant 0 : i32
        %while3A_108 = arith.constant 0 : i32
        "tpu.trace_stop"() : () -> ()
        %while3A_109 = arith.subi %mul3A_16, %while3A : i32
        %while3A_110 = arith.addi %while3A, %while3A_109 : i32
        %while3A_111 = arith.constant 1 : i32
        %while3A_112 = arith.divsi %while3A_109, %while3A_111 : i32
        %while3A_113 = arith.muli %while3A_112, %while3A_111 : i32
        %while3A_114 = arith.addi %while3A, %while3A_113 : i32
        %while3A_115 = arith.constant 1 : i32
        %while3A_116:7 = scf.for %while3A_173 = %while3A to %while3A_114 step %while3A_115 iter_args(%while3A_174 = %select_n3A_78, %while3A_175 = %while3A_104, %while3A_176 = %select_n3A_103, %while3A_177 = %while3A_105, %while3A_178 = %while3A_106, %while3A_179 = %while3A_107, %while3A_180 = %while3A_108) -> (i32, i32, i32, i32, i32, i32, i32)  : i32 {
          %mul3A_181 = arith.constant 1 : i32
          %mul3A_182 = arith.muli %mul3A_181, %select_n3A : i32
          %eq3A_183 = arith.constant 0 : i32
          %eq3A_184 = arith.cmpi eq, %while3A_173, %eq3A_183 : i32
          %sub3A_185 = arith.constant 1 : i32
          %sub3A_186 = arith.subi %mul3A_182, %sub3A_185 : i32
          %eq3A_187 = arith.cmpi eq, %while3A_173, %sub3A_186 : i32
          %add3A_188 = arith.addi %while3A_180, %select_n3A_14 : i32
          %sub3A_189 = arith.constant 1 : i32
          %sub3A_190 = arith.subi %while3A_180, %sub3A_189 : i32
          %select_n3A_191 = arith.constant true
          %select_n3A_192 = arith.select %select_n3A_191, %sub3A_190, %while3A_180 : i32
          %eq3A_193 = arith.constant -1 : i32
          %eq3A_194 = arith.cmpi eq, %select_n3A_192, %eq3A_193 : i32
          %sub3A_195 = arith.constant 1 : i32
          %sub3A_196 = arith.subi %select_n3A, %sub3A_195 : i32
          %select_n3A_197 = arith.select %eq3A_194, %sub3A_196, %select_n3A_192 : i32
          %add3A_198 = arith.addi %select_n3A_197, %select_n3A_14 : i32
          %add3A_199 = arith.constant 1 : i32
          %add3A_200 = arith.addi %while3A_180, %add3A_199 : i32
          %select_n3A_201 = arith.constant true
          %select_n3A_202 = arith.select %select_n3A_201, %add3A_200, %while3A_180 : i32
          %eq3A_203 = arith.cmpi eq, %select_n3A_202, %select_n3A : i32
          %select_n3A_204 = arith.constant 0 : i32
          %select_n3A_205 = arith.select %eq3A_203, %select_n3A_204, %select_n3A_202 : i32
          %add3A_206 = arith.addi %select_n3A_205, %select_n3A_14 : i32
          %add3A_207 = arith.constant 1 : i32
          %add3A_208 = arith.addi %select_n3A_205, %add3A_207 : i32
          %select_n3A_209 = arith.constant true
          %select_n3A_210 = arith.select %select_n3A_209, %add3A_208, %select_n3A_205 : i32
          %eq3A_211 = arith.cmpi eq, %select_n3A_210, %select_n3A : i32
          %select_n3A_212 = arith.constant 0 : i32
          %select_n3A_213 = arith.select %eq3A_211, %select_n3A_212, %select_n3A_210 : i32
          %add3A_214 = arith.addi %select_n3A_213, %select_n3A_14 : i32
          %ne3A = arith.cmpi ne, %add3A_188, %add3A_206 : i32
          %or3A = arith.constant false
          %or3A_215 = arith.ori %or3A, %ne3A : i1
          %sub3A_216 = arith.constant 2 : i32
          %sub3A_217 = arith.subi %mul3A_182, %sub3A_216 : i32
          %add3A_218 = arith.constant 1 : i32
          %add3A_219 = arith.addi %sub3A_217, %add3A_218 : i32
          %ge3A = arith.cmpi sge, %while3A_173, %add3A_219 : i32
          %not3A = arith.constant true
          %not3A_220 = arith.xori %ge3A, %not3A : i1
          %and3A = arith.andi %or3A_215, %not3A_220 : i1
          %convert_element_type3A_221 = arith.extui %and3A : i1 to i32
          %cond3A_222 = arith.constant 0 : i32
          %cond3A_223 = arith.cmpi ne, %convert_element_type3A_221, %cond3A_222 : i32
          scf.if %cond3A_223 {
            "tpu.trace_start"() <{level = 10 : i32, message = "ep_copy_in"}> : () -> ()
            %rem3A_387 = arith.constant 2 : i32
            %rem3A_388 = arith.remui %while3A_174, %rem3A_387 : i32
            %mul3A_389 = arith.constant 128 : i32
            %mul3A_390 = arith.muli %mul3A_389, %add3A_206 : i32
            %dma_start3A_391 = arith.constant 0 : i32
            %dma_start3A_392 = arith.constant 0 : i32
            %dma_start3A_393 = tpu.memref_slice %run_scoped3A[%rem3A_388, %dma_start3A_391, %dma_start3A_392] : memref<2x1x128xi32, #tpu.memory_space<vmem>> -> memref<1x1x128xi32, #tpu.memory_space<vmem>>
            %dma_start3A_394 = tpu.memref_squeeze %dma_start3A_393 : memref<1x1x128xi32, #tpu.memory_space<vmem>> -> memref<1x128xi32, #tpu.memory_space<vmem>>
            %dma_start3A_395 = arith.constant 0 : i32
            %dma_start3A_396 = tpu.memref_slice %arg4[%dma_start3A_395, %mul3A_390] : memref<1x320000xi32, #tpu.memory_space<hbm>> -> memref<1x128xi32, #tpu.memory_space<hbm>>
            %dma_start3A_397 = tpu.memref_slice %run_scoped3A_17[%rem3A_388] : memref<2x!tpu.dma_semaphore, #tpu.memory_space<semaphore_mem>> -> memref<1x!tpu.dma_semaphore, #tpu.memory_space<semaphore_mem>>
            %dma_start3A_398 = tpu.memref_squeeze %dma_start3A_397 : memref<1x!tpu.dma_semaphore, #tpu.memory_space<semaphore_mem>> -> memref<!tpu.dma_semaphore, #tpu.memory_space<semaphore_mem>>
            %dma_start3A_399 = arith.constant 0 : i32
            %dma_start3A_400 = arith.constant 0 : i32
            %dma_start3A_401 = tpu.memref_slice %run_scoped3A[%rem3A_388, %dma_start3A_399, %dma_start3A_400] : memref<2x1x128xi32, #tpu.memory_space<vmem>> -> memref<1x1x128xi32, #tpu.memory_space<vmem>>
            %dma_start3A_402 = tpu.memref_squeeze %dma_start3A_401 : memref<1x1x128xi32, #tpu.memory_space<vmem>> -> memref<1x128xi32, #tpu.memory_space<vmem>>
            %dma_start3A_403 = arith.constant 0 : i32
            %dma_start3A_404 = tpu.memref_slice %arg4[%dma_start3A_403, %mul3A_390] : memref<1x320000xi32, #tpu.memory_space<hbm>> -> memref<1x128xi32, #tpu.memory_space<hbm>>
            tpu.enqueue_dma source(%dma_start3A_404 : memref<1x128xi32, #tpu.memory_space<hbm>>) target(%dma_start3A_402 : memref<1x128xi32, #tpu.memory_space<vmem>>) target_semaphore(%dma_start3A_398 : memref<!tpu.dma_semaphore, #tpu.memory_space<semaphore_mem>>)
            "tpu.trace_stop"() : () -> ()
          } else {
          }
          %and3A_224 = arith.constant true
          %and3A_225 = arith.andi %and3A, %and3A_224 : i1
          %add3A_226 = arith.constant 1 : i32
          %add3A_227 = arith.addi %while3A_174, %add3A_226 : i32
          %select_n3A_228 = arith.select %and3A_225, %add3A_227, %while3A_174 : i32
          %ne3A_229 = arith.cmpi ne, %add3A_188, %add3A_206 : i32
          %or3A_230 = arith.constant false
          %or3A_231 = arith.ori %or3A_230, %ne3A_229 : i1
          %sub3A_232 = arith.constant 2 : i32
          %sub3A_233 = arith.subi %mul3A_182, %sub3A_232 : i32
          %add3A_234 = arith.constant 1 : i32
          %add3A_235 = arith.addi %sub3A_233, %add3A_234 : i32
          %ge3A_236 = arith.cmpi sge, %while3A_173, %add3A_235 : i32
          %not3A_237 = arith.constant true
          %not3A_238 = arith.xori %ge3A_236, %not3A_237 : i1
          %and3A_239 = arith.andi %or3A_231, %not3A_238 : i1
          %convert_element_type3A_240 = arith.extui %and3A_239 : i1 to i32
          %cond3A_241 = arith.constant 0 : i32
          %cond3A_242 = arith.cmpi ne, %convert_element_type3A_240, %cond3A_241 : i32
          scf.if %cond3A_242 {
            "tpu.trace_start"() <{level = 10 : i32, message = "ep_copy_in"}> : () -> ()
            %rem3A_387 = arith.constant 2 : i32
            %rem3A_388 = arith.remui %while3A_176, %rem3A_387 : i32
            %mul3A_389 = arith.constant 128 : i32
            %mul3A_390 = arith.muli %mul3A_389, %add3A_206 : i32
            %dma_start3A_391 = arith.constant 0 : i32
            %dma_start3A_392 = arith.constant 0 : i32
            %dma_start3A_393 = tpu.memref_slice %run_scoped3A_18[%rem3A_388, %dma_start3A_391, %dma_start3A_392] : memref<2x1x128xi32, #tpu.memory_space<vmem>> -> memref<1x1x128xi32, #tpu.memory_space<vmem>>
            %dma_start3A_394 = tpu.memref_squeeze %dma_start3A_393 : memref<1x1x128xi32, #tpu.memory_space<vmem>> -> memref<1x128xi32, #tpu.memory_space<vmem>>
            %dma_start3A_395 = arith.constant 0 : i32
            %dma_start3A_396 = tpu.memref_slice %arg5[%dma_start3A_395, %mul3A_390] : memref<1x320000xi32, #tpu.memory_space<hbm>> -> memref<1x128xi32, #tpu.memory_space<hbm>>
            %dma_start3A_397 = tpu.memref_slice %run_scoped3A_19[%rem3A_388] : memref<2x!tpu.dma_semaphore, #tpu.memory_space<semaphore_mem>> -> memref<1x!tpu.dma_semaphore, #tpu.memory_space<semaphore_mem>>
            %dma_start3A_398 = tpu.memref_squeeze %dma_start3A_397 : memref<1x!tpu.dma_semaphore, #tpu.memory_space<semaphore_mem>> -> memref<!tpu.dma_semaphore, #tpu.memory_space<semaphore_mem>>
            %dma_start3A_399 = arith.constant 0 : i32
            %dma_start3A_400 = arith.constant 0 : i32
            %dma_start3A_401 = tpu.memref_slice %run_scoped3A_18[%rem3A_388, %dma_start3A_399, %dma_start3A_400] : memref<2x1x128xi32, #tpu.memory_space<vmem>> -> memref<1x1x128xi32, #tpu.memory_space<vmem>>
            %dma_start3A_402 = tpu.memref_squeeze %dma_start3A_401 : memref<1x1x128xi32, #tpu.memory_space<vmem>> -> memref<1x128xi32, #tpu.memory_space<vmem>>
            %dma_start3A_403 = arith.constant 0 : i32
            %dma_start3A_404 = tpu.memref_slice %arg5[%dma_start3A_403, %mul3A_390] : memref<1x320000xi32, #tpu.memory_space<hbm>> -> memref<1x128xi32, #tpu.memory_space<hbm>>
            tpu.enqueue_dma source(%dma_start3A_404 : memref<1x128xi32, #tpu.memory_space<hbm>>) target(%dma_start3A_402 : memref<1x128xi32, #tpu.memory_space<vmem>>) target_semaphore(%dma_start3A_398 : memref<!tpu.dma_semaphore, #tpu.memory_space<semaphore_mem>>)
            "tpu.trace_stop"() : () -> ()
          } else {
          }
          %and3A_243 = arith.constant true
          %and3A_244 = arith.andi %and3A_239, %and3A_243 : i1
          %add3A_245 = arith.constant 1 : i32
          %add3A_246 = arith.addi %while3A_176, %add3A_245 : i32
          %select_n3A_247 = arith.select %and3A_244, %add3A_246, %while3A_176 : i32
          %ne3A_248 = arith.cmpi ne, %add3A_188, %add3A_206 : i32
          %or3A_249 = arith.constant false
          %or3A_250 = arith.ori %or3A_249, %ne3A_248 : i1
          %or3A_251 = arith.constant false
          %or3A_252 = arith.ori %or3A_250, %or3A_251 : i1
          %sub3A_253 = arith.constant 2 : i32
          %sub3A_254 = arith.subi %mul3A_182, %sub3A_253 : i32
          %add3A_255 = arith.constant 1 : i32
          %add3A_256 = arith.addi %sub3A_254, %add3A_255 : i32
          %ge3A_257 = arith.cmpi sge, %while3A_173, %add3A_256 : i32
          %not3A_258 = arith.constant true
          %not3A_259 = arith.xori %ge3A_257, %not3A_258 : i1
          %and3A_260 = arith.andi %or3A_252, %not3A_259 : i1
          %ne3A_261 = arith.cmpi ne, %add3A_188, %add3A_198 : i32
          %or3A_262 = arith.constant false
          %or3A_263 = arith.ori %or3A_262, %ne3A_261 : i1
          %or3A_264 = arith.ori %or3A_263, %eq3A_184 : i1
          %convert_element_type3A_265 = arith.extui %or3A_264 : i1 to i32
          %cond3A_266 = arith.constant 0 : i32
          %cond3A_267 = arith.cmpi ne, %convert_element_type3A_265, %cond3A_266 : i32
          scf.if %cond3A_267 {
            "tpu.trace_start"() <{level = 10 : i32, message = "ep_wait_in"}> : () -> ()
            %mul3A_387 = arith.constant 128 : i32
            %mul3A_388 = arith.muli %mul3A_387, %add3A_188 : i32
            %rem3A_389 = arith.constant 2 : i32
            %rem3A_390 = arith.remui %while3A_175, %rem3A_389 : i32
            %dma_wait3A = arith.constant 0 : i32
            %dma_wait3A_391 = arith.constant 0 : i32
            %dma_wait3A_392 = tpu.memref_slice %run_scoped3A[%rem3A_390, %dma_wait3A, %dma_wait3A_391] : memref<2x1x128xi32, #tpu.memory_space<vmem>> -> memref<1x1x128xi32, #tpu.memory_space<vmem>>
            %dma_wait3A_393 = tpu.memref_squeeze %dma_wait3A_392 : memref<1x1x128xi32, #tpu.memory_space<vmem>> -> memref<1x128xi32, #tpu.memory_space<vmem>>
            %dma_wait3A_394 = arith.constant 0 : i32
            %dma_wait3A_395 = tpu.memref_slice %arg4[%dma_wait3A_394, %mul3A_388] : memref<1x320000xi32, #tpu.memory_space<hbm>> -> memref<1x128xi32, #tpu.memory_space<hbm>>
            %dma_wait3A_396 = tpu.memref_slice %run_scoped3A_17[%rem3A_390] : memref<2x!tpu.dma_semaphore, #tpu.memory_space<semaphore_mem>> -> memref<1x!tpu.dma_semaphore, #tpu.memory_space<semaphore_mem>>
            %dma_wait3A_397 = tpu.memref_squeeze %dma_wait3A_396 : memref<1x!tpu.dma_semaphore, #tpu.memory_space<semaphore_mem>> -> memref<!tpu.dma_semaphore, #tpu.memory_space<semaphore_mem>>
            %dma_wait3A_398 = arith.constant 0 : i32
            %dma_wait3A_399 = arith.constant 0 : i32
            %dma_wait3A_400 = tpu.memref_slice %run_scoped3A[%rem3A_390, %dma_wait3A_398, %dma_wait3A_399] : memref<2x1x128xi32, #tpu.memory_space<vmem>> -> memref<1x1x128xi32, #tpu.memory_space<vmem>>
            %dma_wait3A_401 = tpu.memref_squeeze %dma_wait3A_400 : memref<1x1x128xi32, #tpu.memory_space<vmem>> -> memref<1x128xi32, #tpu.memory_space<vmem>>
            %dma_wait3A_402 = arith.constant 0 : i32
            %dma_wait3A_403 = tpu.memref_slice %arg4[%dma_wait3A_402, %mul3A_388] : memref<1x320000xi32, #tpu.memory_space<hbm>> -> memref<1x128xi32, #tpu.memory_space<hbm>>
            tpu.wait_dma2 semaphore(%dma_wait3A_397 : memref<!tpu.dma_semaphore, #tpu.memory_space<semaphore_mem>>) src(%dma_wait3A_403 : memref<1x128xi32, #tpu.memory_space<hbm>>) dst(%dma_wait3A_401 : memref<1x128xi32, #tpu.memory_space<vmem>>)
            "tpu.trace_stop"() : () -> ()
          } else {
          }
          %ne3A_268 = arith.cmpi ne, %add3A_188, %add3A_198 : i32
          %or3A_269 = arith.constant false
          %or3A_270 = arith.ori %or3A_269, %ne3A_268 : i1
          %or3A_271 = arith.ori %or3A_270, %eq3A_184 : i1
          %convert_element_type3A_272 = arith.extui %or3A_271 : i1 to i32
          %cond3A_273 = arith.constant 0 : i32
          %cond3A_274 = arith.cmpi ne, %convert_element_type3A_272, %cond3A_273 : i32
          scf.if %cond3A_274 {
            "tpu.trace_start"() <{level = 10 : i32, message = "ep_wait_in"}> : () -> ()
            %mul3A_387 = arith.constant 128 : i32
            %mul3A_388 = arith.muli %mul3A_387, %add3A_188 : i32
            %rem3A_389 = arith.constant 2 : i32
            %rem3A_390 = arith.remui %while3A_177, %rem3A_389 : i32
            %dma_wait3A = arith.constant 0 : i32
            %dma_wait3A_391 = arith.constant 0 : i32
            %dma_wait3A_392 = tpu.memref_slice %run_scoped3A_18[%rem3A_390, %dma_wait3A, %dma_wait3A_391] : memref<2x1x128xi32, #tpu.memory_space<vmem>> -> memref<1x1x128xi32, #tpu.memory_space<vmem>>
            %dma_wait3A_393 = tpu.memref_squeeze %dma_wait3A_392 : memref<1x1x128xi32, #tpu.memory_space<vmem>> -> memref<1x128xi32, #tpu.memory_space<vmem>>
            %dma_wait3A_394 = arith.constant 0 : i32
            %dma_wait3A_395 = tpu.memref_slice %arg5[%dma_wait3A_394, %mul3A_388] : memref<1x320000xi32, #tpu.memory_space<hbm>> -> memref<1x128xi32, #tpu.memory_space<hbm>>
            %dma_wait3A_396 = tpu.memref_slice %run_scoped3A_19[%rem3A_390] : memref<2x!tpu.dma_semaphore, #tpu.memory_space<semaphore_mem>> -> memref<1x!tpu.dma_semaphore, #tpu.memory_space<semaphore_mem>>
            %dma_wait3A_397 = tpu.memref_squeeze %dma_wait3A_396 : memref<1x!tpu.dma_semaphore, #tpu.memory_space<semaphore_mem>> -> memref<!tpu.dma_semaphore, #tpu.memory_space<semaphore_mem>>
            %dma_wait3A_398 = arith.constant 0 : i32
            %dma_wait3A_399 = arith.constant 0 : i32
            %dma_wait3A_400 = tpu.memref_slice %run_scoped3A_18[%rem3A_390, %dma_wait3A_398, %dma_wait3A_399] : memref<2x1x128xi32, #tpu.memory_space<vmem>> -> memref<1x1x128xi32, #tpu.memory_space<vmem>>
            %dma_wait3A_401 = tpu.memref_squeeze %dma_wait3A_400 : memref<1x1x128xi32, #tpu.memory_space<vmem>> -> memref<1x128xi32, #tpu.memory_space<vmem>>
            %dma_wait3A_402 = arith.constant 0 : i32
            %dma_wait3A_403 = tpu.memref_slice %arg5[%dma_wait3A_402, %mul3A_388] : memref<1x320000xi32, #tpu.memory_space<hbm>> -> memref<1x128xi32, #tpu.memory_space<hbm>>
            tpu.wait_dma2 semaphore(%dma_wait3A_397 : memref<!tpu.dma_semaphore, #tpu.memory_space<semaphore_mem>>) src(%dma_wait3A_403 : memref<1x128xi32, #tpu.memory_space<hbm>>) dst(%dma_wait3A_401 : memref<1x128xi32, #tpu.memory_space<vmem>>)
            "tpu.trace_stop"() : () -> ()
          } else {
          }
          %ne3A_275 = arith.cmpi ne, %add3A_188, %add3A_198 : i32
          %or3A_276 = arith.constant false
          %or3A_277 = arith.ori %or3A_276, %ne3A_275 : i1
          %or3A_278 = arith.constant false
          %or3A_279 = arith.ori %or3A_277, %or3A_278 : i1
          %or3A_280 = arith.ori %or3A_279, %eq3A_184 : i1
          %convert_element_type3A_281 = arith.extui %or3A_280 : i1 to i32
          %cond3A_282 = arith.constant 0 : i32
          %cond3A_283 = arith.cmpi ne, %convert_element_type3A_281, %cond3A_282 : i32
          scf.if %cond3A_283 {
          } else {
          }
          %rem3A_284 = arith.constant 2 : i32
          %rem3A_285 = arith.remui %while3A_175, %rem3A_284 : i32
          %rem3A_286 = arith.constant 2 : i32
          %rem3A_287 = arith.remui %while3A_177, %rem3A_286 : i32
          %rem3A_288 = arith.constant 2 : i32
          %rem3A_289 = arith.remui %while3A_178, %rem3A_288 : i32
          %run_scoped3A_290 = arith.constant 0 : i32
          "tpu.trace_start"() <{level = 10 : i32, message = "ep_run_kernel"}> : () -> ()
          "tpu.region"() ({
            %run_scoped3A_387 = tpu.sem_alloc : memref<!tpu.dma_semaphore, #tpu.memory_space<semaphore_mem>>
            %dma_start3A_388 = arith.constant 0 : i32
            %dma_start3A_389 = arith.constant 0 : i32
            %dma_start3A_390 = tpu.memref_slice %run_scoped3A_20[%rem3A_289, %dma_start3A_388, %dma_start3A_389] : memref<2x128x128xf32, #tpu.memory_space<vmem>> -> memref<1x128x128xf32, #tpu.memory_space<vmem>>
            %dma_start3A_391 = tpu.memref_squeeze %dma_start3A_390 : memref<1x128x128xf32, #tpu.memory_space<vmem>> -> memref<128x128xf32, #tpu.memory_space<vmem>>
            %dma_start3A_392 = arith.constant 0 : i32
            %dma_start3A_393 = arith.constant 0 : i32
            %dma_start3A_394 = tpu.memref_slice %run_scoped3A[%rem3A_285, %dma_start3A_392, %dma_start3A_393] : memref<2x1x128xi32, #tpu.memory_space<vmem>> -> memref<1x1x128xi32, #tpu.memory_space<vmem>>
            %dma_start3A_395 = tpu.memref_squeeze %dma_start3A_394 : memref<1x1x128xi32, #tpu.memory_space<vmem>> -> memref<1x128xi32, #tpu.memory_space<vmem>>
            %dma_start3A_396 = arith.constant 0 : i32
            %dma_start3A_397 = tpu.memref_slice %dma_start3A_395[%run_scoped3A_290, %dma_start3A_396] : memref<1x128xi32, #tpu.memory_space<vmem>> -> memref<1x128xi32, #tpu.memory_space<vmem>>
            %dma_start3A_398 = tpu.memref_squeeze %dma_start3A_397 : memref<1x128xi32, #tpu.memory_space<vmem>> -> memref<128xi32, #tpu.memory_space<vmem>>
            %dma_start3A_399 = arith.constant 0 : i32
            %dma_start3A_400 = arith.constant 0 : i32
            %dma_start3A_401 = tpu.memref_slice %arg2[%dma_start3A_399, %dma_start3A_400] : memref<10000x128xf32, #tpu.memory_space<hbm>> -> memref<10000x128xf32, #tpu.memory_space<hbm>>
            tpu.enqueue_indirect_dma source(%dma_start3A_401 : memref<10000x128xf32, #tpu.memory_space<hbm>>) target(%dma_start3A_391 : memref<128x128xf32, #tpu.memory_space<vmem>>) offsets(%dma_start3A_398 : memref<128xi32, #tpu.memory_space<vmem>>) semaphore(%run_scoped3A_387 : memref<!tpu.dma_semaphore, #tpu.memory_space<semaphore_mem>>)
            %dma_wait3A = arith.constant 0 : i32
            %dma_wait3A_402 = arith.constant 0 : i32
            %dma_wait3A_403 = tpu.memref_slice %run_scoped3A_20[%rem3A_289, %dma_wait3A, %dma_wait3A_402] : memref<2x128x128xf32, #tpu.memory_space<vmem>> -> memref<1x128x128xf32, #tpu.memory_space<vmem>>
            %dma_wait3A_404 = tpu.memref_squeeze %dma_wait3A_403 : memref<1x128x128xf32, #tpu.memory_space<vmem>> -> memref<128x128xf32, #tpu.memory_space<vmem>>
            %dma_wait3A_405 = arith.constant 0 : i32
            %dma_wait3A_406 = arith.constant 0 : i32
            %dma_wait3A_407 = tpu.memref_slice %run_scoped3A[%rem3A_285, %dma_wait3A_405, %dma_wait3A_406] : memref<2x1x128xi32, #tpu.memory_space<vmem>> -> memref<1x1x128xi32, #tpu.memory_space<vmem>>
            %dma_wait3A_408 = tpu.memref_squeeze %dma_wait3A_407 : memref<1x1x128xi32, #tpu.memory_space<vmem>> -> memref<1x128xi32, #tpu.memory_space<vmem>>
            %dma_wait3A_409 = arith.constant 0 : i32
            %dma_wait3A_410 = tpu.memref_slice %dma_wait3A_408[%run_scoped3A_290, %dma_wait3A_409] : memref<1x128xi32, #tpu.memory_space<vmem>> -> memref<1x128xi32, #tpu.memory_space<vmem>>
            %dma_wait3A_411 = tpu.memref_squeeze %dma_wait3A_410 : memref<1x128xi32, #tpu.memory_space<vmem>> -> memref<128xi32, #tpu.memory_space<vmem>>
            %dma_wait3A_412 = arith.constant 0 : i32
            %dma_wait3A_413 = arith.constant 0 : i32
            %dma_wait3A_414 = tpu.memref_slice %arg2[%dma_wait3A_412, %dma_wait3A_413] : memref<10000x128xf32, #tpu.memory_space<hbm>> -> memref<10000x128xf32, #tpu.memory_space<hbm>>
            tpu.wait_indirect_dma semaphore(%run_scoped3A_387 : memref<!tpu.dma_semaphore, #tpu.memory_space<semaphore_mem>>) src(%dma_wait3A_414 : memref<10000x128xf32, #tpu.memory_space<hbm>>) dst(%dma_wait3A_404 : memref<128x128xf32, #tpu.memory_space<vmem>>)
            tpu.yield
          }) : () -> ()
          %run_scoped3A_291 = arith.constant 0 : i32
          "tpu.region"() ({
            %run_scoped3A_387 = tpu.sem_alloc : memref<!tpu.dma_semaphore, #tpu.memory_space<semaphore_mem>>
            %dma_start3A_388 = arith.constant 0 : i32
            %dma_start3A_389 = arith.constant 0 : i32
            %dma_start3A_390 = tpu.memref_slice %run_scoped3A_18[%rem3A_287, %dma_start3A_388, %dma_start3A_389] : memref<2x1x128xi32, #tpu.memory_space<vmem>> -> memref<1x1x128xi32, #tpu.memory_space<vmem>>
            %dma_start3A_391 = tpu.memref_squeeze %dma_start3A_390 : memref<1x1x128xi32, #tpu.memory_space<vmem>> -> memref<1x128xi32, #tpu.memory_space<vmem>>
            %dma_start3A_392 = arith.constant 0 : i32
            %dma_start3A_393 = tpu.memref_slice %dma_start3A_391[%run_scoped3A_291, %dma_start3A_392] : memref<1x128xi32, #tpu.memory_space<vmem>> -> memref<1x128xi32, #tpu.memory_space<vmem>>
            %dma_start3A_394 = tpu.memref_squeeze %dma_start3A_393 : memref<1x128xi32, #tpu.memory_space<vmem>> -> memref<128xi32, #tpu.memory_space<vmem>>
            %dma_start3A_395 = arith.constant 0 : i32
            %dma_start3A_396 = arith.constant 0 : i32
            %dma_start3A_397 = tpu.memref_slice %arg3[%dma_start3A_395, %dma_start3A_396] : memref<10000x128xf32, #tpu.memory_space<hbm>> -> memref<10000x128xf32, #tpu.memory_space<hbm>>
            tpu.enqueue_indirect_dma source(%dma_start3A_397 : memref<10000x128xf32, #tpu.memory_space<hbm>>) target(%arg7 : memref<128x128xf32, #tpu.memory_space<vmem>>) offsets(%dma_start3A_394 : memref<128xi32, #tpu.memory_space<vmem>>) semaphore(%run_scoped3A_387 : memref<!tpu.dma_semaphore, #tpu.memory_space<semaphore_mem>>)
            %dma_wait3A = arith.constant 0 : i32
            %dma_wait3A_398 = arith.constant 0 : i32
            %dma_wait3A_399 = tpu.memref_slice %run_scoped3A_18[%rem3A_287, %dma_wait3A, %dma_wait3A_398] : memref<2x1x128xi32, #tpu.memory_space<vmem>> -> memref<1x1x128xi32, #tpu.memory_space<vmem>>
            %dma_wait3A_400 = tpu.memref_squeeze %dma_wait3A_399 : memref<1x1x128xi32, #tpu.memory_space<vmem>> -> memref<1x128xi32, #tpu.memory_space<vmem>>
            %dma_wait3A_401 = arith.constant 0 : i32
            %dma_wait3A_402 = tpu.memref_slice %dma_wait3A_400[%run_scoped3A_291, %dma_wait3A_401] : memref<1x128xi32, #tpu.memory_space<vmem>> -> memref<1x128xi32, #tpu.memory_space<vmem>>
            %dma_wait3A_403 = tpu.memref_squeeze %dma_wait3A_402 : memref<1x128xi32, #tpu.memory_space<vmem>> -> memref<128xi32, #tpu.memory_space<vmem>>
            %dma_wait3A_404 = arith.constant 0 : i32
            %dma_wait3A_405 = arith.constant 0 : i32
            %dma_wait3A_406 = tpu.memref_slice %arg3[%dma_wait3A_404, %dma_wait3A_405] : memref<10000x128xf32, #tpu.memory_space<hbm>> -> memref<10000x128xf32, #tpu.memory_space<hbm>>
            tpu.wait_indirect_dma semaphore(%run_scoped3A_387 : memref<!tpu.dma_semaphore, #tpu.memory_space<semaphore_mem>>) src(%dma_wait3A_406 : memref<10000x128xf32, #tpu.memory_space<hbm>>) dst(%arg7 : memref<128x128xf32, #tpu.memory_space<vmem>>)
            tpu.yield
          }) : () -> ()
          %scan3A = arith.constant 0 : i32
          %scan3A_292 = arith.constant 128 : i32
          %scan3A_293 = arith.addi %scan3A, %scan3A_292 : i32
          %scan3A_294 = arith.constant 1 : i32
          scf.for %scan3A_387 = %scan3A to %scan3A_293 step %scan3A_294  : i32 {
            %mul3A_388 = arith.constant 1 : i32
            %mul3A_389 = arith.muli %scan3A_387, %mul3A_388 : i32
            %add3A_390 = arith.constant 0 : i32
            %add3A_391 = arith.addi %add3A_390, %mul3A_389 : i32
            %get3A = arith.constant 0 : i32
            %get3A_392 = arith.constant 0 : i32
            %get3A_393 = tpu.memref_slice %run_scoped3A_20[%rem3A_289, %get3A, %get3A_392] : memref<2x128x128xf32, #tpu.memory_space<vmem>> -> memref<1x128x128xf32, #tpu.memory_space<vmem>>
            %get3A_394 = tpu.memref_squeeze %get3A_393 : memref<1x128x128xf32, #tpu.memory_space<vmem>> -> memref<128x128xf32, #tpu.memory_space<vmem>>
            %get3A_395 = arith.index_cast %add3A_391 : i32 to index
            %get3A_396 = arith.constant 0 : index
            %get3A_397 = tpu.vector_load %get3A_394[%get3A_395, %get3A_396] {strides = array<i32>} : memref<128x128xf32, #tpu.memory_space<vmem>>, vector<1x16xf32>,
            %get3A_398 = vector.shape_cast %get3A_397 : vector<1x16xf32> to vector<1x16xf32>
            %get3A_399 = arith.index_cast %add3A_391 : i32 to index
            %get3A_400 = arith.constant 0 : index
            %get3A_401 = tpu.vector_load %arg7[%get3A_399, %get3A_400] {strides = array<i32>} : memref<128x128xf32, #tpu.memory_space<vmem>>, vector<1x16xf32>,
            %get3A_402 = vector.shape_cast %get3A_401 : vector<1x16xf32> to vector<1x16xf32>
            %add3A_403 = arith.addf %get3A_398, %get3A_402 : vector<1x16xf32>
            %swap3A = arith.constant 0 : i32
            %swap3A_404 = arith.constant 0 : i32
            %swap3A_405 = tpu.memref_slice %run_scoped3A_20[%rem3A_289, %swap3A, %swap3A_404] : memref<2x128x128xf32, #tpu.memory_space<vmem>> -> memref<1x128x128xf32, #tpu.memory_space<vmem>>
            %swap3A_406 = tpu.memref_squeeze %swap3A_405 : memref<1x128x128xf32, #tpu.memory_space<vmem>> -> memref<128x128xf32, #tpu.memory_space<vmem>>
            %swap3A_407 = arith.index_cast %add3A_391 : i32 to index
            %swap3A_408 = arith.constant 0 : index
            %swap3A_409 = tpu.vector_load %swap3A_406[%swap3A_407, %swap3A_408] {strides = array<i32>} : memref<128x128xf32, #tpu.memory_space<vmem>>, vector<1x16xf32>,
            %swap3A_410 = vector.shape_cast %swap3A_409 : vector<1x16xf32> to vector<1x16xf32>
            %swap3A_411 = vector.shape_cast %add3A_403 : vector<1x16xf32> to vector<1x16xf32>
            tpu.vector_store %swap3A_406[%swap3A_407, %swap3A_408], %swap3A_411 {strides = array<i32>} : memref<128x128xf32, #tpu.memory_space<vmem>>, vector<1x16xf32>,
            %get3A_412 = arith.constant 0 : i32
            %get3A_413 = arith.constant 0 : i32
            %get3A_414 = tpu.memref_slice %run_scoped3A_20[%rem3A_289, %get3A_412, %get3A_413] : memref<2x128x128xf32, #tpu.memory_space<vmem>> -> memref<1x128x128xf32, #tpu.memory_space<vmem>>
            %get3A_415 = tpu.memref_squeeze %get3A_414 : memref<1x128x128xf32, #tpu.memory_space<vmem>> -> memref<128x128xf32, #tpu.memory_space<vmem>>
            %get3A_416 = arith.index_cast %add3A_391 : i32 to index
            %get3A_417 = arith.constant 16 : index
            %get3A_418 = tpu.vector_load %get3A_415[%get3A_416, %get3A_417] {strides = array<i32>} : memref<128x128xf32, #tpu.memory_space<vmem>>, vector<1x16xf32>,
            %get3A_419 = vector.shape_cast %get3A_418 : vector<1x16xf32> to vector<1x16xf32>
            %get3A_420 = arith.index_cast %add3A_391 : i32 to index
            %get3A_421 = arith.constant 16 : index
            %get3A_422 = tpu.vector_load %arg7[%get3A_420, %get3A_421] {strides = array<i32>} : memref<128x128xf32, #tpu.memory_space<vmem>>, vector<1x16xf32>,
            %get3A_423 = vector.shape_cast %get3A_422 : vector<1x16xf32> to vector<1x16xf32>
            %add3A_424 = arith.addf %get3A_419, %get3A_423 : vector<1x16xf32>
            %swap3A_425 = arith.constant 0 : i32
            %swap3A_426 = arith.constant 0 : i32
            %swap3A_427 = tpu.memref_slice %run_scoped3A_20[%rem3A_289, %swap3A_425, %swap3A_426] : memref<2x128x128xf32, #tpu.memory_space<vmem>> -> memref<1x128x128xf32, #tpu.memory_space<vmem>>
            %swap3A_428 = tpu.memref_squeeze %swap3A_427 : memref<1x128x128xf32, #tpu.memory_space<vmem>> -> memref<128x128xf32, #tpu.memory_space<vmem>>
            %swap3A_429 = arith.index_cast %add3A_391 : i32 to index
            %swap3A_430 = arith.constant 16 : index
            %swap3A_431 = tpu.vector_load %swap3A_428[%swap3A_429, %swap3A_430] {strides = array<i32>} : memref<128x128xf32, #tpu.memory_space<vmem>>, vector<1x16xf32>,
            %swap3A_432 = vector.shape_cast %swap3A_431 : vector<1x16xf32> to vector<1x16xf32>
            %swap3A_433 = vector.shape_cast %add3A_424 : vector<1x16xf32> to vector<1x16xf32>
            tpu.vector_store %swap3A_428[%swap3A_429, %swap3A_430], %swap3A_433 {strides = array<i32>} : memref<128x128xf32, #tpu.memory_space<vmem>>, vector<1x16xf32>,
            %get3A_434 = arith.constant 0 : i32
            %get3A_435 = arith.constant 0 : i32
            %get3A_436 = tpu.memref_slice %run_scoped3A_20[%rem3A_289, %get3A_434, %get3A_435] : memref<2x128x128xf32, #tpu.memory_space<vmem>> -> memref<1x128x128xf32, #tpu.memory_space<vmem>>
            %get3A_437 = tpu.memref_squeeze %get3A_436 : memref<1x128x128xf32, #tpu.memory_space<vmem>> -> memref<128x128xf32, #tpu.memory_space<vmem>>
            %get3A_438 = arith.index_cast %add3A_391 : i32 to index
            %get3A_439 = arith.constant 32 : index
            %get3A_440 = tpu.vector_load %get3A_437[%get3A_438, %get3A_439] {strides = array<i32>} : memref<128x128xf32, #tpu.memory_space<vmem>>, vector<1x16xf32>,
            %get3A_441 = vector.shape_cast %get3A_440 : vector<1x16xf32> to vector<1x16xf32>
            %get3A_442 = arith.index_cast %add3A_391 : i32 to index
            %get3A_443 = arith.constant 32 : index
            %get3A_444 = tpu.vector_load %arg7[%get3A_442, %get3A_443] {strides = array<i32>} : memref<128x128xf32, #tpu.memory_space<vmem>>, vector<1x16xf32>,
            %get3A_445 = vector.shape_cast %get3A_444 : vector<1x16xf32> to vector<1x16xf32>
            %add3A_446 = arith.addf %get3A_441, %get3A_445 : vector<1x16xf32>
            %swap3A_447 = arith.constant 0 : i32
            %swap3A_448 = arith.constant 0 : i32
            %swap3A_449 = tpu.memref_slice %run_scoped3A_20[%rem3A_289, %swap3A_447, %swap3A_448] : memref<2x128x128xf32, #tpu.memory_space<vmem>> -> memref<1x128x128xf32, #tpu.memory_space<vmem>>
            %swap3A_450 = tpu.memref_squeeze %swap3A_449 : memref<1x128x128xf32, #tpu.memory_space<vmem>> -> memref<128x128xf32, #tpu.memory_space<vmem>>
            %swap3A_451 = arith.index_cast %add3A_391 : i32 to index
            %swap3A_452 = arith.constant 32 : index
            %swap3A_453 = tpu.vector_load %swap3A_450[%swap3A_451, %swap3A_452] {strides = array<i32>} : memref<128x128xf32, #tpu.memory_space<vmem>>, vector<1x16xf32>,
            %swap3A_454 = vector.shape_cast %swap3A_453 : vector<1x16xf32> to vector<1x16xf32>
            %swap3A_455 = vector.shape_cast %add3A_446 : vector<1x16xf32> to vector<1x16xf32>
            tpu.vector_store %swap3A_450[%swap3A_451, %swap3A_452], %swap3A_455 {strides = array<i32>} : memref<128x128xf32, #tpu.memory_space<vmem>>, vector<1x16xf32>,
            %get3A_456 = arith.constant 0 : i32
            %get3A_457 = arith.constant 0 : i32
            %get3A_458 = tpu.memref_slice %run_scoped3A_20[%rem3A_289, %get3A_456, %get3A_457] : memref<2x128x128xf32, #tpu.memory_space<vmem>> -> memref<1x128x128xf32, #tpu.memory_space<vmem>>
            %get3A_459 = tpu.memref_squeeze %get3A_458 : memref<1x128x128xf32, #tpu.memory_space<vmem>> -> memref<128x128xf32, #tpu.memory_space<vmem>>
            %get3A_460 = arith.index_cast %add3A_391 : i32 to index
            %get3A_461 = arith.constant 48 : index
            %get3A_462 = tpu.vector_load %get3A_459[%get3A_460, %get3A_461] {strides = array<i32>} : memref<128x128xf32, #tpu.memory_space<vmem>>, vector<1x16xf32>,
            %get3A_463 = vector.shape_cast %get3A_462 : vector<1x16xf32> to vector<1x16xf32>
            %get3A_464 = arith.index_cast %add3A_391 : i32 to index
            %get3A_465 = arith.constant 48 : index
            %get3A_466 = tpu.vector_load %arg7[%get3A_464, %get3A_465] {strides = array<i32>} : memref<128x128xf32, #tpu.memory_space<vmem>>, vector<1x16xf32>,
            %get3A_467 = vector.shape_cast %get3A_466 : vector<1x16xf32> to vector<1x16xf32>
            %add3A_468 = arith.addf %get3A_463, %get3A_467 : vector<1x16xf32>
            %swap3A_469 = arith.constant 0 : i32
            %swap3A_470 = arith.constant 0 : i32
            %swap3A_471 = tpu.memref_slice %run_scoped3A_20[%rem3A_289, %swap3A_469, %swap3A_470] : memref<2x128x128xf32, #tpu.memory_space<vmem>> -> memref<1x128x128xf32, #tpu.memory_space<vmem>>
            %swap3A_472 = tpu.memref_squeeze %swap3A_471 : memref<1x128x128xf32, #tpu.memory_space<vmem>> -> memref<128x128xf32, #tpu.memory_space<vmem>>
            %swap3A_473 = arith.index_cast %add3A_391 : i32 to index
            %swap3A_474 = arith.constant 48 : index
            %swap3A_475 = tpu.vector_load %swap3A_472[%swap3A_473, %swap3A_474] {strides = array<i32>} : memref<128x128xf32, #tpu.memory_space<vmem>>, vector<1x16xf32>,
            %swap3A_476 = vector.shape_cast %swap3A_475 : vector<1x16xf32> to vector<1x16xf32>
            %swap3A_477 = vector.shape_cast %add3A_468 : vector<1x16xf32> to vector<1x16xf32>
            tpu.vector_store %swap3A_472[%swap3A_473, %swap3A_474], %swap3A_477 {strides = array<i32>} : memref<128x128xf32, #tpu.memory_space<vmem>>, vector<1x16xf32>,
            %get3A_478 = arith.constant 0 : i32
            %get3A_479 = arith.constant 0 : i32
            %get3A_480 = tpu.memref_slice %run_scoped3A_20[%rem3A_289, %get3A_478, %get3A_479] : memref<2x128x128xf32, #tpu.memory_space<vmem>> -> memref<1x128x128xf32, #tpu.memory_space<vmem>>
            %get3A_481 = tpu.memref_squeeze %get3A_480 : memref<1x128x128xf32, #tpu.memory_space<vmem>> -> memref<128x128xf32, #tpu.memory_space<vmem>>
            %get3A_482 = arith.index_cast %add3A_391 : i32 to index
            %get3A_483 = arith.constant 64 : index
            %get3A_484 = tpu.vector_load %get3A_481[%get3A_482, %get3A_483] {strides = array<i32>} : memref<128x128xf32, #tpu.memory_space<vmem>>, vector<1x16xf32>,
            %get3A_485 = vector.shape_cast %get3A_484 : vector<1x16xf32> to vector<1x16xf32>
            %get3A_486 = arith.index_cast %add3A_391 : i32 to index
            %get3A_487 = arith.constant 64 : index
            %get3A_488 = tpu.vector_load %arg7[%get3A_486, %get3A_487] {strides = array<i32>} : memref<128x128xf32, #tpu.memory_space<vmem>>, vector<1x16xf32>,
            %get3A_489 = vector.shape_cast %get3A_488 : vector<1x16xf32> to vector<1x16xf32>
            %add3A_490 = arith.addf %get3A_485, %get3A_489 : vector<1x16xf32>
            %swap3A_491 = arith.constant 0 : i32
            %swap3A_492 = arith.constant 0 : i32
            %swap3A_493 = tpu.memref_slice %run_scoped3A_20[%rem3A_289, %swap3A_491, %swap3A_492] : memref<2x128x128xf32, #tpu.memory_space<vmem>> -> memref<1x128x128xf32, #tpu.memory_space<vmem>>
            %swap3A_494 = tpu.memref_squeeze %swap3A_493 : memref<1x128x128xf32, #tpu.memory_space<vmem>> -> memref<128x128xf32, #tpu.memory_space<vmem>>
            %swap3A_495 = arith.index_cast %add3A_391 : i32 to index
            %swap3A_496 = arith.constant 64 : index
            %swap3A_497 = tpu.vector_load %swap3A_494[%swap3A_495, %swap3A_496] {strides = array<i32>} : memref<128x128xf32, #tpu.memory_space<vmem>>, vector<1x16xf32>,
            %swap3A_498 = vector.shape_cast %swap3A_497 : vector<1x16xf32> to vector<1x16xf32>
            %swap3A_499 = vector.shape_cast %add3A_490 : vector<1x16xf32> to vector<1x16xf32>
            tpu.vector_store %swap3A_494[%swap3A_495, %swap3A_496], %swap3A_499 {strides = array<i32>} : memref<128x128xf32, #tpu.memory_space<vmem>>, vector<1x16xf32>,
            %get3A_500 = arith.constant 0 : i32
            %get3A_501 = arith.constant 0 : i32
            %get3A_502 = tpu.memref_slice %run_scoped3A_20[%rem3A_289, %get3A_500, %get3A_501] : memref<2x128x128xf32, #tpu.memory_space<vmem>> -> memref<1x128x128xf32, #tpu.memory_space<vmem>>
            %get3A_503 = tpu.memref_squeeze %get3A_502 : memref<1x128x128xf32, #tpu.memory_space<vmem>> -> memref<128x128xf32, #tpu.memory_space<vmem>>
            %get3A_504 = arith.index_cast %add3A_391 : i32 to index
            %get3A_505 = arith.constant 80 : index
            %get3A_506 = tpu.vector_load %get3A_503[%get3A_504, %get3A_505] {strides = array<i32>} : memref<128x128xf32, #tpu.memory_space<vmem>>, vector<1x16xf32>,
            %get3A_507 = vector.shape_cast %get3A_506 : vector<1x16xf32> to vector<1x16xf32>
            %get3A_508 = arith.index_cast %add3A_391 : i32 to index
            %get3A_509 = arith.constant 80 : index
            %get3A_510 = tpu.vector_load %arg7[%get3A_508, %get3A_509] {strides = array<i32>} : memref<128x128xf32, #tpu.memory_space<vmem>>, vector<1x16xf32>,
            %get3A_511 = vector.shape_cast %get3A_510 : vector<1x16xf32> to vector<1x16xf32>
            %add3A_512 = arith.addf %get3A_507, %get3A_511 : vector<1x16xf32>
            %swap3A_513 = arith.constant 0 : i32
            %swap3A_514 = arith.constant 0 : i32
            %swap3A_515 = tpu.memref_slice %run_scoped3A_20[%rem3A_289, %swap3A_513, %swap3A_514] : memref<2x128x128xf32, #tpu.memory_space<vmem>> -> memref<1x128x128xf32, #tpu.memory_space<vmem>>
            %swap3A_516 = tpu.memref_squeeze %swap3A_515 : memref<1x128x128xf32, #tpu.memory_space<vmem>> -> memref<128x128xf32, #tpu.memory_space<vmem>>
            %swap3A_517 = arith.index_cast %add3A_391 : i32 to index
            %swap3A_518 = arith.constant 80 : index
            %swap3A_519 = tpu.vector_load %swap3A_516[%swap3A_517, %swap3A_518] {strides = array<i32>} : memref<128x128xf32, #tpu.memory_space<vmem>>, vector<1x16xf32>,
            %swap3A_520 = vector.shape_cast %swap3A_519 : vector<1x16xf32> to vector<1x16xf32>
            %swap3A_521 = vector.shape_cast %add3A_512 : vector<1x16xf32> to vector<1x16xf32>
            tpu.vector_store %swap3A_516[%swap3A_517, %swap3A_518], %swap3A_521 {strides = array<i32>} : memref<128x128xf32, #tpu.memory_space<vmem>>, vector<1x16xf32>,
            %get3A_522 = arith.constant 0 : i32
            %get3A_523 = arith.constant 0 : i32
            %get3A_524 = tpu.memref_slice %run_scoped3A_20[%rem3A_289, %get3A_522, %get3A_523] : memref<2x128x128xf32, #tpu.memory_space<vmem>> -> memref<1x128x128xf32, #tpu.memory_space<vmem>>
            %get3A_525 = tpu.memref_squeeze %get3A_524 : memref<1x128x128xf32, #tpu.memory_space<vmem>> -> memref<128x128xf32, #tpu.memory_space<vmem>>
            %get3A_526 = arith.index_cast %add3A_391 : i32 to index
            %get3A_527 = arith.constant 96 : index
            %get3A_528 = tpu.vector_load %get3A_525[%get3A_526, %get3A_527] {strides = array<i32>} : memref<128x128xf32, #tpu.memory_space<vmem>>, vector<1x16xf32>,
            %get3A_529 = vector.shape_cast %get3A_528 : vector<1x16xf32> to vector<1x16xf32>
            %get3A_530 = arith.index_cast %add3A_391 : i32 to index
            %get3A_531 = arith.constant 96 : index
            %get3A_532 = tpu.vector_load %arg7[%get3A_530, %get3A_531] {strides = array<i32>} : memref<128x128xf32, #tpu.memory_space<vmem>>, vector<1x16xf32>,
            %get3A_533 = vector.shape_cast %get3A_532 : vector<1x16xf32> to vector<1x16xf32>
            %add3A_534 = arith.addf %get3A_529, %get3A_533 : vector<1x16xf32>
            %swap3A_535 = arith.constant 0 : i32
            %swap3A_536 = arith.constant 0 : i32
            %swap3A_537 = tpu.memref_slice %run_scoped3A_20[%rem3A_289, %swap3A_535, %swap3A_536] : memref<2x128x128xf32, #tpu.memory_space<vmem>> -> memref<1x128x128xf32, #tpu.memory_space<vmem>>
            %swap3A_538 = tpu.memref_squeeze %swap3A_537 : memref<1x128x128xf32, #tpu.memory_space<vmem>> -> memref<128x128xf32, #tpu.memory_space<vmem>>
            %swap3A_539 = arith.index_cast %add3A_391 : i32 to index
            %swap3A_540 = arith.constant 96 : index
            %swap3A_541 = tpu.vector_load %swap3A_538[%swap3A_539, %swap3A_540] {strides = array<i32>} : memref<128x128xf32, #tpu.memory_space<vmem>>, vector<1x16xf32>,
            %swap3A_542 = vector.shape_cast %swap3A_541 : vector<1x16xf32> to vector<1x16xf32>
            %swap3A_543 = vector.shape_cast %add3A_534 : vector<1x16xf32> to vector<1x16xf32>
            tpu.vector_store %swap3A_538[%swap3A_539, %swap3A_540], %swap3A_543 {strides = array<i32>} : memref<128x128xf32, #tpu.memory_space<vmem>>, vector<1x16xf32>,
            %get3A_544 = arith.constant 0 : i32
            %get3A_545 = arith.constant 0 : i32
            %get3A_546 = tpu.memref_slice %run_scoped3A_20[%rem3A_289, %get3A_544, %get3A_545] : memref<2x128x128xf32, #tpu.memory_space<vmem>> -> memref<1x128x128xf32, #tpu.memory_space<vmem>>
            %get3A_547 = tpu.memref_squeeze %get3A_546 : memref<1x128x128xf32, #tpu.memory_space<vmem>> -> memref<128x128xf32, #tpu.memory_space<vmem>>
            %get3A_548 = arith.index_cast %add3A_391 : i32 to index
            %get3A_549 = arith.constant 112 : index
            %get3A_550 = tpu.vector_load %get3A_547[%get3A_548, %get3A_549] {strides = array<i32>} : memref<128x128xf32, #tpu.memory_space<vmem>>, vector<1x16xf32>,
            %get3A_551 = vector.shape_cast %get3A_550 : vector<1x16xf32> to vector<1x16xf32>
            %get3A_552 = arith.index_cast %add3A_391 : i32 to index
            %get3A_553 = arith.constant 112 : index
            %get3A_554 = tpu.vector_load %arg7[%get3A_552, %get3A_553] {strides = array<i32>} : memref<128x128xf32, #tpu.memory_space<vmem>>, vector<1x16xf32>,
            %get3A_555 = vector.shape_cast %get3A_554 : vector<1x16xf32> to vector<1x16xf32>
            %add3A_556 = arith.addf %get3A_551, %get3A_555 : vector<1x16xf32>
            %swap3A_557 = arith.constant 0 : i32
            %swap3A_558 = arith.constant 0 : i32
            %swap3A_559 = tpu.memref_slice %run_scoped3A_20[%rem3A_289, %swap3A_557, %swap3A_558] : memref<2x128x128xf32, #tpu.memory_space<vmem>> -> memref<1x128x128xf32, #tpu.memory_space<vmem>>
            %swap3A_560 = tpu.memref_squeeze %swap3A_559 : memref<1x128x128xf32, #tpu.memory_space<vmem>> -> memref<128x128xf32, #tpu.memory_space<vmem>>
            %swap3A_561 = arith.index_cast %add3A_391 : i32 to index
            %swap3A_562 = arith.constant 112 : index
            %swap3A_563 = tpu.vector_load %swap3A_560[%swap3A_561, %swap3A_562] {strides = array<i32>} : memref<128x128xf32, #tpu.memory_space<vmem>>, vector<1x16xf32>,
            %swap3A_564 = vector.shape_cast %swap3A_563 : vector<1x16xf32> to vector<1x16xf32>
            %swap3A_565 = vector.shape_cast %add3A_556 : vector<1x16xf32> to vector<1x16xf32>
            tpu.vector_store %swap3A_560[%swap3A_561, %swap3A_562], %swap3A_565 {strides = array<i32>} : memref<128x128xf32, #tpu.memory_space<vmem>>, vector<1x16xf32>,
          }
          %scan3A_295 = arith.constant 128 : i32
          "tpu.trace_stop"() : () -> ()
          %ne3A_296 = arith.cmpi ne, %add3A_188, %add3A_206 : i32
          %or3A_297 = arith.constant false
          %or3A_298 = arith.ori %or3A_297, %ne3A_296 : i1
          %or3A_299 = arith.ori %or3A_298, %eq3A_187 : i1
          %convert_element_type3A_300 = arith.extui %or3A_299 : i1 to i32
          %cond3A_301 = arith.constant 0 : i32
          %cond3A_302 = arith.cmpi ne, %convert_element_type3A_300, %cond3A_301 : i32
          scf.if %cond3A_302 {
          } else {
          }
          %and3A_303 = arith.constant false
          %and3A_304 = arith.andi %or3A_299, %and3A_303 : i1
          %ne3A_305 = arith.cmpi ne, %add3A_188, %add3A_206 : i32
          %or3A_306 = arith.constant false
          %or3A_307 = arith.ori %or3A_306, %ne3A_305 : i1
          %or3A_308 = arith.ori %or3A_307, %eq3A_187 : i1
          %convert_element_type3A_309 = arith.extui %or3A_308 : i1 to i32
          %cond3A_310 = arith.constant 0 : i32
          %cond3A_311 = arith.cmpi ne, %convert_element_type3A_309, %cond3A_310 : i32
          scf.if %cond3A_311 {
          } else {
          }
          %and3A_312 = arith.constant false
          %and3A_313 = arith.andi %or3A_308, %and3A_312 : i1
          %ne3A_314 = arith.cmpi ne, %add3A_188, %add3A_206 : i32
          %or3A_315 = arith.constant false
          %or3A_316 = arith.ori %or3A_315, %ne3A_314 : i1
          %or3A_317 = arith.constant false
          %or3A_318 = arith.ori %or3A_316, %or3A_317 : i1
          %or3A_319 = arith.ori %or3A_318, %eq3A_187 : i1
          %convert_element_type3A_320 = arith.extui %or3A_319 : i1 to i32
          %cond3A_321 = arith.constant 0 : i32
          %cond3A_322 = arith.cmpi ne, %convert_element_type3A_320, %cond3A_321 : i32
          scf.if %cond3A_322 {
            "tpu.trace_start"() <{level = 10 : i32, message = "ep_copy_out"}> : () -> ()
            %rem3A_387 = arith.constant 2 : i32
            %rem3A_388 = arith.remui %while3A_178, %rem3A_387 : i32
            %mul3A_389 = arith.constant 128 : i32
            %mul3A_390 = arith.muli %mul3A_389, %add3A_188 : i32
            %dma_start3A_391 = arith.constant 0 : i32
            %dma_start3A_392 = arith.constant 0 : i32
            %dma_start3A_393 = tpu.memref_slice %run_scoped3A_20[%rem3A_388, %dma_start3A_391, %dma_start3A_392] : memref<2x128x128xf32, #tpu.memory_space<vmem>> -> memref<1x128x128xf32, #tpu.memory_space<vmem>>
            %dma_start3A_394 = tpu.memref_squeeze %dma_start3A_393 : memref<1x128x128xf32, #tpu.memory_space<vmem>> -> memref<128x128xf32, #tpu.memory_space<vmem>>
            %dma_start3A_395 = arith.constant 0 : i32
            %dma_start3A_396 = tpu.memref_slice %arg6[%mul3A_390, %dma_start3A_395] : memref<320000x128xf32, #tpu.memory_space<hbm>> -> memref<128x128xf32, #tpu.memory_space<hbm>>
            %dma_start3A_397 = tpu.memref_slice %run_scoped3A_21[%rem3A_388] : memref<2x!tpu.dma_semaphore, #tpu.memory_space<semaphore_mem>> -> memref<1x!tpu.dma_semaphore, #tpu.memory_space<semaphore_mem>>
            %dma_start3A_398 = tpu.memref_squeeze %dma_start3A_397 : memref<1x!tpu.dma_semaphore, #tpu.memory_space<semaphore_mem>> -> memref<!tpu.dma_semaphore, #tpu.memory_space<semaphore_mem>>
            %dma_start3A_399 = arith.constant 0 : i32
            %dma_start3A_400 = tpu.memref_slice %arg6[%mul3A_390, %dma_start3A_399] : memref<320000x128xf32, #tpu.memory_space<hbm>> -> memref<128x128xf32, #tpu.memory_space<hbm>>
            %dma_start3A_401 = arith.constant 0 : i32
            %dma_start3A_402 = arith.constant 0 : i32
            %dma_start3A_403 = tpu.memref_slice %run_scoped3A_20[%rem3A_388, %dma_start3A_401, %dma_start3A_402] : memref<2x128x128xf32, #tpu.memory_space<vmem>> -> memref<1x128x128xf32, #tpu.memory_space<vmem>>
            %dma_start3A_404 = tpu.memref_squeeze %dma_start3A_403 : memref<1x128x128xf32, #tpu.memory_space<vmem>> -> memref<128x128xf32, #tpu.memory_space<vmem>>
            tpu.enqueue_dma source(%dma_start3A_404 : memref<128x128xf32, #tpu.memory_space<vmem>>) target(%dma_start3A_400 : memref<128x128xf32, #tpu.memory_space<hbm>>) target_semaphore(%dma_start3A_398 : memref<!tpu.dma_semaphore, #tpu.memory_space<semaphore_mem>>)
            "tpu.trace_stop"() : () -> ()
          } else {
          }
          %and3A_323 = arith.constant true
          %and3A_324 = arith.andi %or3A_319, %and3A_323 : i1
          %add3A_325 = arith.constant 1 : i32
          %add3A_326 = arith.addi %while3A_178, %add3A_325 : i32
          %select_n3A_327 = arith.select %and3A_324, %add3A_326, %while3A_178 : i32
          %ne3A_328 = arith.cmpi ne, %add3A_188, %add3A_198 : i32
          %or3A_329 = arith.constant false
          %or3A_330 = arith.ori %or3A_329, %ne3A_328 : i1
          %not3A_331 = arith.constant true
          %not3A_332 = arith.xori %eq3A_184, %not3A_331 : i1
          %and3A_333 = arith.andi %or3A_330, %not3A_332 : i1
          %convert_element_type3A_334 = arith.extui %and3A_333 : i1 to i32
          %cond3A_335 = arith.constant 0 : i32
          %cond3A_336 = arith.cmpi ne, %convert_element_type3A_334, %cond3A_335 : i32
          scf.if %cond3A_336 {
          } else {
          }
          %and3A_337 = arith.constant false
          %and3A_338 = arith.andi %and3A_333, %and3A_337 : i1
          %ne3A_339 = arith.cmpi ne, %add3A_188, %add3A_198 : i32
          %or3A_340 = arith.constant false
          %or3A_341 = arith.ori %or3A_340, %ne3A_339 : i1
          %not3A_342 = arith.constant true
          %not3A_343 = arith.xori %eq3A_184, %not3A_342 : i1
          %and3A_344 = arith.andi %or3A_341, %not3A_343 : i1
          %convert_element_type3A_345 = arith.extui %and3A_344 : i1 to i32
          %cond3A_346 = arith.constant 0 : i32
          %cond3A_347 = arith.cmpi ne, %convert_element_type3A_345, %cond3A_346 : i32
          scf.if %cond3A_347 {
          } else {
          }
          %and3A_348 = arith.constant false
          %and3A_349 = arith.andi %and3A_344, %and3A_348 : i1
          %ne3A_350 = arith.cmpi ne, %add3A_188, %add3A_198 : i32
          %or3A_351 = arith.constant false
          %or3A_352 = arith.ori %or3A_351, %ne3A_350 : i1
          %or3A_353 = arith.constant false
          %or3A_354 = arith.ori %or3A_352, %or3A_353 : i1
          %not3A_355 = arith.constant true
          %not3A_356 = arith.xori %eq3A_184, %not3A_355 : i1
          %and3A_357 = arith.andi %or3A_354, %not3A_356 : i1
          %convert_element_type3A_358 = arith.extui %and3A_357 : i1 to i32
          %cond3A_359 = arith.constant 0 : i32
          %cond3A_360 = arith.cmpi ne, %convert_element_type3A_358, %cond3A_359 : i32
          scf.if %cond3A_360 {
            "tpu.trace_start"() <{level = 10 : i32, message = "ep_wait_out"}> : () -> ()
            %rem3A_387 = arith.constant 2 : i32
            %rem3A_388 = arith.remui %while3A_179, %rem3A_387 : i32
            %mul3A_389 = arith.constant 128 : i32
            %mul3A_390 = arith.muli %mul3A_389, %add3A_198 : i32
            %dma_wait3A = arith.constant 0 : i32
            %dma_wait3A_391 = arith.constant 0 : i32
            %dma_wait3A_392 = tpu.memref_slice %run_scoped3A_20[%rem3A_388, %dma_wait3A, %dma_wait3A_391] : memref<2x128x128xf32, #tpu.memory_space<vmem>> -> memref<1x128x128xf32, #tpu.memory_space<vmem>>
            %dma_wait3A_393 = tpu.memref_squeeze %dma_wait3A_392 : memref<1x128x128xf32, #tpu.memory_space<vmem>> -> memref<128x128xf32, #tpu.memory_space<vmem>>
            %dma_wait3A_394 = arith.constant 0 : i32
            %dma_wait3A_395 = tpu.memref_slice %arg6[%mul3A_390, %dma_wait3A_394] : memref<320000x128xf32, #tpu.memory_space<hbm>> -> memref<128x128xf32, #tpu.memory_space<hbm>>
            %dma_wait3A_396 = tpu.memref_slice %run_scoped3A_21[%rem3A_388] : memref<2x!tpu.dma_semaphore, #tpu.memory_space<semaphore_mem>> -> memref<1x!tpu.dma_semaphore, #tpu.memory_space<semaphore_mem>>
            %dma_wait3A_397 = tpu.memref_squeeze %dma_wait3A_396 : memref<1x!tpu.dma_semaphore, #tpu.memory_space<semaphore_mem>> -> memref<!tpu.dma_semaphore, #tpu.memory_space<semaphore_mem>>
            %dma_wait3A_398 = arith.constant 0 : i32
            %dma_wait3A_399 = tpu.memref_slice %arg6[%mul3A_390, %dma_wait3A_398] : memref<320000x128xf32, #tpu.memory_space<hbm>> -> memref<128x128xf32, #tpu.memory_space<hbm>>
            %dma_wait3A_400 = arith.constant 0 : i32
            %dma_wait3A_401 = arith.constant 0 : i32
            %dma_wait3A_402 = tpu.memref_slice %run_scoped3A_20[%rem3A_388, %dma_wait3A_400, %dma_wait3A_401] : memref<2x128x128xf32, #tpu.memory_space<vmem>> -> memref<1x128x128xf32, #tpu.memory_space<vmem>>
            %dma_wait3A_403 = tpu.memref_squeeze %dma_wait3A_402 : memref<1x128x128xf32, #tpu.memory_space<vmem>> -> memref<128x128xf32, #tpu.memory_space<vmem>>
            tpu.wait_dma2 semaphore(%dma_wait3A_397 : memref<!tpu.dma_semaphore, #tpu.memory_space<semaphore_mem>>) src(%dma_wait3A_403 : memref<128x128xf32, #tpu.memory_space<vmem>>) dst(%dma_wait3A_399 : memref<128x128xf32, #tpu.memory_space<hbm>>)
            "tpu.trace_stop"() : () -> ()
          } else {
          }
          %and3A_361 = arith.constant true
          %and3A_362 = arith.andi %and3A_357, %and3A_361 : i1
          %add3A_363 = arith.constant 1 : i32
          %add3A_364 = arith.addi %while3A_179, %add3A_363 : i32
          %select_n3A_365 = arith.select %and3A_362, %add3A_364, %while3A_179 : i32
          %ne3A_366 = arith.cmpi ne, %add3A_188, %add3A_206 : i32
          %or3A_367 = arith.constant false
          %or3A_368 = arith.ori %or3A_367, %ne3A_366 : i1
          %or3A_369 = arith.ori %or3A_368, %eq3A_187 : i1
          %add3A_370 = arith.constant 1 : i32
          %add3A_371 = arith.addi %while3A_175, %add3A_370 : i32
          %select_n3A_372 = arith.select %or3A_369, %add3A_371, %while3A_175 : i32
          %ne3A_373 = arith.cmpi ne, %add3A_188, %add3A_206 : i32
          %or3A_374 = arith.constant false
          %or3A_375 = arith.ori %or3A_374, %ne3A_373 : i1
          %or3A_376 = arith.ori %or3A_375, %eq3A_187 : i1
          %add3A_377 = arith.constant 1 : i32
          %add3A_378 = arith.addi %while3A_177, %add3A_377 : i32
          %select_n3A_379 = arith.select %or3A_376, %add3A_378, %while3A_177 : i32
          %add3A_380 = arith.constant 1 : i32
          %add3A_381 = arith.addi %while3A_180, %add3A_380 : i32
          %select_n3A_382 = arith.constant true
          %select_n3A_383 = arith.select %select_n3A_382, %add3A_381, %while3A_180 : i32
          %eq3A_384 = arith.cmpi eq, %select_n3A_383, %select_n3A : i32
          %select_n3A_385 = arith.constant 0 : i32
          %select_n3A_386 = arith.select %eq3A_384, %select_n3A_385, %select_n3A_383 : i32
          scf.yield %select_n3A_228, %select_n3A_372, %select_n3A_247, %select_n3A_379, %select_n3A_327, %select_n3A_365, %select_n3A_386 : i32, i32, i32, i32, i32, i32, i32
        }
        %while3A_117 = arith.constant 1 : i32
        %while3A_118:7 = scf.for %while3A_173 = %while3A_114 to %while3A_110 step %while3A_117 iter_args(%while3A_174 = %while3A_116#0, %while3A_175 = %while3A_116#1, %while3A_176 = %while3A_116#2, %while3A_177 = %while3A_116#3, %while3A_178 = %while3A_116#4, %while3A_179 = %while3A_116#5, %while3A_180 = %while3A_116#6) -> (i32, i32, i32, i32, i32, i32, i32)  : i32 {
          %mul3A_181 = arith.constant 1 : i32
          %mul3A_182 = arith.muli %mul3A_181, %select_n3A : i32
          %eq3A_183 = arith.constant 0 : i32
          %eq3A_184 = arith.cmpi eq, %while3A_173, %eq3A_183 : i32
          %sub3A_185 = arith.constant 1 : i32
          %sub3A_186 = arith.subi %mul3A_182, %sub3A_185 : i32
          %eq3A_187 = arith.cmpi eq, %while3A_173, %sub3A_186 : i32
          %add3A_188 = arith.addi %while3A_180, %select_n3A_14 : i32
          %sub3A_189 = arith.constant 1 : i32
          %sub3A_190 = arith.subi %while3A_180, %sub3A_189 : i32
          %select_n3A_191 = arith.constant true
          %select_n3A_192 = arith.select %select_n3A_191, %sub3A_190, %while3A_180 : i32
          %eq3A_193 = arith.constant -1 : i32
          %eq3A_194 = arith.cmpi eq, %select_n3A_192, %eq3A_193 : i32
          %sub3A_195 = arith.constant 1 : i32
          %sub3A_196 = arith.subi %select_n3A, %sub3A_195 : i32
          %select_n3A_197 = arith.select %eq3A_194, %sub3A_196, %select_n3A_192 : i32
          %add3A_198 = arith.addi %select_n3A_197, %select_n3A_14 : i32
          %add3A_199 = arith.constant 1 : i32
          %add3A_200 = arith.addi %while3A_180, %add3A_199 : i32
          %select_n3A_201 = arith.constant true
          %select_n3A_202 = arith.select %select_n3A_201, %add3A_200, %while3A_180 : i32
          %eq3A_203 = arith.cmpi eq, %select_n3A_202, %select_n3A : i32
          %select_n3A_204 = arith.constant 0 : i32
          %select_n3A_205 = arith.select %eq3A_203, %select_n3A_204, %select_n3A_202 : i32
          %add3A_206 = arith.addi %select_n3A_205, %select_n3A_14 : i32
          %add3A_207 = arith.constant 1 : i32
          %add3A_208 = arith.addi %select_n3A_205, %add3A_207 : i32
          %select_n3A_209 = arith.constant true
          %select_n3A_210 = arith.select %select_n3A_209, %add3A_208, %select_n3A_205 : i32
          %eq3A_211 = arith.cmpi eq, %select_n3A_210, %select_n3A : i32
          %select_n3A_212 = arith.constant 0 : i32
          %select_n3A_213 = arith.select %eq3A_211, %select_n3A_212, %select_n3A_210 : i32
          %add3A_214 = arith.addi %select_n3A_213, %select_n3A_14 : i32
          %ne3A = arith.cmpi ne, %add3A_188, %add3A_206 : i32
          %or3A = arith.constant false
          %or3A_215 = arith.ori %or3A, %ne3A : i1
          %sub3A_216 = arith.constant 2 : i32
          %sub3A_217 = arith.subi %mul3A_182, %sub3A_216 : i32
          %add3A_218 = arith.constant 1 : i32
          %add3A_219 = arith.addi %sub3A_217, %add3A_218 : i32
          %ge3A = arith.cmpi sge, %while3A_173, %add3A_219 : i32
          %not3A = arith.constant true
          %not3A_220 = arith.xori %ge3A, %not3A : i1
          %and3A = arith.andi %or3A_215, %not3A_220 : i1
          %convert_element_type3A_221 = arith.extui %and3A : i1 to i32
          %cond3A_222 = arith.constant 0 : i32
          %cond3A_223 = arith.cmpi ne, %convert_element_type3A_221, %cond3A_222 : i32
          scf.if %cond3A_223 {
            "tpu.trace_start"() <{level = 10 : i32, message = "ep_copy_in"}> : () -> ()
            %rem3A_387 = arith.constant 2 : i32
            %rem3A_388 = arith.remui %while3A_174, %rem3A_387 : i32
            %mul3A_389 = arith.constant 128 : i32
            %mul3A_390 = arith.muli %mul3A_389, %add3A_206 : i32
            %dma_start3A_391 = arith.constant 0 : i32
            %dma_start3A_392 = arith.constant 0 : i32
            %dma_start3A_393 = tpu.memref_slice %run_scoped3A[%rem3A_388, %dma_start3A_391, %dma_start3A_392] : memref<2x1x128xi32, #tpu.memory_space<vmem>> -> memref<1x1x128xi32, #tpu.memory_space<vmem>>
            %dma_start3A_394 = tpu.memref_squeeze %dma_start3A_393 : memref<1x1x128xi32, #tpu.memory_space<vmem>> -> memref<1x128xi32, #tpu.memory_space<vmem>>
            %dma_start3A_395 = arith.constant 0 : i32
            %dma_start3A_396 = tpu.memref_slice %arg4[%dma_start3A_395, %mul3A_390] : memref<1x320000xi32, #tpu.memory_space<hbm>> -> memref<1x128xi32, #tpu.memory_space<hbm>>
            %dma_start3A_397 = tpu.memref_slice %run_scoped3A_17[%rem3A_388] : memref<2x!tpu.dma_semaphore, #tpu.memory_space<semaphore_mem>> -> memref<1x!tpu.dma_semaphore, #tpu.memory_space<semaphore_mem>>
            %dma_start3A_398 = tpu.memref_squeeze %dma_start3A_397 : memref<1x!tpu.dma_semaphore, #tpu.memory_space<semaphore_mem>> -> memref<!tpu.dma_semaphore, #tpu.memory_space<semaphore_mem>>
            %dma_start3A_399 = arith.constant 0 : i32
            %dma_start3A_400 = arith.constant 0 : i32
            %dma_start3A_401 = tpu.memref_slice %run_scoped3A[%rem3A_388, %dma_start3A_399, %dma_start3A_400] : memref<2x1x128xi32, #tpu.memory_space<vmem>> -> memref<1x1x128xi32, #tpu.memory_space<vmem>>
            %dma_start3A_402 = tpu.memref_squeeze %dma_start3A_401 : memref<1x1x128xi32, #tpu.memory_space<vmem>> -> memref<1x128xi32, #tpu.memory_space<vmem>>
            %dma_start3A_403 = arith.constant 0 : i32
            %dma_start3A_404 = tpu.memref_slice %arg4[%dma_start3A_403, %mul3A_390] : memref<1x320000xi32, #tpu.memory_space<hbm>> -> memref<1x128xi32, #tpu.memory_space<hbm>>
            tpu.enqueue_dma source(%dma_start3A_404 : memref<1x128xi32, #tpu.memory_space<hbm>>) target(%dma_start3A_402 : memref<1x128xi32, #tpu.memory_space<vmem>>) target_semaphore(%dma_start3A_398 : memref<!tpu.dma_semaphore, #tpu.memory_space<semaphore_mem>>)
            "tpu.trace_stop"() : () -> ()
          } else {
          }
          %and3A_224 = arith.constant true
          %and3A_225 = arith.andi %and3A, %and3A_224 : i1
          %add3A_226 = arith.constant 1 : i32
          %add3A_227 = arith.addi %while3A_174, %add3A_226 : i32
          %select_n3A_228 = arith.select %and3A_225, %add3A_227, %while3A_174 : i32
          %ne3A_229 = arith.cmpi ne, %add3A_188, %add3A_206 : i32
          %or3A_230 = arith.constant false
          %or3A_231 = arith.ori %or3A_230, %ne3A_229 : i1
          %sub3A_232 = arith.constant 2 : i32
          %sub3A_233 = arith.subi %mul3A_182, %sub3A_232 : i32
          %add3A_234 = arith.constant 1 : i32
          %add3A_235 = arith.addi %sub3A_233, %add3A_234 : i32
          %ge3A_236 = arith.cmpi sge, %while3A_173, %add3A_235 : i32
          %not3A_237 = arith.constant true
          %not3A_238 = arith.xori %ge3A_236, %not3A_237 : i1
          %and3A_239 = arith.andi %or3A_231, %not3A_238 : i1
          %convert_element_type3A_240 = arith.extui %and3A_239 : i1 to i32
          %cond3A_241 = arith.constant 0 : i32
          %cond3A_242 = arith.cmpi ne, %convert_element_type3A_240, %cond3A_241 : i32
          scf.if %cond3A_242 {
            "tpu.trace_start"() <{level = 10 : i32, message = "ep_copy_in"}> : () -> ()
            %rem3A_387 = arith.constant 2 : i32
            %rem3A_388 = arith.remui %while3A_176, %rem3A_387 : i32
            %mul3A_389 = arith.constant 128 : i32
            %mul3A_390 = arith.muli %mul3A_389, %add3A_206 : i32
            %dma_start3A_391 = arith.constant 0 : i32
            %dma_start3A_392 = arith.constant 0 : i32
            %dma_start3A_393 = tpu.memref_slice %run_scoped3A_18[%rem3A_388, %dma_start3A_391, %dma_start3A_392] : memref<2x1x128xi32, #tpu.memory_space<vmem>> -> memref<1x1x128xi32, #tpu.memory_space<vmem>>
            %dma_start3A_394 = tpu.memref_squeeze %dma_start3A_393 : memref<1x1x128xi32, #tpu.memory_space<vmem>> -> memref<1x128xi32, #tpu.memory_space<vmem>>
            %dma_start3A_395 = arith.constant 0 : i32
            %dma_start3A_396 = tpu.memref_slice %arg5[%dma_start3A_395, %mul3A_390] : memref<1x320000xi32, #tpu.memory_space<hbm>> -> memref<1x128xi32, #tpu.memory_space<hbm>>
            %dma_start3A_397 = tpu.memref_slice %run_scoped3A_19[%rem3A_388] : memref<2x!tpu.dma_semaphore, #tpu.memory_space<semaphore_mem>> -> memref<1x!tpu.dma_semaphore, #tpu.memory_space<semaphore_mem>>
            %dma_start3A_398 = tpu.memref_squeeze %dma_start3A_397 : memref<1x!tpu.dma_semaphore, #tpu.memory_space<semaphore_mem>> -> memref<!tpu.dma_semaphore, #tpu.memory_space<semaphore_mem>>
            %dma_start3A_399 = arith.constant 0 : i32
            %dma_start3A_400 = arith.constant 0 : i32
            %dma_start3A_401 = tpu.memref_slice %run_scoped3A_18[%rem3A_388, %dma_start3A_399, %dma_start3A_400] : memref<2x1x128xi32, #tpu.memory_space<vmem>> -> memref<1x1x128xi32, #tpu.memory_space<vmem>>
            %dma_start3A_402 = tpu.memref_squeeze %dma_start3A_401 : memref<1x1x128xi32, #tpu.memory_space<vmem>> -> memref<1x128xi32, #tpu.memory_space<vmem>>
            %dma_start3A_403 = arith.constant 0 : i32
            %dma_start3A_404 = tpu.memref_slice %arg5[%dma_start3A_403, %mul3A_390] : memref<1x320000xi32, #tpu.memory_space<hbm>> -> memref<1x128xi32, #tpu.memory_space<hbm>>
            tpu.enqueue_dma source(%dma_start3A_404 : memref<1x128xi32, #tpu.memory_space<hbm>>) target(%dma_start3A_402 : memref<1x128xi32, #tpu.memory_space<vmem>>) target_semaphore(%dma_start3A_398 : memref<!tpu.dma_semaphore, #tpu.memory_space<semaphore_mem>>)
            "tpu.trace_stop"() : () -> ()
          } else {
          }
          %and3A_243 = arith.constant true
          %and3A_244 = arith.andi %and3A_239, %and3A_243 : i1
          %add3A_245 = arith.constant 1 : i32
          %add3A_246 = arith.addi %while3A_176, %add3A_245 : i32
          %select_n3A_247 = arith.select %and3A_244, %add3A_246, %while3A_176 : i32
          %ne3A_248 = arith.cmpi ne, %add3A_188, %add3A_206 : i32
          %or3A_249 = arith.constant false
          %or3A_250 = arith.ori %or3A_249, %ne3A_248 : i1
          %or3A_251 = arith.constant false
          %or3A_252 = arith.ori %or3A_250, %or3A_251 : i1
          %sub3A_253 = arith.constant 2 : i32
          %sub3A_254 = arith.subi %mul3A_182, %sub3A_253 : i32
          %add3A_255 = arith.constant 1 : i32
          %add3A_256 = arith.addi %sub3A_254, %add3A_255 : i32
          %ge3A_257 = arith.cmpi sge, %while3A_173, %add3A_256 : i32
          %not3A_258 = arith.constant true
          %not3A_259 = arith.xori %ge3A_257, %not3A_258 : i1
          %and3A_260 = arith.andi %or3A_252, %not3A_259 : i1
          %ne3A_261 = arith.cmpi ne, %add3A_188, %add3A_198 : i32
          %or3A_262 = arith.constant false
          %or3A_263 = arith.ori %or3A_262, %ne3A_261 : i1
          %or3A_264 = arith.ori %or3A_263, %eq3A_184 : i1
          %convert_element_type3A_265 = arith.extui %or3A_264 : i1 to i32
          %cond3A_266 = arith.constant 0 : i32
          %cond3A_267 = arith.cmpi ne, %convert_element_type3A_265, %cond3A_266 : i32
          scf.if %cond3A_267 {
            "tpu.trace_start"() <{level = 10 : i32, message = "ep_wait_in"}> : () -> ()
            %mul3A_387 = arith.constant 128 : i32
            %mul3A_388 = arith.muli %mul3A_387, %add3A_188 : i32
            %rem3A_389 = arith.constant 2 : i32
            %rem3A_390 = arith.remui %while3A_175, %rem3A_389 : i32
            %dma_wait3A = arith.constant 0 : i32
            %dma_wait3A_391 = arith.constant 0 : i32
            %dma_wait3A_392 = tpu.memref_slice %run_scoped3A[%rem3A_390, %dma_wait3A, %dma_wait3A_391] : memref<2x1x128xi32, #tpu.memory_space<vmem>> -> memref<1x1x128xi32, #tpu.memory_space<vmem>>
            %dma_wait3A_393 = tpu.memref_squeeze %dma_wait3A_392 : memref<1x1x128xi32, #tpu.memory_space<vmem>> -> memref<1x128xi32, #tpu.memory_space<vmem>>
            %dma_wait3A_394 = arith.constant 0 : i32
            %dma_wait3A_395 = tpu.memref_slice %arg4[%dma_wait3A_394, %mul3A_388] : memref<1x320000xi32, #tpu.memory_space<hbm>> -> memref<1x128xi32, #tpu.memory_space<hbm>>
            %dma_wait3A_396 = tpu.memref_slice %run_scoped3A_17[%rem3A_390] : memref<2x!tpu.dma_semaphore, #tpu.memory_space<semaphore_mem>> -> memref<1x!tpu.dma_semaphore, #tpu.memory_space<semaphore_mem>>
            %dma_wait3A_397 = tpu.memref_squeeze %dma_wait3A_396 : memref<1x!tpu.dma_semaphore, #tpu.memory_space<semaphore_mem>> -> memref<!tpu.dma_semaphore, #tpu.memory_space<semaphore_mem>>
            %dma_wait3A_398 = arith.constant 0 : i32
            %dma_wait3A_399 = arith.constant 0 : i32
            %dma_wait3A_400 = tpu.memref_slice %run_scoped3A[%rem3A_390, %dma_wait3A_398, %dma_wait3A_399] : memref<2x1x128xi32, #tpu.memory_space<vmem>> -> memref<1x1x128xi32, #tpu.memory_space<vmem>>
            %dma_wait3A_401 = tpu.memref_squeeze %dma_wait3A_400 : memref<1x1x128xi32, #tpu.memory_space<vmem>> -> memref<1x128xi32, #tpu.memory_space<vmem>>
            %dma_wait3A_402 = arith.constant 0 : i32
            %dma_wait3A_403 = tpu.memref_slice %arg4[%dma_wait3A_402, %mul3A_388] : memref<1x320000xi32, #tpu.memory_space<hbm>> -> memref<1x128xi32, #tpu.memory_space<hbm>>
            tpu.wait_dma2 semaphore(%dma_wait3A_397 : memref<!tpu.dma_semaphore, #tpu.memory_space<semaphore_mem>>) src(%dma_wait3A_403 : memref<1x128xi32, #tpu.memory_space<hbm>>) dst(%dma_wait3A_401 : memref<1x128xi32, #tpu.memory_space<vmem>>)
            "tpu.trace_stop"() : () -> ()
          } else {
          }
          %ne3A_268 = arith.cmpi ne, %add3A_188, %add3A_198 : i32
          %or3A_269 = arith.constant false
          %or3A_270 = arith.ori %or3A_269, %ne3A_268 : i1
          %or3A_271 = arith.ori %or3A_270, %eq3A_184 : i1
          %convert_element_type3A_272 = arith.extui %or3A_271 : i1 to i32
          %cond3A_273 = arith.constant 0 : i32
          %cond3A_274 = arith.cmpi ne, %convert_element_type3A_272, %cond3A_273 : i32
          scf.if %cond3A_274 {
            "tpu.trace_start"() <{level = 10 : i32, message = "ep_wait_in"}> : () -> ()
            %mul3A_387 = arith.constant 128 : i32
            %mul3A_388 = arith.muli %mul3A_387, %add3A_188 : i32
            %rem3A_389 = arith.constant 2 : i32
            %rem3A_390 = arith.remui %while3A_177, %rem3A_389 : i32
            %dma_wait3A = arith.constant 0 : i32
            %dma_wait3A_391 = arith.constant 0 : i32
            %dma_wait3A_392 = tpu.memref_slice %run_scoped3A_18[%rem3A_390, %dma_wait3A, %dma_wait3A_391] : memref<2x1x128xi32, #tpu.memory_space<vmem>> -> memref<1x1x128xi32, #tpu.memory_space<vmem>>
            %dma_wait3A_393 = tpu.memref_squeeze %dma_wait3A_392 : memref<1x1x128xi32, #tpu.memory_space<vmem>> -> memref<1x128xi32, #tpu.memory_space<vmem>>
            %dma_wait3A_394 = arith.constant 0 : i32
            %dma_wait3A_395 = tpu.memref_slice %arg5[%dma_wait3A_394, %mul3A_388] : memref<1x320000xi32, #tpu.memory_space<hbm>> -> memref<1x128xi32, #tpu.memory_space<hbm>>
            %dma_wait3A_396 = tpu.memref_slice %run_scoped3A_19[%rem3A_390] : memref<2x!tpu.dma_semaphore, #tpu.memory_space<semaphore_mem>> -> memref<1x!tpu.dma_semaphore, #tpu.memory_space<semaphore_mem>>
            %dma_wait3A_397 = tpu.memref_squeeze %dma_wait3A_396 : memref<1x!tpu.dma_semaphore, #tpu.memory_space<semaphore_mem>> -> memref<!tpu.dma_semaphore, #tpu.memory_space<semaphore_mem>>
            %dma_wait3A_398 = arith.constant 0 : i32
            %dma_wait3A_399 = arith.constant 0 : i32
            %dma_wait3A_400 = tpu.memref_slice %run_scoped3A_18[%rem3A_390, %dma_wait3A_398, %dma_wait3A_399] : memref<2x1x128xi32, #tpu.memory_space<vmem>> -> memref<1x1x128xi32, #tpu.memory_space<vmem>>
            %dma_wait3A_401 = tpu.memref_squeeze %dma_wait3A_400 : memref<1x1x128xi32, #tpu.memory_space<vmem>> -> memref<1x128xi32, #tpu.memory_space<vmem>>
            %dma_wait3A_402 = arith.constant 0 : i32
            %dma_wait3A_403 = tpu.memref_slice %arg5[%dma_wait3A_402, %mul3A_388] : memref<1x320000xi32, #tpu.memory_space<hbm>> -> memref<1x128xi32, #tpu.memory_space<hbm>>
            tpu.wait_dma2 semaphore(%dma_wait3A_397 : memref<!tpu.dma_semaphore, #tpu.memory_space<semaphore_mem>>) src(%dma_wait3A_403 : memref<1x128xi32, #tpu.memory_space<hbm>>) dst(%dma_wait3A_401 : memref<1x128xi32, #tpu.memory_space<vmem>>)
            "tpu.trace_stop"() : () -> ()
          } else {
          }
          %ne3A_275 = arith.cmpi ne, %add3A_188, %add3A_198 : i32
          %or3A_276 = arith.constant false
          %or3A_277 = arith.ori %or3A_276, %ne3A_275 : i1
          %or3A_278 = arith.constant false
          %or3A_279 = arith.ori %or3A_277, %or3A_278 : i1
          %or3A_280 = arith.ori %or3A_279, %eq3A_184 : i1
          %convert_element_type3A_281 = arith.extui %or3A_280 : i1 to i32
          %cond3A_282 = arith.constant 0 : i32
          %cond3A_283 = arith.cmpi ne, %convert_element_type3A_281, %cond3A_282 : i32
          scf.if %cond3A_283 {
          } else {
          }
          %rem3A_284 = arith.constant 2 : i32
          %rem3A_285 = arith.remui %while3A_175, %rem3A_284 : i32
          %rem3A_286 = arith.constant 2 : i32
          %rem3A_287 = arith.remui %while3A_177, %rem3A_286 : i32
          %rem3A_288 = arith.constant 2 : i32
          %rem3A_289 = arith.remui %while3A_178, %rem3A_288 : i32
          %run_scoped3A_290 = arith.constant 0 : i32
          "tpu.trace_start"() <{level = 10 : i32, message = "ep_run_kernel"}> : () -> ()
          "tpu.region"() ({
            %run_scoped3A_387 = tpu.sem_alloc : memref<!tpu.dma_semaphore, #tpu.memory_space<semaphore_mem>>
            %dma_start3A_388 = arith.constant 0 : i32
            %dma_start3A_389 = arith.constant 0 : i32
            %dma_start3A_390 = tpu.memref_slice %run_scoped3A_20[%rem3A_289, %dma_start3A_388, %dma_start3A_389] : memref<2x128x128xf32, #tpu.memory_space<vmem>> -> memref<1x128x128xf32, #tpu.memory_space<vmem>>
            %dma_start3A_391 = tpu.memref_squeeze %dma_start3A_390 : memref<1x128x128xf32, #tpu.memory_space<vmem>> -> memref<128x128xf32, #tpu.memory_space<vmem>>
            %dma_start3A_392 = arith.constant 0 : i32
            %dma_start3A_393 = arith.constant 0 : i32
            %dma_start3A_394 = tpu.memref_slice %run_scoped3A[%rem3A_285, %dma_start3A_392, %dma_start3A_393] : memref<2x1x128xi32, #tpu.memory_space<vmem>> -> memref<1x1x128xi32, #tpu.memory_space<vmem>>
            %dma_start3A_395 = tpu.memref_squeeze %dma_start3A_394 : memref<1x1x128xi32, #tpu.memory_space<vmem>> -> memref<1x128xi32, #tpu.memory_space<vmem>>
            %dma_start3A_396 = arith.constant 0 : i32
            %dma_start3A_397 = tpu.memref_slice %dma_start3A_395[%run_scoped3A_290, %dma_start3A_396] : memref<1x128xi32, #tpu.memory_space<vmem>> -> memref<1x128xi32, #tpu.memory_space<vmem>>
            %dma_start3A_398 = tpu.memref_squeeze %dma_start3A_397 : memref<1x128xi32, #tpu.memory_space<vmem>> -> memref<128xi32, #tpu.memory_space<vmem>>
            %dma_start3A_399 = arith.constant 0 : i32
            %dma_start3A_400 = arith.constant 0 : i32
            %dma_start3A_401 = tpu.memref_slice %arg2[%dma_start3A_399, %dma_start3A_400] : memref<10000x128xf32, #tpu.memory_space<hbm>> -> memref<10000x128xf32, #tpu.memory_space<hbm>>
            tpu.enqueue_indirect_dma source(%dma_start3A_401 : memref<10000x128xf32, #tpu.memory_space<hbm>>) target(%dma_start3A_391 : memref<128x128xf32, #tpu.memory_space<vmem>>) offsets(%dma_start3A_398 : memref<128xi32, #tpu.memory_space<vmem>>) semaphore(%run_scoped3A_387 : memref<!tpu.dma_semaphore, #tpu.memory_space<semaphore_mem>>)
            %dma_wait3A = arith.constant 0 : i32
            %dma_wait3A_402 = arith.constant 0 : i32
            %dma_wait3A_403 = tpu.memref_slice %run_scoped3A_20[%rem3A_289, %dma_wait3A, %dma_wait3A_402] : memref<2x128x128xf32, #tpu.memory_space<vmem>> -> memref<1x128x128xf32, #tpu.memory_space<vmem>>
            %dma_wait3A_404 = tpu.memref_squeeze %dma_wait3A_403 : memref<1x128x128xf32, #tpu.memory_space<vmem>> -> memref<128x128xf32, #tpu.memory_space<vmem>>
            %dma_wait3A_405 = arith.constant 0 : i32
            %dma_wait3A_406 = arith.constant 0 : i32
            %dma_wait3A_407 = tpu.memref_slice %run_scoped3A[%rem3A_285, %dma_wait3A_405, %dma_wait3A_406] : memref<2x1x128xi32, #tpu.memory_space<vmem>> -> memref<1x1x128xi32, #tpu.memory_space<vmem>>
            %dma_wait3A_408 = tpu.memref_squeeze %dma_wait3A_407 : memref<1x1x128xi32, #tpu.memory_space<vmem>> -> memref<1x128xi32, #tpu.memory_space<vmem>>
            %dma_wait3A_409 = arith.constant 0 : i32
            %dma_wait3A_410 = tpu.memref_slice %dma_wait3A_408[%run_scoped3A_290, %dma_wait3A_409] : memref<1x128xi32, #tpu.memory_space<vmem>> -> memref<1x128xi32, #tpu.memory_space<vmem>>
            %dma_wait3A_411 = tpu.memref_squeeze %dma_wait3A_410 : memref<1x128xi32, #tpu.memory_space<vmem>> -> memref<128xi32, #tpu.memory_space<vmem>>
            %dma_wait3A_412 = arith.constant 0 : i32
            %dma_wait3A_413 = arith.constant 0 : i32
            %dma_wait3A_414 = tpu.memref_slice %arg2[%dma_wait3A_412, %dma_wait3A_413] : memref<10000x128xf32, #tpu.memory_space<hbm>> -> memref<10000x128xf32, #tpu.memory_space<hbm>>
            tpu.wait_indirect_dma semaphore(%run_scoped3A_387 : memref<!tpu.dma_semaphore, #tpu.memory_space<semaphore_mem>>) src(%dma_wait3A_414 : memref<10000x128xf32, #tpu.memory_space<hbm>>) dst(%dma_wait3A_404 : memref<128x128xf32, #tpu.memory_space<vmem>>)
            tpu.yield
          }) : () -> ()
          %run_scoped3A_291 = arith.constant 0 : i32
          "tpu.region"() ({
            %run_scoped3A_387 = tpu.sem_alloc : memref<!tpu.dma_semaphore, #tpu.memory_space<semaphore_mem>>
            %dma_start3A_388 = arith.constant 0 : i32
            %dma_start3A_389 = arith.constant 0 : i32
            %dma_start3A_390 = tpu.memref_slice %run_scoped3A_18[%rem3A_287, %dma_start3A_388, %dma_start3A_389] : memref<2x1x128xi32, #tpu.memory_space<vmem>> -> memref<1x1x128xi32, #tpu.memory_space<vmem>>
            %dma_start3A_391 = tpu.memref_squeeze %dma_start3A_390 : memref<1x1x128xi32, #tpu.memory_space<vmem>> -> memref<1x128xi32, #tpu.memory_space<vmem>>
            %dma_start3A_392 = arith.constant 0 : i32
            %dma_start3A_393 = tpu.memref_slice %dma_start3A_391[%run_scoped3A_291, %dma_start3A_392] : memref<1x128xi32, #tpu.memory_space<vmem>> -> memref<1x128xi32, #tpu.memory_space<vmem>>
            %dma_start3A_394 = tpu.memref_squeeze %dma_start3A_393 : memref<1x128xi32, #tpu.memory_space<vmem>> -> memref<128xi32, #tpu.memory_space<vmem>>
            %dma_start3A_395 = arith.constant 0 : i32
            %dma_start3A_396 = arith.constant 0 : i32
            %dma_start3A_397 = tpu.memref_slice %arg3[%dma_start3A_395, %dma_start3A_396] : memref<10000x128xf32, #tpu.memory_space<hbm>> -> memref<10000x128xf32, #tpu.memory_space<hbm>>
            tpu.enqueue_indirect_dma source(%dma_start3A_397 : memref<10000x128xf32, #tpu.memory_space<hbm>>) target(%arg7 : memref<128x128xf32, #tpu.memory_space<vmem>>) offsets(%dma_start3A_394 : memref<128xi32, #tpu.memory_space<vmem>>) semaphore(%run_scoped3A_387 : memref<!tpu.dma_semaphore, #tpu.memory_space<semaphore_mem>>)
            %dma_wait3A = arith.constant 0 : i32
            %dma_wait3A_398 = arith.constant 0 : i32
            %dma_wait3A_399 = tpu.memref_slice %run_scoped3A_18[%rem3A_287, %dma_wait3A, %dma_wait3A_398] : memref<2x1x128xi32, #tpu.memory_space<vmem>> -> memref<1x1x128xi32, #tpu.memory_space<vmem>>
            %dma_wait3A_400 = tpu.memref_squeeze %dma_wait3A_399 : memref<1x1x128xi32, #tpu.memory_space<vmem>> -> memref<1x128xi32, #tpu.memory_space<vmem>>
            %dma_wait3A_401 = arith.constant 0 : i32
            %dma_wait3A_402 = tpu.memref_slice %dma_wait3A_400[%run_scoped3A_291, %dma_wait3A_401] : memref<1x128xi32, #tpu.memory_space<vmem>> -> memref<1x128xi32, #tpu.memory_space<vmem>>
            %dma_wait3A_403 = tpu.memref_squeeze %dma_wait3A_402 : memref<1x128xi32, #tpu.memory_space<vmem>> -> memref<128xi32, #tpu.memory_space<vmem>>
            %dma_wait3A_404 = arith.constant 0 : i32
            %dma_wait3A_405 = arith.constant 0 : i32
            %dma_wait3A_406 = tpu.memref_slice %arg3[%dma_wait3A_404, %dma_wait3A_405] : memref<10000x128xf32, #tpu.memory_space<hbm>> -> memref<10000x128xf32, #tpu.memory_space<hbm>>
            tpu.wait_indirect_dma semaphore(%run_scoped3A_387 : memref<!tpu.dma_semaphore, #tpu.memory_space<semaphore_mem>>) src(%dma_wait3A_406 : memref<10000x128xf32, #tpu.memory_space<hbm>>) dst(%arg7 : memref<128x128xf32, #tpu.memory_space<vmem>>)
            tpu.yield
          }) : () -> ()
          %scan3A = arith.constant 0 : i32
          %scan3A_292 = arith.constant 128 : i32
          %scan3A_293 = arith.addi %scan3A, %scan3A_292 : i32
          %scan3A_294 = arith.constant 1 : i32
          scf.for %scan3A_387 = %scan3A to %scan3A_293 step %scan3A_294  : i32 {
            %mul3A_388 = arith.constant 1 : i32
            %mul3A_389 = arith.muli %scan3A_387, %mul3A_388 : i32
            %add3A_390 = arith.constant 0 : i32
            %add3A_391 = arith.addi %add3A_390, %mul3A_389 : i32
            %get3A = arith.constant 0 : i32
            %get3A_392 = arith.constant 0 : i32
            %get3A_393 = tpu.memref_slice %run_scoped3A_20[%rem3A_289, %get3A, %get3A_392] : memref<2x128x128xf32, #tpu.memory_space<vmem>> -> memref<1x128x128xf32, #tpu.memory_space<vmem>>
            %get3A_394 = tpu.memref_squeeze %get3A_393 : memref<1x128x128xf32, #tpu.memory_space<vmem>> -> memref<128x128xf32, #tpu.memory_space<vmem>>
            %get3A_395 = arith.index_cast %add3A_391 : i32 to index
            %get3A_396 = arith.constant 0 : index
            %get3A_397 = tpu.vector_load %get3A_394[%get3A_395, %get3A_396] {strides = array<i32>} : memref<128x128xf32, #tpu.memory_space<vmem>>, vector<1x16xf32>,
            %get3A_398 = vector.shape_cast %get3A_397 : vector<1x16xf32> to vector<1x16xf32>
            %get3A_399 = arith.index_cast %add3A_391 : i32 to index
            %get3A_400 = arith.constant 0 : index
            %get3A_401 = tpu.vector_load %arg7[%get3A_399, %get3A_400] {strides = array<i32>} : memref<128x128xf32, #tpu.memory_space<vmem>>, vector<1x16xf32>,
            %get3A_402 = vector.shape_cast %get3A_401 : vector<1x16xf32> to vector<1x16xf32>
            %add3A_403 = arith.addf %get3A_398, %get3A_402 : vector<1x16xf32>
            %swap3A = arith.constant 0 : i32
            %swap3A_404 = arith.constant 0 : i32
            %swap3A_405 = tpu.memref_slice %run_scoped3A_20[%rem3A_289, %swap3A, %swap3A_404] : memref<2x128x128xf32, #tpu.memory_space<vmem>> -> memref<1x128x128xf32, #tpu.memory_space<vmem>>
            %swap3A_406 = tpu.memref_squeeze %swap3A_405 : memref<1x128x128xf32, #tpu.memory_space<vmem>> -> memref<128x128xf32, #tpu.memory_space<vmem>>
            %swap3A_407 = arith.index_cast %add3A_391 : i32 to index
            %swap3A_408 = arith.constant 0 : index
            %swap3A_409 = tpu.vector_load %swap3A_406[%swap3A_407, %swap3A_408] {strides = array<i32>} : memref<128x128xf32, #tpu.memory_space<vmem>>, vector<1x16xf32>,
            %swap3A_410 = vector.shape_cast %swap3A_409 : vector<1x16xf32> to vector<1x16xf32>
            %swap3A_411 = vector.shape_cast %add3A_403 : vector<1x16xf32> to vector<1x16xf32>
            tpu.vector_store %swap3A_406[%swap3A_407, %swap3A_408], %swap3A_411 {strides = array<i32>} : memref<128x128xf32, #tpu.memory_space<vmem>>, vector<1x16xf32>,
            %get3A_412 = arith.constant 0 : i32
            %get3A_413 = arith.constant 0 : i32
            %get3A_414 = tpu.memref_slice %run_scoped3A_20[%rem3A_289, %get3A_412, %get3A_413] : memref<2x128x128xf32, #tpu.memory_space<vmem>> -> memref<1x128x128xf32, #tpu.memory_space<vmem>>
            %get3A_415 = tpu.memref_squeeze %get3A_414 : memref<1x128x128xf32, #tpu.memory_space<vmem>> -> memref<128x128xf32, #tpu.memory_space<vmem>>
            %get3A_416 = arith.index_cast %add3A_391 : i32 to index
            %get3A_417 = arith.constant 16 : index
            %get3A_418 = tpu.vector_load %get3A_415[%get3A_416, %get3A_417] {strides = array<i32>} : memref<128x128xf32, #tpu.memory_space<vmem>>, vector<1x16xf32>,
            %get3A_419 = vector.shape_cast %get3A_418 : vector<1x16xf32> to vector<1x16xf32>
            %get3A_420 = arith.index_cast %add3A_391 : i32 to index
            %get3A_421 = arith.constant 16 : index
            %get3A_422 = tpu.vector_load %arg7[%get3A_420, %get3A_421] {strides = array<i32>} : memref<128x128xf32, #tpu.memory_space<vmem>>, vector<1x16xf32>,
            %get3A_423 = vector.shape_cast %get3A_422 : vector<1x16xf32> to vector<1x16xf32>
            %add3A_424 = arith.addf %get3A_419, %get3A_423 : vector<1x16xf32>
            %swap3A_425 = arith.constant 0 : i32
            %swap3A_426 = arith.constant 0 : i32
            %swap3A_427 = tpu.memref_slice %run_scoped3A_20[%rem3A_289, %swap3A_425, %swap3A_426] : memref<2x128x128xf32, #tpu.memory_space<vmem>> -> memref<1x128x128xf32, #tpu.memory_space<vmem>>
            %swap3A_428 = tpu.memref_squeeze %swap3A_427 : memref<1x128x128xf32, #tpu.memory_space<vmem>> -> memref<128x128xf32, #tpu.memory_space<vmem>>
            %swap3A_429 = arith.index_cast %add3A_391 : i32 to index
            %swap3A_430 = arith.constant 16 : index
            %swap3A_431 = tpu.vector_load %swap3A_428[%swap3A_429, %swap3A_430] {strides = array<i32>} : memref<128x128xf32, #tpu.memory_space<vmem>>, vector<1x16xf32>,
            %swap3A_432 = vector.shape_cast %swap3A_431 : vector<1x16xf32> to vector<1x16xf32>
            %swap3A_433 = vector.shape_cast %add3A_424 : vector<1x16xf32> to vector<1x16xf32>
            tpu.vector_store %swap3A_428[%swap3A_429, %swap3A_430], %swap3A_433 {strides = array<i32>} : memref<128x128xf32, #tpu.memory_space<vmem>>, vector<1x16xf32>,
            %get3A_434 = arith.constant 0 : i32
            %get3A_435 = arith.constant 0 : i32
            %get3A_436 = tpu.memref_slice %run_scoped3A_20[%rem3A_289, %get3A_434, %get3A_435] : memref<2x128x128xf32, #tpu.memory_space<vmem>> -> memref<1x128x128xf32, #tpu.memory_space<vmem>>
            %get3A_437 = tpu.memref_squeeze %get3A_436 : memref<1x128x128xf32, #tpu.memory_space<vmem>> -> memref<128x128xf32, #tpu.memory_space<vmem>>
            %get3A_438 = arith.index_cast %add3A_391 : i32 to index
            %get3A_439 = arith.constant 32 : index
            %get3A_440 = tpu.vector_load %get3A_437[%get3A_438, %get3A_439] {strides = array<i32>} : memref<128x128xf32, #tpu.memory_space<vmem>>, vector<1x16xf32>,
            %get3A_441 = vector.shape_cast %get3A_440 : vector<1x16xf32> to vector<1x16xf32>
            %get3A_442 = arith.index_cast %add3A_391 : i32 to index
            %get3A_443 = arith.constant 32 : index
            %get3A_444 = tpu.vector_load %arg7[%get3A_442, %get3A_443] {strides = array<i32>} : memref<128x128xf32, #tpu.memory_space<vmem>>, vector<1x16xf32>,
            %get3A_445 = vector.shape_cast %get3A_444 : vector<1x16xf32> to vector<1x16xf32>
            %add3A_446 = arith.addf %get3A_441, %get3A_445 : vector<1x16xf32>
            %swap3A_447 = arith.constant 0 : i32
            %swap3A_448 = arith.constant 0 : i32
            %swap3A_449 = tpu.memref_slice %run_scoped3A_20[%rem3A_289, %swap3A_447, %swap3A_448] : memref<2x128x128xf32, #tpu.memory_space<vmem>> -> memref<1x128x128xf32, #tpu.memory_space<vmem>>
            %swap3A_450 = tpu.memref_squeeze %swap3A_449 : memref<1x128x128xf32, #tpu.memory_space<vmem>> -> memref<128x128xf32, #tpu.memory_space<vmem>>
            %swap3A_451 = arith.index_cast %add3A_391 : i32 to index
            %swap3A_452 = arith.constant 32 : index
            %swap3A_453 = tpu.vector_load %swap3A_450[%swap3A_451, %swap3A_452] {strides = array<i32>} : memref<128x128xf32, #tpu.memory_space<vmem>>, vector<1x16xf32>,
            %swap3A_454 = vector.shape_cast %swap3A_453 : vector<1x16xf32> to vector<1x16xf32>
            %swap3A_455 = vector.shape_cast %add3A_446 : vector<1x16xf32> to vector<1x16xf32>
            tpu.vector_store %swap3A_450[%swap3A_451, %swap3A_452], %swap3A_455 {strides = array<i32>} : memref<128x128xf32, #tpu.memory_space<vmem>>, vector<1x16xf32>,
            %get3A_456 = arith.constant 0 : i32
            %get3A_457 = arith.constant 0 : i32
            %get3A_458 = tpu.memref_slice %run_scoped3A_20[%rem3A_289, %get3A_456, %get3A_457] : memref<2x128x128xf32, #tpu.memory_space<vmem>> -> memref<1x128x128xf32, #tpu.memory_space<vmem>>
            %get3A_459 = tpu.memref_squeeze %get3A_458 : memref<1x128x128xf32, #tpu.memory_space<vmem>> -> memref<128x128xf32, #tpu.memory_space<vmem>>
            %get3A_460 = arith.index_cast %add3A_391 : i32 to index
            %get3A_461 = arith.constant 48 : index
            %get3A_462 = tpu.vector_load %get3A_459[%get3A_460, %get3A_461] {strides = array<i32>} : memref<128x128xf32, #tpu.memory_space<vmem>>, vector<1x16xf32>,
            %get3A_463 = vector.shape_cast %get3A_462 : vector<1x16xf32> to vector<1x16xf32>
            %get3A_464 = arith.index_cast %add3A_391 : i32 to index
            %get3A_465 = arith.constant 48 : index
            %get3A_466 = tpu.vector_load %arg7[%get3A_464, %get3A_465] {strides = array<i32>} : memref<128x128xf32, #tpu.memory_space<vmem>>, vector<1x16xf32>,
            %get3A_467 = vector.shape_cast %get3A_466 : vector<1x16xf32> to vector<1x16xf32>
            %add3A_468 = arith.addf %get3A_463, %get3A_467 : vector<1x16xf32>
            %swap3A_469 = arith.constant 0 : i32
            %swap3A_470 = arith.constant 0 : i32
            %swap3A_471 = tpu.memref_slice %run_scoped3A_20[%rem3A_289, %swap3A_469, %swap3A_470] : memref<2x128x128xf32, #tpu.memory_space<vmem>> -> memref<1x128x128xf32, #tpu.memory_space<vmem>>
            %swap3A_472 = tpu.memref_squeeze %swap3A_471 : memref<1x128x128xf32, #tpu.memory_space<vmem>> -> memref<128x128xf32, #tpu.memory_space<vmem>>
            %swap3A_473 = arith.index_cast %add3A_391 : i32 to index
            %swap3A_474 = arith.constant 48 : index
            %swap3A_475 = tpu.vector_load %swap3A_472[%swap3A_473, %swap3A_474] {strides = array<i32>} : memref<128x128xf32, #tpu.memory_space<vmem>>, vector<1x16xf32>,
            %swap3A_476 = vector.shape_cast %swap3A_475 : vector<1x16xf32> to vector<1x16xf32>
            %swap3A_477 = vector.shape_cast %add3A_468 : vector<1x16xf32> to vector<1x16xf32>
            tpu.vector_store %swap3A_472[%swap3A_473, %swap3A_474], %swap3A_477 {strides = array<i32>} : memref<128x128xf32, #tpu.memory_space<vmem>>, vector<1x16xf32>,
            %get3A_478 = arith.constant 0 : i32
            %get3A_479 = arith.constant 0 : i32
            %get3A_480 = tpu.memref_slice %run_scoped3A_20[%rem3A_289, %get3A_478, %get3A_479] : memref<2x128x128xf32, #tpu.memory_space<vmem>> -> memref<1x128x128xf32, #tpu.memory_space<vmem>>
            %get3A_481 = tpu.memref_squeeze %get3A_480 : memref<1x128x128xf32, #tpu.memory_space<vmem>> -> memref<128x128xf32, #tpu.memory_space<vmem>>
            %get3A_482 = arith.index_cast %add3A_391 : i32 to index
            %get3A_483 = arith.constant 64 : index
            %get3A_484 = tpu.vector_load %get3A_481[%get3A_482, %get3A_483] {strides = array<i32>} : memref<128x128xf32, #tpu.memory_space<vmem>>, vector<1x16xf32>,
            %get3A_485 = vector.shape_cast %get3A_484 : vector<1x16xf32> to vector<1x16xf32>
            %get3A_486 = arith.index_cast %add3A_391 : i32 to index
            %get3A_487 = arith.constant 64 : index
            %get3A_488 = tpu.vector_load %arg7[%get3A_486, %get3A_487] {strides = array<i32>} : memref<128x128xf32, #tpu.memory_space<vmem>>, vector<1x16xf32>,
            %get3A_489 = vector.shape_cast %get3A_488 : vector<1x16xf32> to vector<1x16xf32>
            %add3A_490 = arith.addf %get3A_485, %get3A_489 : vector<1x16xf32>
            %swap3A_491 = arith.constant 0 : i32
            %swap3A_492 = arith.constant 0 : i32
            %swap3A_493 = tpu.memref_slice %run_scoped3A_20[%rem3A_289, %swap3A_491, %swap3A_492] : memref<2x128x128xf32, #tpu.memory_space<vmem>> -> memref<1x128x128xf32, #tpu.memory_space<vmem>>
            %swap3A_494 = tpu.memref_squeeze %swap3A_493 : memref<1x128x128xf32, #tpu.memory_space<vmem>> -> memref<128x128xf32, #tpu.memory_space<vmem>>
            %swap3A_495 = arith.index_cast %add3A_391 : i32 to index
            %swap3A_496 = arith.constant 64 : index
            %swap3A_497 = tpu.vector_load %swap3A_494[%swap3A_495, %swap3A_496] {strides = array<i32>} : memref<128x128xf32, #tpu.memory_space<vmem>>, vector<1x16xf32>,
            %swap3A_498 = vector.shape_cast %swap3A_497 : vector<1x16xf32> to vector<1x16xf32>
            %swap3A_499 = vector.shape_cast %add3A_490 : vector<1x16xf32> to vector<1x16xf32>
            tpu.vector_store %swap3A_494[%swap3A_495, %swap3A_496], %swap3A_499 {strides = array<i32>} : memref<128x128xf32, #tpu.memory_space<vmem>>, vector<1x16xf32>,
            %get3A_500 = arith.constant 0 : i32
            %get3A_501 = arith.constant 0 : i32
            %get3A_502 = tpu.memref_slice %run_scoped3A_20[%rem3A_289, %get3A_500, %get3A_501] : memref<2x128x128xf32, #tpu.memory_space<vmem>> -> memref<1x128x128xf32, #tpu.memory_space<vmem>>
            %get3A_503 = tpu.memref_squeeze %get3A_502 : memref<1x128x128xf32, #tpu.memory_space<vmem>> -> memref<128x128xf32, #tpu.memory_space<vmem>>
            %get3A_504 = arith.index_cast %add3A_391 : i32 to index
            %get3A_505 = arith.constant 80 : index
            %get3A_506 = tpu.vector_load %get3A_503[%get3A_504, %get3A_505] {strides = array<i32>} : memref<128x128xf32, #tpu.memory_space<vmem>>, vector<1x16xf32>,
            %get3A_507 = vector.shape_cast %get3A_506 : vector<1x16xf32> to vector<1x16xf32>
            %get3A_508 = arith.index_cast %add3A_391 : i32 to index
            %get3A_509 = arith.constant 80 : index
            %get3A_510 = tpu.vector_load %arg7[%get3A_508, %get3A_509] {strides = array<i32>} : memref<128x128xf32, #tpu.memory_space<vmem>>, vector<1x16xf32>,
            %get3A_511 = vector.shape_cast %get3A_510 : vector<1x16xf32> to vector<1x16xf32>
            %add3A_512 = arith.addf %get3A_507, %get3A_511 : vector<1x16xf32>
            %swap3A_513 = arith.constant 0 : i32
            %swap3A_514 = arith.constant 0 : i32
            %swap3A_515 = tpu.memref_slice %run_scoped3A_20[%rem3A_289, %swap3A_513, %swap3A_514] : memref<2x128x128xf32, #tpu.memory_space<vmem>> -> memref<1x128x128xf32, #tpu.memory_space<vmem>>
            %swap3A_516 = tpu.memref_squeeze %swap3A_515 : memref<1x128x128xf32, #tpu.memory_space<vmem>> -> memref<128x128xf32, #tpu.memory_space<vmem>>
            %swap3A_517 = arith.index_cast %add3A_391 : i32 to index
            %swap3A_518 = arith.constant 80 : index
            %swap3A_519 = tpu.vector_load %swap3A_516[%swap3A_517, %swap3A_518] {strides = array<i32>} : memref<128x128xf32, #tpu.memory_space<vmem>>, vector<1x16xf32>,
            %swap3A_520 = vector.shape_cast %swap3A_519 : vector<1x16xf32> to vector<1x16xf32>
            %swap3A_521 = vector.shape_cast %add3A_512 : vector<1x16xf32> to vector<1x16xf32>
            tpu.vector_store %swap3A_516[%swap3A_517, %swap3A_518], %swap3A_521 {strides = array<i32>} : memref<128x128xf32, #tpu.memory_space<vmem>>, vector<1x16xf32>,
            %get3A_522 = arith.constant 0 : i32
            %get3A_523 = arith.constant 0 : i32
            %get3A_524 = tpu.memref_slice %run_scoped3A_20[%rem3A_289, %get3A_522, %get3A_523] : memref<2x128x128xf32, #tpu.memory_space<vmem>> -> memref<1x128x128xf32, #tpu.memory_space<vmem>>
            %get3A_525 = tpu.memref_squeeze %get3A_524 : memref<1x128x128xf32, #tpu.memory_space<vmem>> -> memref<128x128xf32, #tpu.memory_space<vmem>>
            %get3A_526 = arith.index_cast %add3A_391 : i32 to index
            %get3A_527 = arith.constant 96 : index
            %get3A_528 = tpu.vector_load %get3A_525[%get3A_526, %get3A_527] {strides = array<i32>} : memref<128x128xf32, #tpu.memory_space<vmem>>, vector<1x16xf32>,
            %get3A_529 = vector.shape_cast %get3A_528 : vector<1x16xf32> to vector<1x16xf32>
            %get3A_530 = arith.index_cast %add3A_391 : i32 to index
            %get3A_531 = arith.constant 96 : index
            %get3A_532 = tpu.vector_load %arg7[%get3A_530, %get3A_531] {strides = array<i32>} : memref<128x128xf32, #tpu.memory_space<vmem>>, vector<1x16xf32>,
            %get3A_533 = vector.shape_cast %get3A_532 : vector<1x16xf32> to vector<1x16xf32>
            %add3A_534 = arith.addf %get3A_529, %get3A_533 : vector<1x16xf32>
            %swap3A_535 = arith.constant 0 : i32
            %swap3A_536 = arith.constant 0 : i32
            %swap3A_537 = tpu.memref_slice %run_scoped3A_20[%rem3A_289, %swap3A_535, %swap3A_536] : memref<2x128x128xf32, #tpu.memory_space<vmem>> -> memref<1x128x128xf32, #tpu.memory_space<vmem>>
            %swap3A_538 = tpu.memref_squeeze %swap3A_537 : memref<1x128x128xf32, #tpu.memory_space<vmem>> -> memref<128x128xf32, #tpu.memory_space<vmem>>
            %swap3A_539 = arith.index_cast %add3A_391 : i32 to index
            %swap3A_540 = arith.constant 96 : index
            %swap3A_541 = tpu.vector_load %swap3A_538[%swap3A_539, %swap3A_540] {strides = array<i32>} : memref<128x128xf32, #tpu.memory_space<vmem>>, vector<1x16xf32>,
            %swap3A_542 = vector.shape_cast %swap3A_541 : vector<1x16xf32> to vector<1x16xf32>
            %swap3A_543 = vector.shape_cast %add3A_534 : vector<1x16xf32> to vector<1x16xf32>
            tpu.vector_store %swap3A_538[%swap3A_539, %swap3A_540], %swap3A_543 {strides = array<i32>} : memref<128x128xf32, #tpu.memory_space<vmem>>, vector<1x16xf32>,
            %get3A_544 = arith.constant 0 : i32
            %get3A_545 = arith.constant 0 : i32
            %get3A_546 = tpu.memref_slice %run_scoped3A_20[%rem3A_289, %get3A_544, %get3A_545] : memref<2x128x128xf32, #tpu.memory_space<vmem>> -> memref<1x128x128xf32, #tpu.memory_space<vmem>>
            %get3A_547 = tpu.memref_squeeze %get3A_546 : memref<1x128x128xf32, #tpu.memory_space<vmem>> -> memref<128x128xf32, #tpu.memory_space<vmem>>
            %get3A_548 = arith.index_cast %add3A_391 : i32 to index
            %get3A_549 = arith.constant 112 : index
            %get3A_550 = tpu.vector_load %get3A_547[%get3A_548, %get3A_549] {strides = array<i32>} : memref<128x128xf32, #tpu.memory_space<vmem>>, vector<1x16xf32>,
            %get3A_551 = vector.shape_cast %get3A_550 : vector<1x16xf32> to vector<1x16xf32>
            %get3A_552 = arith.index_cast %add3A_391 : i32 to index
            %get3A_553 = arith.constant 112 : index
            %get3A_554 = tpu.vector_load %arg7[%get3A_552, %get3A_553] {strides = array<i32>} : memref<128x128xf32, #tpu.memory_space<vmem>>, vector<1x16xf32>,
            %get3A_555 = vector.shape_cast %get3A_554 : vector<1x16xf32> to vector<1x16xf32>
            %add3A_556 = arith.addf %get3A_551, %get3A_555 : vector<1x16xf32>
            %swap3A_557 = arith.constant 0 : i32
            %swap3A_558 = arith.constant 0 : i32
            %swap3A_559 = tpu.memref_slice %run_scoped3A_20[%rem3A_289, %swap3A_557, %swap3A_558] : memref<2x128x128xf32, #tpu.memory_space<vmem>> -> memref<1x128x128xf32, #tpu.memory_space<vmem>>
            %swap3A_560 = tpu.memref_squeeze %swap3A_559 : memref<1x128x128xf32, #tpu.memory_space<vmem>> -> memref<128x128xf32, #tpu.memory_space<vmem>>
            %swap3A_561 = arith.index_cast %add3A_391 : i32 to index
            %swap3A_562 = arith.constant 112 : index
            %swap3A_563 = tpu.vector_load %swap3A_560[%swap3A_561, %swap3A_562] {strides = array<i32>} : memref<128x128xf32, #tpu.memory_space<vmem>>, vector<1x16xf32>,
            %swap3A_564 = vector.shape_cast %swap3A_563 : vector<1x16xf32> to vector<1x16xf32>
            %swap3A_565 = vector.shape_cast %add3A_556 : vector<1x16xf32> to vector<1x16xf32>
            tpu.vector_store %swap3A_560[%swap3A_561, %swap3A_562], %swap3A_565 {strides = array<i32>} : memref<128x128xf32, #tpu.memory_space<vmem>>, vector<1x16xf32>,
          }
          %scan3A_295 = arith.constant 128 : i32
          "tpu.trace_stop"() : () -> ()
          %ne3A_296 = arith.cmpi ne, %add3A_188, %add3A_206 : i32
          %or3A_297 = arith.constant false
          %or3A_298 = arith.ori %or3A_297, %ne3A_296 : i1
          %or3A_299 = arith.ori %or3A_298, %eq3A_187 : i1
          %convert_element_type3A_300 = arith.extui %or3A_299 : i1 to i32
          %cond3A_301 = arith.constant 0 : i32
          %cond3A_302 = arith.cmpi ne, %convert_element_type3A_300, %cond3A_301 : i32
          scf.if %cond3A_302 {
          } else {
          }
          %and3A_303 = arith.constant false
          %and3A_304 = arith.andi %or3A_299, %and3A_303 : i1
          %ne3A_305 = arith.cmpi ne, %add3A_188, %add3A_206 : i32
          %or3A_306 = arith.constant false
          %or3A_307 = arith.ori %or3A_306, %ne3A_305 : i1
          %or3A_308 = arith.ori %or3A_307, %eq3A_187 : i1
          %convert_element_type3A_309 = arith.extui %or3A_308 : i1 to i32
          %cond3A_310 = arith.constant 0 : i32
          %cond3A_311 = arith.cmpi ne, %convert_element_type3A_309, %cond3A_310 : i32
          scf.if %cond3A_311 {
          } else {
          }
          %and3A_312 = arith.constant false
          %and3A_313 = arith.andi %or3A_308, %and3A_312 : i1
          %ne3A_314 = arith.cmpi ne, %add3A_188, %add3A_206 : i32
          %or3A_315 = arith.constant false
          %or3A_316 = arith.ori %or3A_315, %ne3A_314 : i1
          %or3A_317 = arith.constant false
          %or3A_318 = arith.ori %or3A_316, %or3A_317 : i1
          %or3A_319 = arith.ori %or3A_318, %eq3A_187 : i1
          %convert_element_type3A_320 = arith.extui %or3A_319 : i1 to i32
          %cond3A_321 = arith.constant 0 : i32
          %cond3A_322 = arith.cmpi ne, %convert_element_type3A_320, %cond3A_321 : i32
          scf.if %cond3A_322 {
            "tpu.trace_start"() <{level = 10 : i32, message = "ep_copy_out"}> : () -> ()
            %rem3A_387 = arith.constant 2 : i32
            %rem3A_388 = arith.remui %while3A_178, %rem3A_387 : i32
            %mul3A_389 = arith.constant 128 : i32
            %mul3A_390 = arith.muli %mul3A_389, %add3A_188 : i32
            %dma_start3A_391 = arith.constant 0 : i32
            %dma_start3A_392 = arith.constant 0 : i32
            %dma_start3A_393 = tpu.memref_slice %run_scoped3A_20[%rem3A_388, %dma_start3A_391, %dma_start3A_392] : memref<2x128x128xf32, #tpu.memory_space<vmem>> -> memref<1x128x128xf32, #tpu.memory_space<vmem>>
            %dma_start3A_394 = tpu.memref_squeeze %dma_start3A_393 : memref<1x128x128xf32, #tpu.memory_space<vmem>> -> memref<128x128xf32, #tpu.memory_space<vmem>>
            %dma_start3A_395 = arith.constant 0 : i32
            %dma_start3A_396 = tpu.memref_slice %arg6[%mul3A_390, %dma_start3A_395] : memref<320000x128xf32, #tpu.memory_space<hbm>> -> memref<128x128xf32, #tpu.memory_space<hbm>>
            %dma_start3A_397 = tpu.memref_slice %run_scoped3A_21[%rem3A_388] : memref<2x!tpu.dma_semaphore, #tpu.memory_space<semaphore_mem>> -> memref<1x!tpu.dma_semaphore, #tpu.memory_space<semaphore_mem>>
            %dma_start3A_398 = tpu.memref_squeeze %dma_start3A_397 : memref<1x!tpu.dma_semaphore, #tpu.memory_space<semaphore_mem>> -> memref<!tpu.dma_semaphore, #tpu.memory_space<semaphore_mem>>
            %dma_start3A_399 = arith.constant 0 : i32
            %dma_start3A_400 = tpu.memref_slice %arg6[%mul3A_390, %dma_start3A_399] : memref<320000x128xf32, #tpu.memory_space<hbm>> -> memref<128x128xf32, #tpu.memory_space<hbm>>
            %dma_start3A_401 = arith.constant 0 : i32
            %dma_start3A_402 = arith.constant 0 : i32
            %dma_start3A_403 = tpu.memref_slice %run_scoped3A_20[%rem3A_388, %dma_start3A_401, %dma_start3A_402] : memref<2x128x128xf32, #tpu.memory_space<vmem>> -> memref<1x128x128xf32, #tpu.memory_space<vmem>>
            %dma_start3A_404 = tpu.memref_squeeze %dma_start3A_403 : memref<1x128x128xf32, #tpu.memory_space<vmem>> -> memref<128x128xf32, #tpu.memory_space<vmem>>
            tpu.enqueue_dma source(%dma_start3A_404 : memref<128x128xf32, #tpu.memory_space<vmem>>) target(%dma_start3A_400 : memref<128x128xf32, #tpu.memory_space<hbm>>) target_semaphore(%dma_start3A_398 : memref<!tpu.dma_semaphore, #tpu.memory_space<semaphore_mem>>)
            "tpu.trace_stop"() : () -> ()
          } else {
          }
          %and3A_323 = arith.constant true
          %and3A_324 = arith.andi %or3A_319, %and3A_323 : i1
          %add3A_325 = arith.constant 1 : i32
          %add3A_326 = arith.addi %while3A_178, %add3A_325 : i32
          %select_n3A_327 = arith.select %and3A_324, %add3A_326, %while3A_178 : i32
          %ne3A_328 = arith.cmpi ne, %add3A_188, %add3A_198 : i32
          %or3A_329 = arith.constant false
          %or3A_330 = arith.ori %or3A_329, %ne3A_328 : i1
          %not3A_331 = arith.constant true
          %not3A_332 = arith.xori %eq3A_184, %not3A_331 : i1
          %and3A_333 = arith.andi %or3A_330, %not3A_332 : i1
          %convert_element_type3A_334 = arith.extui %and3A_333 : i1 to i32
          %cond3A_335 = arith.constant 0 : i32
          %cond3A_336 = arith.cmpi ne, %convert_element_type3A_334, %cond3A_335 : i32
          scf.if %cond3A_336 {
          } else {
          }
          %and3A_337 = arith.constant false
          %and3A_338 = arith.andi %and3A_333, %and3A_337 : i1
          %ne3A_339 = arith.cmpi ne, %add3A_188, %add3A_198 : i32
          %or3A_340 = arith.constant false
          %or3A_341 = arith.ori %or3A_340, %ne3A_339 : i1
          %not3A_342 = arith.constant true
          %not3A_343 = arith.xori %eq3A_184, %not3A_342 : i1
          %and3A_344 = arith.andi %or3A_341, %not3A_343 : i1
          %convert_element_type3A_345 = arith.extui %and3A_344 : i1 to i32
          %cond3A_346 = arith.constant 0 : i32
          %cond3A_347 = arith.cmpi ne, %convert_element_type3A_345, %cond3A_346 : i32
          scf.if %cond3A_347 {
          } else {
          }
          %and3A_348 = arith.constant false
          %and3A_349 = arith.andi %and3A_344, %and3A_348 : i1
          %ne3A_350 = arith.cmpi ne, %add3A_188, %add3A_198 : i32
          %or3A_351 = arith.constant false
          %or3A_352 = arith.ori %or3A_351, %ne3A_350 : i1
          %or3A_353 = arith.constant false
          %or3A_354 = arith.ori %or3A_352, %or3A_353 : i1
          %not3A_355 = arith.constant true
          %not3A_356 = arith.xori %eq3A_184, %not3A_355 : i1
          %and3A_357 = arith.andi %or3A_354, %not3A_356 : i1
          %convert_element_type3A_358 = arith.extui %and3A_357 : i1 to i32
          %cond3A_359 = arith.constant 0 : i32
          %cond3A_360 = arith.cmpi ne, %convert_element_type3A_358, %cond3A_359 : i32
          scf.if %cond3A_360 {
            "tpu.trace_start"() <{level = 10 : i32, message = "ep_wait_out"}> : () -> ()
            %rem3A_387 = arith.constant 2 : i32
            %rem3A_388 = arith.remui %while3A_179, %rem3A_387 : i32
            %mul3A_389 = arith.constant 128 : i32
            %mul3A_390 = arith.muli %mul3A_389, %add3A_198 : i32
            %dma_wait3A = arith.constant 0 : i32
            %dma_wait3A_391 = arith.constant 0 : i32
            %dma_wait3A_392 = tpu.memref_slice %run_scoped3A_20[%rem3A_388, %dma_wait3A, %dma_wait3A_391] : memref<2x128x128xf32, #tpu.memory_space<vmem>> -> memref<1x128x128xf32, #tpu.memory_space<vmem>>
            %dma_wait3A_393 = tpu.memref_squeeze %dma_wait3A_392 : memref<1x128x128xf32, #tpu.memory_space<vmem>> -> memref<128x128xf32, #tpu.memory_space<vmem>>
            %dma_wait3A_394 = arith.constant 0 : i32
            %dma_wait3A_395 = tpu.memref_slice %arg6[%mul3A_390, %dma_wait3A_394] : memref<320000x128xf32, #tpu.memory_space<hbm>> -> memref<128x128xf32, #tpu.memory_space<hbm>>
            %dma_wait3A_396 = tpu.memref_slice %run_scoped3A_21[%rem3A_388] : memref<2x!tpu.dma_semaphore, #tpu.memory_space<semaphore_mem>> -> memref<1x!tpu.dma_semaphore, #tpu.memory_space<semaphore_mem>>
            %dma_wait3A_397 = tpu.memref_squeeze %dma_wait3A_396 : memref<1x!tpu.dma_semaphore, #tpu.memory_space<semaphore_mem>> -> memref<!tpu.dma_semaphore, #tpu.memory_space<semaphore_mem>>
            %dma_wait3A_398 = arith.constant 0 : i32
            %dma_wait3A_399 = tpu.memref_slice %arg6[%mul3A_390, %dma_wait3A_398] : memref<320000x128xf32, #tpu.memory_space<hbm>> -> memref<128x128xf32, #tpu.memory_space<hbm>>
            %dma_wait3A_400 = arith.constant 0 : i32
            %dma_wait3A_401 = arith.constant 0 : i32
            %dma_wait3A_402 = tpu.memref_slice %run_scoped3A_20[%rem3A_388, %dma_wait3A_400, %dma_wait3A_401] : memref<2x128x128xf32, #tpu.memory_space<vmem>> -> memref<1x128x128xf32, #tpu.memory_space<vmem>>
            %dma_wait3A_403 = tpu.memref_squeeze %dma_wait3A_402 : memref<1x128x128xf32, #tpu.memory_space<vmem>> -> memref<128x128xf32, #tpu.memory_space<vmem>>
            tpu.wait_dma2 semaphore(%dma_wait3A_397 : memref<!tpu.dma_semaphore, #tpu.memory_space<semaphore_mem>>) src(%dma_wait3A_403 : memref<128x128xf32, #tpu.memory_space<vmem>>) dst(%dma_wait3A_399 : memref<128x128xf32, #tpu.memory_space<hbm>>)
            "tpu.trace_stop"() : () -> ()
          } else {
          }
          %and3A_361 = arith.constant true
          %and3A_362 = arith.andi %and3A_357, %and3A_361 : i1
          %add3A_363 = arith.constant 1 : i32
          %add3A_364 = arith.addi %while3A_179, %add3A_363 : i32
          %select_n3A_365 = arith.select %and3A_362, %add3A_364, %while3A_179 : i32
          %ne3A_366 = arith.cmpi ne, %add3A_188, %add3A_206 : i32
          %or3A_367 = arith.constant false
          %or3A_368 = arith.ori %or3A_367, %ne3A_366 : i1
          %or3A_369 = arith.ori %or3A_368, %eq3A_187 : i1
          %add3A_370 = arith.constant 1 : i32
          %add3A_371 = arith.addi %while3A_175, %add3A_370 : i32
          %select_n3A_372 = arith.select %or3A_369, %add3A_371, %while3A_175 : i32
          %ne3A_373 = arith.cmpi ne, %add3A_188, %add3A_206 : i32
          %or3A_374 = arith.constant false
          %or3A_375 = arith.ori %or3A_374, %ne3A_373 : i1
          %or3A_376 = arith.ori %or3A_375, %eq3A_187 : i1
          %add3A_377 = arith.constant 1 : i32
          %add3A_378 = arith.addi %while3A_177, %add3A_377 : i32
          %select_n3A_379 = arith.select %or3A_376, %add3A_378, %while3A_177 : i32
          %add3A_380 = arith.constant 1 : i32
          %add3A_381 = arith.addi %while3A_180, %add3A_380 : i32
          %select_n3A_382 = arith.constant true
          %select_n3A_383 = arith.select %select_n3A_382, %add3A_381, %while3A_180 : i32
          %eq3A_384 = arith.cmpi eq, %select_n3A_383, %select_n3A : i32
          %select_n3A_385 = arith.constant 0 : i32
          %select_n3A_386 = arith.select %eq3A_384, %select_n3A_385, %select_n3A_383 : i32
          scf.yield %select_n3A_228, %select_n3A_372, %select_n3A_247, %select_n3A_379, %select_n3A_327, %select_n3A_365, %select_n3A_386 : i32, i32, i32, i32, i32, i32, i32
        }
        %sub3A_119 = arith.constant 1 : i32
        %sub3A_120 = arith.subi %while3A_118#6, %sub3A_119 : i32
        %select_n3A_121 = arith.constant true
        %select_n3A_122 = arith.select %select_n3A_121, %sub3A_120, %while3A_118#6 : i32
        %eq3A_123 = arith.constant -1 : i32
        %eq3A_124 = arith.cmpi eq, %select_n3A_122, %eq3A_123 : i32
        %sub3A_125 = arith.constant 1 : i32
        %sub3A_126 = arith.subi %select_n3A, %sub3A_125 : i32
        %select_n3A_127 = arith.select %eq3A_124, %sub3A_126, %select_n3A_122 : i32
        %sub3A_128 = arith.constant 1 : i32
        %sub3A_129 = arith.subi %mul3A_16, %sub3A_128 : i32
        %mul3A_130 = arith.constant 1 : i32
        %mul3A_131 = arith.muli %mul3A_130, %select_n3A : i32
        %eq3A_132 = arith.constant 0 : i32
        %eq3A_133 = arith.cmpi eq, %sub3A_129, %eq3A_132 : i32
        %sub3A_134 = arith.constant 1 : i32
        %sub3A_135 = arith.subi %mul3A_131, %sub3A_134 : i32
        %eq3A_136 = arith.cmpi eq, %sub3A_129, %sub3A_135 : i32
        %add3A_137 = arith.addi %select_n3A_127, %select_n3A_14 : i32
        %sub3A_138 = arith.constant 1 : i32
        %sub3A_139 = arith.subi %select_n3A_127, %sub3A_138 : i32
        %select_n3A_140 = arith.constant true
        %select_n3A_141 = arith.select %select_n3A_140, %sub3A_139, %select_n3A_127 : i32
        %eq3A_142 = arith.constant -1 : i32
        %eq3A_143 = arith.cmpi eq, %select_n3A_141, %eq3A_142 : i32
        %sub3A_144 = arith.constant 1 : i32
        %sub3A_145 = arith.subi %select_n3A, %sub3A_144 : i32
        %select_n3A_146 = arith.select %eq3A_143, %sub3A_145, %select_n3A_141 : i32
        %add3A_147 = arith.addi %select_n3A_146, %select_n3A_14 : i32
        %add3A_148 = arith.constant 1 : i32
        %add3A_149 = arith.addi %select_n3A_127, %add3A_148 : i32
        %select_n3A_150 = arith.constant true
        %select_n3A_151 = arith.select %select_n3A_150, %add3A_149, %select_n3A_127 : i32
        %eq3A_152 = arith.cmpi eq, %select_n3A_151, %select_n3A : i32
        %select_n3A_153 = arith.constant 0 : i32
        %select_n3A_154 = arith.select %eq3A_152, %select_n3A_153, %select_n3A_151 : i32
        %add3A_155 = arith.addi %select_n3A_154, %select_n3A_14 : i32
        %add3A_156 = arith.constant 1 : i32
        %add3A_157 = arith.addi %select_n3A_154, %add3A_156 : i32
        %select_n3A_158 = arith.constant true
        %select_n3A_159 = arith.select %select_n3A_158, %add3A_157, %select_n3A_154 : i32
        %eq3A_160 = arith.cmpi eq, %select_n3A_159, %select_n3A : i32
        %select_n3A_161 = arith.constant 0 : i32
        %select_n3A_162 = arith.select %eq3A_160, %select_n3A_161, %select_n3A_159 : i32
        %add3A_163 = arith.addi %select_n3A_162, %select_n3A_14 : i32
        %convert_element_type3A_164 = arith.extui %eq3A_136 : i1 to i32
        %cond3A_165 = arith.constant 0 : i32
        %cond3A_166 = arith.cmpi ne, %convert_element_type3A_164, %cond3A_165 : i32
        scf.if %cond3A_166 {
        } else {
        }
        %convert_element_type3A_167 = arith.extui %eq3A_136 : i1 to i32
        %cond3A_168 = arith.constant 0 : i32
        %cond3A_169 = arith.cmpi ne, %convert_element_type3A_167, %cond3A_168 : i32
        scf.if %cond3A_169 {
        } else {
        }
        %convert_element_type3A_170 = arith.extui %eq3A_136 : i1 to i32
        %cond3A_171 = arith.constant 0 : i32
        %cond3A_172 = arith.cmpi ne, %convert_element_type3A_170, %cond3A_171 : i32
        scf.if %cond3A_172 {
          "tpu.trace_start"() <{level = 10 : i32, message = "ep_finalize"}> : () -> ()
          %rem3A_173 = arith.constant 2 : i32
          %rem3A_174 = arith.remui %while3A_118#5, %rem3A_173 : i32
          %mul3A_175 = arith.constant 128 : i32
          %mul3A_176 = arith.muli %mul3A_175, %add3A_137 : i32
          %dma_wait3A = arith.constant 0 : i32
          %dma_wait3A_177 = arith.constant 0 : i32
          %dma_wait3A_178 = tpu.memref_slice %run_scoped3A_20[%rem3A_174, %dma_wait3A, %dma_wait3A_177] : memref<2x128x128xf32, #tpu.memory_space<vmem>> -> memref<1x128x128xf32, #tpu.memory_space<vmem>>
          %dma_wait3A_179 = tpu.memref_squeeze %dma_wait3A_178 : memref<1x128x128xf32, #tpu.memory_space<vmem>> -> memref<128x128xf32, #tpu.memory_space<vmem>>
          %dma_wait3A_180 = arith.constant 0 : i32
          %dma_wait3A_181 = tpu.memref_slice %arg6[%mul3A_176, %dma_wait3A_180] : memref<320000x128xf32, #tpu.memory_space<hbm>> -> memref<128x128xf32, #tpu.memory_space<hbm>>
          %dma_wait3A_182 = tpu.memref_slice %run_scoped3A_21[%rem3A_174] : memref<2x!tpu.dma_semaphore, #tpu.memory_space<semaphore_mem>> -> memref<1x!tpu.dma_semaphore, #tpu.memory_space<semaphore_mem>>
          %dma_wait3A_183 = tpu.memref_squeeze %dma_wait3A_182 : memref<1x!tpu.dma_semaphore, #tpu.memory_space<semaphore_mem>> -> memref<!tpu.dma_semaphore, #tpu.memory_space<semaphore_mem>>
          %dma_wait3A_184 = arith.constant 0 : i32
          %dma_wait3A_185 = tpu.memref_slice %arg6[%mul3A_176, %dma_wait3A_184] : memref<320000x128xf32, #tpu.memory_space<hbm>> -> memref<128x128xf32, #tpu.memory_space<hbm>>
          %dma_wait3A_186 = arith.constant 0 : i32
          %dma_wait3A_187 = arith.constant 0 : i32
          %dma_wait3A_188 = tpu.memref_slice %run_scoped3A_20[%rem3A_174, %dma_wait3A_186, %dma_wait3A_187] : memref<2x128x128xf32, #tpu.memory_space<vmem>> -> memref<1x128x128xf32, #tpu.memory_space<vmem>>
          %dma_wait3A_189 = tpu.memref_squeeze %dma_wait3A_188 : memref<1x128x128xf32, #tpu.memory_space<vmem>> -> memref<128x128xf32, #tpu.memory_space<vmem>>
          tpu.wait_dma2 semaphore(%dma_wait3A_183 : memref<!tpu.dma_semaphore, #tpu.memory_space<semaphore_mem>>) src(%dma_wait3A_189 : memref<128x128xf32, #tpu.memory_space<vmem>>) dst(%dma_wait3A_185 : memref<128x128xf32, #tpu.memory_space<hbm>>)
          "tpu.trace_stop"() : () -> ()
        } else {
        }
      } else {
      }
      tpu.yield
    }) : () -> ()
    return
  }
}

module attributes {stable_mosaic.version = 14 : i64} {
  func.func @_pre_body(%arg0: i32, %arg1: memref<400x128xf32, #tpu.memory_space<vmem>>, %arg2: memref<128x128xf32, #tpu.memory_space<vmem>>, %arg3: memref<128x128xf32, #tpu.memory_space<vmem>>, %arg4: memref<400x128xf32, #tpu.memory_space<vmem>>, %arg5: memref<400x128xf32, #tpu.memory_space<vmem>>) attributes {dimension_semantics = [#tpu.dimension_semantics<arbitrary>], iteration_bounds = array<i64: 25>, scalar_prefetch = 0 : i64, scratch_operands = 0 : i64, tpu.core_type = #tpu.core_type<tc>, window_params = [{transform_indices = @transform_0, window_bounds = array<i64: 400, 128>}, {pipeline_mode = #tpu.pipeline_mode<synchronous>, transform_indices = @transform_1, window_bounds = array<i64: 128, 128>}, {pipeline_mode = #tpu.pipeline_mode<synchronous>, transform_indices = @transform_2, window_bounds = array<i64: 128, 128>}, {transform_indices = @transform_3, window_bounds = array<i64: 400, 128>}, {transform_indices = @transform_4, window_bounds = array<i64: 400, 128>}]} {
    %get3A = arith.constant 0 : index
    %get3A_0 = arith.constant 0 : index
    %get3A_1 = vector.load %arg1[%get3A, %get3A_0] : memref<400x128xf32, #tpu.memory_space<vmem>>, vector<400x128xf32>
    %get3A_2 = arith.constant 0 : index
    %get3A_3 = arith.constant 0 : index
    %get3A_4 = vector.load %arg2[%get3A_2, %get3A_3] : memref<128x128xf32, #tpu.memory_space<vmem>>, vector<128x128xf32>
    %dot_general3A = arith.constant dense<0.000000e+00> : vector<400x128xf32>
    %dot_general3A_5 = tpu.matmul %get3A_1, %get3A_4, %dot_general3A {dimension_numbers = #tpu.dot_dimension_numbers<[1], [0], [0], [1], [0, 0, 1, 1], [], []>, transpose_lhs_hint = false} : vector<400x128xf32>, vector<128x128xf32>, vector<400x128xf32> -> vector<400x128xf32>
    %swap3A = arith.constant 0 : index
    %swap3A_6 = arith.constant 0 : index
    %swap3A_7 = vector.load %arg4[%swap3A, %swap3A_6] : memref<400x128xf32, #tpu.memory_space<vmem>>, vector<400x128xf32>
    tpu.vector_store %arg4[%swap3A, %swap3A_6], %dot_general3A_5 {strides = array<i32>} : memref<400x128xf32, #tpu.memory_space<vmem>>, vector<400x128xf32>,
    %get3A_8 = arith.constant 0 : index
    %get3A_9 = arith.constant 0 : index
    %get3A_10 = vector.load %arg3[%get3A_8, %get3A_9] : memref<128x128xf32, #tpu.memory_space<vmem>>, vector<128x128xf32>
    %dot_general3A_11 = arith.constant dense<0.000000e+00> : vector<400x128xf32>
    %dot_general3A_12 = tpu.matmul %get3A_1, %get3A_10, %dot_general3A_11 {dimension_numbers = #tpu.dot_dimension_numbers<[1], [0], [0], [1], [0, 0, 1, 1], [], []>, transpose_lhs_hint = false} : vector<400x128xf32>, vector<128x128xf32>, vector<400x128xf32> -> vector<400x128xf32>
    %swap3A_13 = arith.constant 0 : index
    %swap3A_14 = arith.constant 0 : index
    %swap3A_15 = vector.load %arg5[%swap3A_13, %swap3A_14] : memref<400x128xf32, #tpu.memory_space<vmem>>, vector<400x128xf32>
    tpu.vector_store %arg5[%swap3A_13, %swap3A_14], %dot_general3A_12 {strides = array<i32>} : memref<400x128xf32, #tpu.memory_space<vmem>>, vector<400x128xf32>,
    return
  }
  func.func @transform_0(%arg0: i32) -> (i32, i32) {
    %c0_i32 = arith.constant 0 : i32
    %c0_i32_0 = arith.constant 0 : i32
    return %arg0, %c0_i32 : i32, i32
  }
  func.func @transform_1(%arg0: i32) -> (i32, i32) {
    %c0_i32 = arith.constant 0 : i32
    %c0_i32_0 = arith.constant 0 : i32
    %c0_i32_1 = arith.constant 0 : i32
    return %c0_i32, %c0_i32_0 : i32, i32
  }
  func.func @transform_2(%arg0: i32) -> (i32, i32) {
    %c0_i32 = arith.constant 0 : i32
    %c0_i32_0 = arith.constant 0 : i32
    %c0_i32_1 = arith.constant 0 : i32
    return %c0_i32, %c0_i32_0 : i32, i32
  }
  func.func @transform_3(%arg0: i32) -> (i32, i32) {
    %c0_i32 = arith.constant 0 : i32
    %c0_i32_0 = arith.constant 0 : i32
    return %arg0, %c0_i32 : i32, i32
  }
  func.func @transform_4(%arg0: i32) -> (i32, i32) {
    %c0_i32 = arith.constant 0 : i32
    %c0_i32_0 = arith.constant 0 : i32
    return %arg0, %c0_i32 : i32, i32
  }
}

module attributes {stable_mosaic.version = 14 : i64} {
  func.func @_mlp_body(%arg0: i32, %arg1: memref<512x128xf32, #tpu.memory_space<vmem>>, %arg2: memref<512x16xf32, #tpu.memory_space<vmem>>, %arg3: memref<16x128xf32, #tpu.memory_space<vmem>>, %arg4: memref<1x128xf32, #tpu.memory_space<vmem>>, %arg5: memref<128x128xf32, #tpu.memory_space<vmem>>, %arg6: memref<1x128xf32, #tpu.memory_space<vmem>>, %arg7: memref<512x128xf32, #tpu.memory_space<vmem>>) attributes {dimension_semantics = [#tpu.dimension_semantics<arbitrary>], iteration_bounds = array<i64: 625>, scalar_prefetch = 0 : i64, scratch_operands = 0 : i64, tpu.core_type = #tpu.core_type<tc>, window_params = [{transform_indices = @transform_0, window_bounds = array<i64: 512, 128>}, {transform_indices = @transform_1, window_bounds = array<i64: 512, 16>}, {pipeline_mode = #tpu.pipeline_mode<synchronous>, transform_indices = @transform_2, window_bounds = array<i64: 16, 128>}, {pipeline_mode = #tpu.pipeline_mode<synchronous>, transform_indices = @transform_3, window_bounds = array<i64: 1, 128>}, {pipeline_mode = #tpu.pipeline_mode<synchronous>, transform_indices = @transform_4, window_bounds = array<i64: 128, 128>}, {pipeline_mode = #tpu.pipeline_mode<synchronous>, transform_indices = @transform_5, window_bounds = array<i64: 1, 128>}, {transform_indices = @transform_6, window_bounds = array<i64: 512, 128>}]} {
    %get3A = arith.constant 0 : index
    %get3A_0 = arith.constant 0 : index
    %get3A_1 = vector.load %arg1[%get3A, %get3A_0] : memref<512x128xf32, #tpu.memory_space<vmem>>, vector<512x128xf32>
    %get3A_2 = arith.constant 0 : index
    %get3A_3 = arith.constant 0 : index
    %get3A_4 = vector.load %arg2[%get3A_2, %get3A_3] : memref<512x16xf32, #tpu.memory_space<vmem>>, vector<512x16xf32>
    %get3A_5 = arith.constant 0 : index
    %get3A_6 = arith.constant 0 : index
    %get3A_7 = vector.load %arg3[%get3A_5, %get3A_6] : memref<16x128xf32, #tpu.memory_space<vmem>>, vector<16x128xf32>
    %dot_general3A = arith.constant dense<0.000000e+00> : vector<512x128xf32>
    %dot_general3A_8 = tpu.matmul %get3A_4, %get3A_7, %dot_general3A {dimension_numbers = #tpu.dot_dimension_numbers<[1], [0], [0], [1], [0, 0, 1, 1], [], []>, transpose_lhs_hint = false} : vector<512x16xf32>, vector<16x128xf32>, vector<512x128xf32> -> vector<512x128xf32>
    %add3A = arith.addf %get3A_1, %dot_general3A_8 : vector<512x128xf32>
    %get3A_9 = arith.constant 0 : index
    %get3A_10 = arith.constant 0 : index
    %get3A_11 = vector.load %arg4[%get3A_9, %get3A_10] : memref<1x128xf32, #tpu.memory_space<vmem>>, vector<1x128xf32>
    %add3A_12 = vector.broadcast %get3A_11 : vector<1x128xf32> to vector<512x128xf32>
    %add3A_13 = arith.addf %add3A, %add3A_12 : vector<512x128xf32>
    %max3A = arith.constant 0.000000e+00 : f32
    %max3A_14 = vector.broadcast %max3A : f32 to vector<512x128xf32>
    %max3A_15 = arith.maximumf %add3A_13, %max3A_14 : vector<512x128xf32>
    %get3A_16 = arith.constant 0 : index
    %get3A_17 = arith.constant 0 : index
    %get3A_18 = vector.load %arg5[%get3A_16, %get3A_17] : memref<128x128xf32, #tpu.memory_space<vmem>>, vector<128x128xf32>
    %dot_general3A_19 = arith.constant dense<0.000000e+00> : vector<512x128xf32>
    %dot_general3A_20 = tpu.matmul %max3A_15, %get3A_18, %dot_general3A_19 {dimension_numbers = #tpu.dot_dimension_numbers<[1], [0], [0], [1], [0, 0, 1, 1], [], []>, transpose_lhs_hint = false} : vector<512x128xf32>, vector<128x128xf32>, vector<512x128xf32> -> vector<512x128xf32>
    %get3A_21 = arith.constant 0 : index
    %get3A_22 = arith.constant 0 : index
    %get3A_23 = vector.load %arg6[%get3A_21, %get3A_22] : memref<1x128xf32, #tpu.memory_space<vmem>>, vector<1x128xf32>
    %add3A_24 = vector.broadcast %get3A_23 : vector<1x128xf32> to vector<512x128xf32>
    %add3A_25 = arith.addf %dot_general3A_20, %add3A_24 : vector<512x128xf32>
    %max3A_26 = arith.constant 0.000000e+00 : f32
    %max3A_27 = vector.broadcast %max3A_26 : f32 to vector<512x128xf32>
    %max3A_28 = arith.maximumf %add3A_25, %max3A_27 : vector<512x128xf32>
    %swap3A = arith.constant 0 : index
    %swap3A_29 = arith.constant 0 : index
    %swap3A_30 = vector.load %arg7[%swap3A, %swap3A_29] : memref<512x128xf32, #tpu.memory_space<vmem>>, vector<512x128xf32>
    tpu.vector_store %arg7[%swap3A, %swap3A_29], %max3A_28 {strides = array<i32>} : memref<512x128xf32, #tpu.memory_space<vmem>>, vector<512x128xf32>,
    return
  }
  func.func @transform_0(%arg0: i32) -> (i32, i32) {
    %c0_i32 = arith.constant 0 : i32
    %c0_i32_0 = arith.constant 0 : i32
    return %arg0, %c0_i32 : i32, i32
  }
  func.func @transform_1(%arg0: i32) -> (i32, i32) {
    %c0_i32 = arith.constant 0 : i32
    %c0_i32_0 = arith.constant 0 : i32
    return %arg0, %c0_i32 : i32, i32
  }
  func.func @transform_2(%arg0: i32) -> (i32, i32) {
    %c0_i32 = arith.constant 0 : i32
    %c0_i32_0 = arith.constant 0 : i32
    %c0_i32_1 = arith.constant 0 : i32
    return %c0_i32, %c0_i32_0 : i32, i32
  }
  func.func @transform_3(%arg0: i32) -> (i32, i32) {
    %c0_i32 = arith.constant 0 : i32
    %c0_i32_0 = arith.constant 0 : i32
    %c0_i32_1 = arith.constant 0 : i32
    return %c0_i32, %c0_i32_0 : i32, i32
  }
  func.func @transform_4(%arg0: i32) -> (i32, i32) {
    %c0_i32 = arith.constant 0 : i32
    %c0_i32_0 = arith.constant 0 : i32
    %c0_i32_1 = arith.constant 0 : i32
    return %c0_i32, %c0_i32_0 : i32, i32
  }
  func.func @transform_5(%arg0: i32) -> (i32, i32) {
    %c0_i32 = arith.constant 0 : i32
    %c0_i32_0 = arith.constant 0 : i32
    %c0_i32_1 = arith.constant 0 : i32
    return %c0_i32, %c0_i32_0 : i32, i32
  }
  func.func @transform_6(%arg0: i32) -> (i32, i32) {
    %c0_i32 = arith.constant 0 : i32
    %c0_i32_0 = arith.constant 0 : i32
    return %arg0, %c0_i32 : i32, i32
  }
}

module attributes {stable_mosaic.version = 14 : i64} {
  func.func @_final_body(%arg0: i32, %arg1: memref<400x128xf32, #tpu.memory_space<vmem>>, %arg2: memref<1x400x128xf32, #tpu.memory_space<vmem>>, %arg3: memref<1x400x128xf32, #tpu.memory_space<vmem>>, %arg4: memref<128x128xf32, #tpu.memory_space<vmem>>, %arg5: memref<1x128xf32, #tpu.memory_space<vmem>>, %arg6: memref<1x128xf32, #tpu.memory_space<vmem>>, %arg7: memref<1x128xf32, #tpu.memory_space<vmem>>, %arg8: memref<400x128xf32, #tpu.memory_space<vmem>>) attributes {dimension_semantics = [#tpu.dimension_semantics<arbitrary>], iteration_bounds = array<i64: 25>, scalar_prefetch = 0 : i64, scratch_operands = 0 : i64, tpu.core_type = #tpu.core_type<tc>, window_params = [{transform_indices = @transform_0, window_bounds = array<i64: 400, 128>}, {transform_indices = @transform_1, window_bounds = array<i64: 1, 400, 128>}, {transform_indices = @transform_2, window_bounds = array<i64: 1, 400, 128>}, {pipeline_mode = #tpu.pipeline_mode<synchronous>, transform_indices = @transform_3, window_bounds = array<i64: 128, 128>}, {pipeline_mode = #tpu.pipeline_mode<synchronous>, transform_indices = @transform_4, window_bounds = array<i64: 1, 128>}, {pipeline_mode = #tpu.pipeline_mode<synchronous>, transform_indices = @transform_5, window_bounds = array<i64: 1, 128>}, {pipeline_mode = #tpu.pipeline_mode<synchronous>, transform_indices = @transform_6, window_bounds = array<i64: 1, 128>}, {transform_indices = @transform_7, window_bounds = array<i64: 400, 128>}]} {
    %get3A = arith.constant 0 : index
    %get3A_0 = arith.constant 0 : index
    %get3A_1 = arith.constant 0 : index
    %get3A_2 = vector.load %arg2[%get3A, %get3A_0, %get3A_1] : memref<1x400x128xf32, #tpu.memory_space<vmem>>, vector<1x400x128xf32>
    %get3A_3 = vector.shape_cast %get3A_2 : vector<1x400x128xf32> to vector<400x128xf32>
    %get3A_4 = arith.constant 0 : index
    %get3A_5 = arith.constant 0 : index
    %get3A_6 = arith.constant 0 : index
    %get3A_7 = vector.load %arg3[%get3A_4, %get3A_5, %get3A_6] : memref<1x400x128xf32, #tpu.memory_space<vmem>>, vector<1x400x128xf32>
    %get3A_8 = vector.shape_cast %get3A_7 : vector<1x400x128xf32> to vector<400x128xf32>
    %add3A = arith.addf %get3A_3, %get3A_8 : vector<400x128xf32>
    %get3A_9 = arith.constant 0 : index
    %get3A_10 = arith.constant 0 : index
    %get3A_11 = vector.load %arg4[%get3A_9, %get3A_10] : memref<128x128xf32, #tpu.memory_space<vmem>>, vector<128x128xf32>
    %dot_general3A = arith.constant dense<0.000000e+00> : vector<400x128xf32>
    %dot_general3A_12 = tpu.matmul %add3A, %get3A_11, %dot_general3A {dimension_numbers = #tpu.dot_dimension_numbers<[1], [0], [0], [1], [0, 0, 1, 1], [], []>, transpose_lhs_hint = false} : vector<400x128xf32>, vector<128x128xf32>, vector<400x128xf32> -> vector<400x128xf32>
    %get3A_13 = arith.constant 0 : index
    %get3A_14 = arith.constant 0 : index
    %get3A_15 = vector.load %arg5[%get3A_13, %get3A_14] : memref<1x128xf32, #tpu.memory_space<vmem>>, vector<1x128xf32>
    %add3A_16 = vector.broadcast %get3A_15 : vector<1x128xf32> to vector<400x128xf32>
    %add3A_17 = arith.addf %dot_general3A_12, %add3A_16 : vector<400x128xf32>
    %get3A_18 = arith.constant 0 : index
    %get3A_19 = arith.constant 0 : index
    %get3A_20 = vector.load %arg1[%get3A_18, %get3A_19] : memref<400x128xf32, #tpu.memory_space<vmem>>, vector<400x128xf32>
    %max3A = arith.constant 0.000000e+00 : f32
    %max3A_21 = vector.broadcast %max3A : f32 to vector<400x128xf32>
    %max3A_22 = arith.maximumf %add3A_17, %max3A_21 : vector<400x128xf32>
    %add3A_23 = arith.addf %get3A_20, %max3A_22 : vector<400x128xf32>
    %reduce_sum3A = arith.constant dense<0.000000e+00> : vector<400xf32>
    %reduce_sum3A_24 = vector.multi_reduction <add>, %add3A_23, %reduce_sum3A [1] : vector<400x128xf32> to vector<400xf32>
    %broadcast_in_dim3A = vector.shape_cast %reduce_sum3A_24 : vector<400xf32> to vector<400x1xf32>
    %div3A = arith.constant 1.280000e+02 : f32
    %div3A_25 = vector.broadcast %div3A : f32 to vector<400x1xf32>
    %div3A_26 = arith.divf %broadcast_in_dim3A, %div3A_25 : vector<400x1xf32>
    %sub3A = vector.broadcast %div3A_26 : vector<400x1xf32> to vector<400x128xf32>
    %sub3A_27 = arith.subf %add3A_23, %sub3A : vector<400x128xf32>
    %square3A = arith.mulf %sub3A_27, %sub3A_27 : vector<400x128xf32>
    %reduce_sum3A_28 = arith.constant dense<0.000000e+00> : vector<400xf32>
    %reduce_sum3A_29 = vector.multi_reduction <add>, %square3A, %reduce_sum3A_28 [1] : vector<400x128xf32> to vector<400xf32>
    %broadcast_in_dim3A_30 = vector.shape_cast %reduce_sum3A_29 : vector<400xf32> to vector<400x1xf32>
    %div3A_31 = arith.constant 1.280000e+02 : f32
    %div3A_32 = vector.broadcast %div3A_31 : f32 to vector<400x1xf32>
    %div3A_33 = arith.divf %broadcast_in_dim3A_30, %div3A_32 : vector<400x1xf32>
    %sub3A_34 = vector.broadcast %div3A_26 : vector<400x1xf32> to vector<400x128xf32>
    %sub3A_35 = arith.subf %add3A_23, %sub3A_34 : vector<400x128xf32>
    %add3A_36 = arith.constant 9.99999974E-6 : f32
    %add3A_37 = vector.broadcast %add3A_36 : f32 to vector<400x1xf32>
    %add3A_38 = arith.addf %div3A_33, %add3A_37 : vector<400x1xf32>
    %rsqrt3A = math.rsqrt %add3A_38 : vector<400x1xf32>
    %mul3A = vector.broadcast %rsqrt3A : vector<400x1xf32> to vector<400x128xf32>
    %mul3A_39 = arith.mulf %sub3A_35, %mul3A : vector<400x128xf32>
    %get3A_40 = arith.constant 0 : index
    %get3A_41 = arith.constant 0 : index
    %get3A_42 = vector.load %arg6[%get3A_40, %get3A_41] : memref<1x128xf32, #tpu.memory_space<vmem>>, vector<1x128xf32>
    %mul3A_43 = vector.broadcast %get3A_42 : vector<1x128xf32> to vector<400x128xf32>
    %mul3A_44 = arith.mulf %mul3A_39, %mul3A_43 : vector<400x128xf32>
    %get3A_45 = arith.constant 0 : index
    %get3A_46 = arith.constant 0 : index
    %get3A_47 = vector.load %arg7[%get3A_45, %get3A_46] : memref<1x128xf32, #tpu.memory_space<vmem>>, vector<1x128xf32>
    %add3A_48 = vector.broadcast %get3A_47 : vector<1x128xf32> to vector<400x128xf32>
    %add3A_49 = arith.addf %mul3A_44, %add3A_48 : vector<400x128xf32>
    %swap3A = arith.constant 0 : index
    %swap3A_50 = arith.constant 0 : index
    %swap3A_51 = vector.load %arg8[%swap3A, %swap3A_50] : memref<400x128xf32, #tpu.memory_space<vmem>>, vector<400x128xf32>
    tpu.vector_store %arg8[%swap3A, %swap3A_50], %add3A_49 {strides = array<i32>} : memref<400x128xf32, #tpu.memory_space<vmem>>, vector<400x128xf32>,
    return
  }
  func.func @transform_0(%arg0: i32) -> (i32, i32) {
    %c0_i32 = arith.constant 0 : i32
    %c0_i32_0 = arith.constant 0 : i32
    return %arg0, %c0_i32 : i32, i32
  }
  func.func @transform_1(%arg0: i32) -> (i32, i32, i32) {
    %c0_i32 = arith.constant 0 : i32
    %c0_i32_0 = arith.constant 0 : i32
    %c0_i32_1 = arith.constant 0 : i32
    return %c0_i32, %arg0, %c0_i32_0 : i32, i32, i32
  }
  func.func @transform_2(%arg0: i32) -> (i32, i32, i32) {
    %c1_i32 = arith.constant 1 : i32
    %c0_i32 = arith.constant 0 : i32
    %c0_i32_0 = arith.constant 0 : i32
    return %c1_i32, %arg0, %c0_i32 : i32, i32, i32
  }
  func.func @transform_3(%arg0: i32) -> (i32, i32) {
    %c0_i32 = arith.constant 0 : i32
    %c0_i32_0 = arith.constant 0 : i32
    %c0_i32_1 = arith.constant 0 : i32
    return %c0_i32, %c0_i32_0 : i32, i32
  }
  func.func @transform_4(%arg0: i32) -> (i32, i32) {
    %c0_i32 = arith.constant 0 : i32
    %c0_i32_0 = arith.constant 0 : i32
    %c0_i32_1 = arith.constant 0 : i32
    return %c0_i32, %c0_i32_0 : i32, i32
  }
  func.func @transform_5(%arg0: i32) -> (i32, i32) {
    %c0_i32 = arith.constant 0 : i32
    %c0_i32_0 = arith.constant 0 : i32
    %c0_i32_1 = arith.constant 0 : i32
    return %c0_i32, %c0_i32_0 : i32, i32
  }
  func.func @transform_6(%arg0: i32) -> (i32, i32) {
    %c0_i32 = arith.constant 0 : i32
    %c0_i32_0 = arith.constant 0 : i32
    %c0_i32_1 = arith.constant 0 : i32
    return %c0_i32, %c0_i32_0 : i32, i32
  }
  func.func @transform_7(%arg0: i32) -> (i32, i32) {
    %c0_i32 = arith.constant 0 : i32
    %c0_i32_0 = arith.constant 0 : i32
    return %arg0, %c0_i32 : i32, i32
  }
}

</mosaic_0001>

<sc_bundles>
// kernel: kernel.10.cloned.1.call-start
scs
__scs_entry_jumppad:
0x0: {  	(pc) =	sbr.rel $0x88, $3  }
0x1: {  	(tag) =	ssettag $0x0;
	lr =	simm.s32 $0x1  }
0x2: {  	[smem:$0x3F96] =	sst lr;
	_ =	strace $0xD0000000  }
0x3: {  	_ = 	snop  }
0x4: {  	_ = 	snop  }
0x5: {  	_ = 	snop  }
0x6: {  	_ = 	snop  }
0x7: {  	_ = 	snop  }
__scs_overlays_trampoline_lowered:
0x8: {  	[smem:$0x3FA5] =	sst s0  }
0x9: {  	[smem:$0x3FA6] =	sst s1  }
0xa: {  	[smem:$0x3FA7] =	sst s2  }
0xb: {  	[smem:$0x3FA8] =	sst s3  }
0xc: {  	[smem:$0x3FA9] =	sst s4  }
0xd: {  	[smem:$0x3FAA] =	sst s5  }
0xe: {  	[smem:$0x3FAB] =	sst s6  }
0xf: {  	[smem:$0x3FAC] =	sst s7  }
0x10: {  	[smem:$0x3FAD] =	sst s8  }
0x11: {  	[smem:$0x3FAE] =	sst s9;
	s0 =	simm.s32 @!p0 $0x0  }
0x12: {  	s1 =	sld [smem:$0x3F94];
	s0 =	simm.s32 @p0 $0x1  }
0x13: {  	[smem:$0x3FAF] =	sst s0;
	s0 =	simm.s32 @!p1 $0x0  }
0x14: {  	s2 =	sld [smem:$0x3F93];
	s0 =	simm.s32 @p1 $0x1  }
0x15: {  	[smem:$0x3FB0] =	sst s0;
	s0 =	simm.s32 @!p2 $0x0  }
0x16: {  	s3 =	sld [smem:$0x3FDB];
	s0 =	simm.s32 @p2 $0x1  }
0x17: {  	s4 =	simm.s32 $0x1BF5;
	[smem:$0x3FB2] =	sst s0  }
0x18: {  	s0 =	sld [smem:$0x3F95];
	_ =	swait.ge [sflag:s4], $0x0  }
0x19: {  	s7 =	sld [smem:$0x3F96]  }
0x1a: {  	s8 =	sadd.s32 $0xFFFFE003, lr  }
0x1b: {  	s9 =	sadd.s32 $0xFFFFFEF7, lr;
	s5 =	simm.s32 $0xFFFFFFFF;
	p2 =	slt.u32 s8, $0xFFFFF086  }
0x1c: {  	p1 =	slt.u32 s9, $0xF7A;
	s5 =	simm.s32 @!p2 $0x0  }
0x1d: {  	s5 =	simm.s32 @p1 $0x1;
	p0 =	seq.s32 s7, s2  }
0x1e: {  	s7 =	smul.u32 @!p0 $0xF7A, s2;
	p2 =	seq.s32 @!p0 s5, $0x0  }
0x1f: {  	s9 =	smul.u32 $0xF7A, s1;
	s8 =	simm.s32 @!p0 $0x1BF5;
	p2 =	por !p2, p0  }
0x20: {  	[sflag:s8] =	ssyncset.s32 @!p0 $0xFFFFF086;
	s6 =	sadd.s32 @!p0 s3, s7;
	s7 =	simm.s32 @!p0 $0x108  }
0x21: {  	s3 =	sadd.s32 s3, s9;
	s6 =	sadd.s32 @!p0 $0x88, s6;
	s7 =	simm.s32 @p2 $0x1082  }
0x22: {  	[simem:s7], [sflag:s8] =	dma.local @!p0 [hbm:s6], $0xF7A  }
0x23: {  	s9 =	sor.u32 $0xD0000000, s2;
	s6 =	simm.s32 $0x108;
	_ =	swait.ge @!p0 [sflag:s8], $0x0  }
0x24: {  	s3 =	sadd.s32 $0x88, s3;
	s6 =	simm.s32 @!p1 $0x1082;
	[sflag:s4] =	ssyncset.s32 $0xFFFFF086  }
0x25: {  	[simem:s6], [sflag:s4] =	dma.local [hbm:s3], $0xF7A  }
0x26: {  	[smem:$0x3F96] =	sst s1;
	(tag) =	ssettag s2;
	_ =	strace s9  }
0x27: {  	s1 =	sld [smem:$0x3FA6]  }
0x28: {  	s2 =	sld [smem:$0x3FA7]  }
0x29: {  	s4 =	sld [smem:$0x3FA9]  }
0x2a: {  	p0 =	seq.s32 s5, $0x0;
	s5 =	sld [smem:$0x3FAA]  }
0x2b: {  	s6 =	sld [smem:$0x3FAB]  }
0x2c: {  	s7 =	sld [smem:$0x3FAC]  }
0x2d: {  	s3 =	simm.s32 $0x108;
	s8 =	sld [smem:$0x3FAD]  }
0x2e: {  	s3 =	simm.s32 @!p0 $0x1082;
	s9 =	sld [smem:$0x3FAE]  }
0x2f: {  	lr =	sadd.s32 s0, s3;
	s0 =	sld [smem:$0x3FA5]  }
0x30: {  	s3 =	sld [smem:$0x3FA8]  }
0x31: {  	[smem:$0x3FB1] =	sst s10  }
0x32: {  	s10 =	sld [smem:$0x3FAF];
	_ =	sdelay $0x3  }
0x33: {  	p0 =	seq.s32 s10, $0x1;
	s10 =	sld [smem:$0x3FB1];
	_ =	sdelay $0x3  }
0x34: {  	[smem:$0x3FB1] =	sst s10  }
0x35: {  	s10 =	sld [smem:$0x3FB0];
	_ =	sdelay $0x3  }
0x36: {  	p1 =	seq.s32 s10, $0x1;
	s10 =	sld [smem:$0x3FB1];
	_ =	sdelay $0x3  }
0x37: {  	[smem:$0x3FB1] =	sst s10  }
0x38: {  	s10 =	sld [smem:$0x3FB2]  }
0x39: {  	_ = 	snop;
	(pc) =	sbr.ind lr, $3  }
0x3a: {  	_ = 	snop  }
0x3b: {  	_ = 	snop  }
0x3c: {  	p2 =	seq.s32 s10, $0x1;
	s10 =	sld [smem:$0x3FB1]  }
0x3d: {  	_ =	shalt  }
0x3e: {  	_ =	shalt  }
0x3f: {  	_ =	shalt  }
0x40: {  	_ =	shalt  }
0x41: {  	_ =	shalt  }
0x42: {  	_ =	shalt  }
0x43: {  	_ =	shalt  }
0x44: {  	_ =	shalt  }
0x45: {  	_ =	shalt  }
0x46: {  	_ =	shalt  }
0x47: {  	_ =	shalt  }
0x48: {  	_ =	shalt  }
0x49: {  	_ =	shalt  }
0x4a: {  	_ =	shalt  }
0x4b: {  	_ =	shalt  }
0x4c: {  	_ =	shalt  }
0x4d: {  	_ =	shalt  }
0x4e: {  	_ =	shalt  }
0x4f: {  	_ =	shalt  }
0x50: {  	_ =	shalt  }
0x51: {  	_ =	shalt  }
0x52: {  	_ =	shalt  }
0x53: {  	_ =	shalt  }
0x54: {  	_ =	shalt  }
0x55: {  	_ =	shalt  }
0x56: {  	_ =	shalt  }
0x57: {  	_ =	shalt  }
0x58: {  	_ =	shalt  }
0x59: {  	_ =	shalt  }
0x5a: {  	_ =	shalt  }
0x5b: {  	_ =	shalt  }
0x5c: {  	_ =	shalt  }
0x5d: {  	_ =	shalt  }
0x5e: {  	_ =	shalt  }
0x5f: {  	_ =	shalt  }
0x60: {  	_ =	shalt  }
0x61: {  	_ =	shalt  }
0x62: {  	_ =	shalt  }
0x63: {  	_ =	shalt  }
0x64: {  	_ =	shalt  }
0x65: {  	_ =	shalt  }
0x66: {  	_ =	shalt  }
0x67: {  	_ =	shalt  }
0x68: {  	_ =	shalt  }
0x69: {  	_ =	shalt  }
0x6a: {  	_ =	shalt  }
0x6b: {  	_ =	shalt  }
0x6c: {  	_ =	shalt  }
0x6d: {  	_ =	shalt  }
0x6e: {  	_ =	shalt  }
0x6f: {  	_ =	shalt  }
0x70: {  	_ =	shalt  }
0x71: {  	_ =	shalt  }
0x72: {  	_ =	shalt  }
0x73: {  	_ =	shalt  }
0x74: {  	_ =	shalt  }
0x75: {  	_ =	shalt  }
0x76: {  	_ =	shalt  }
0x77: {  	_ =	shalt  }
0x78: {  	_ =	shalt  }
0x79: {  	_ =	shalt  }
0x7a: {  	_ =	shalt  }
0x7b: {  	_ =	shalt  }
0x7c: {  	_ =	shalt  }
0x7d: {  	_ =	shalt  }
0x7e: {  	_ =	shalt  }
0x7f: {  	_ =	shalt  }
0x80: {  	_ =	shalt  }
0x81: {  	_ =	shalt  }
0x82: {  	_ =	shalt  }
0x83: {  	_ =	shalt  }
0x84: {  	_ =	shalt  }
0x85: {  	_ =	shalt  }
0x86: {  	_ =	shalt  }
0x87: {  	_ =	shalt  }
.Lfunc_end0:
.L_simem_size_0:
called_computation.1_lowered:
.L_overlay_start_0:
0x88: {  	s2 =	sld [smem:$0x3FD9]  }
0x89: {  	s3 =	sld [smem:$0x3FFE];
	_ =	sdelay $0x1  }
0x8a: {  	s1 =	srdreg.scid  }
0x8b: {  	s0 =	sand.u32 $0x1, s1  }
0x8c: {  	s16 =	sshll.u32 s0, $0xA;
	s2 =	sadd.s32 s3, s2  }
0x8d: {  	s2 =	sadd.s32 s2, s16  }
0x8e: {  	[smem:$0x3FBD] =	sst s2  }
0x8f: {  	_ = 	snop  }
0x90: {  	(tm) =	ssettm $0x1  }
0x91: {  	s17 =	sld [smem:$0x3FFB];
	_ =	sdelay $0x3  }
0x92: {  	_ =	strace s17  }
0x93: {  	s2 =	sld [smem:$0x3FFC];
	_ =	sdelay $0x3  }
0x94: {  	_ =	strace s2  }
0x95: {  	s2 =	sld [smem:$0x3FFD];
	_ =	sdelay $0x3  }
0x96: {  	_ =	strace s2  }
0x97: {  	_ =	strace $0x8FFFFFFF  }
0x98: {  	s18 =	sld [smem:$0x3FDB];
	_ =	sdelay $0x1  }
0x99: {  	s19 =	simm.s32 $_scs_section_size  }
0x9a: {  	s4 =	simm.s32 $_size__tile_overlayer_lowered;
	s5 =	simm.s32 $_tile_overlayer_lowered  }
0x9b: {  	s22 =	simm.s32 $0x1BFF;
	s21 =	sshll.u32 s5, $0x1;
	s2 =	sadd.s32 s19, s18  }
0x9c: {  	s6 =	simm.s32 $0x0;
	s20 =	sshll.u32 s4, $0x1;
	s4 =	sadd.s32 s21, s2  }
0x9d: {  	[timem:s6], [sflag:s22] =	dma.local [hbm:s4], s20  }
0x9e: {  	_ =	swait.ge [sflag:s22], s20  }
0x9f: {  	s3 =	ssub.s32 $0x0, s20;
	[sflag:s22] =	ssyncset.done $0x0  }
0xa0: {  	[sflag:s22] =	ssyncadd.s32 s3;
	_ =	sdelay $0x1  }
0xa1: {  	s23 =	simm.s32 $0x1B8B  }
0xa2: {  	_ =	swait.ge [sflag:s23], $0x1  }
0xa3: {  	[sflag:s23] =	ssyncset.done $0x0  }
0xa4: {  	s25 =	simm.s32 $0x1B8E;
	s24 =	sld [smem:$0x3FFE];
	[sflag:s23] =	ssyncadd.s32 $0xFFFFFFFF  }
0xa5: {  	s26 =	simm.s32 $execute0_lowered;
	[smem:$0x3FD2] =	sst s25  }
0xa6: {  	s4 =	sshll.u32 s26, $0x1;
	_ =	strace $0x80000052;
	[dreg:$0x1] =	wrdreg $0xFFFFFFFF  }
0xa7: {  	s28 =	simm.s32 $_size_execute0_lowered;
	s2 =	sadd.s32 s2, s4;
	[dreg:$0x0] =	wrdreg $0x0  }
0xa8: {  	s4 =	sshll.u32 s28, $0x1;
	[dreg:$0x2] =	wrdreg s2  }
0xa9: {  	[dreg:$0x3] =	wrdreg s4  }
0xaa: {  	[dreg:$0x4] =	wrdreg $0xC0  }
0xab: {  	_ =	task [dreg:s6], $0x5FFFF  }
0xac: {  	[dreg:$0x1] =	wrdreg $0xFFFFFFFF  }
0xad: {  	[dreg:$0x0] =	wrdreg $0x60  }
0xae: {  	[dreg:$0x2] =	wrdreg s24  }
0xaf: {  	[dreg:$0x3] =	wrdreg $0x0  }
0xb0: {  	[dreg:$0x4] =	wrdreg $0x9  }
0xb1: {  	_ =	task.clear_ibuf [dreg:s6], $0x5FFFF;
	_ =	strace $0x90000052  }
0xb2: {  	s29 =	simm.s32 $0x9;
	_ =	strace $0x8000005A  }
0xb3: {  	_ =	swait.ge [sflag:s29], $0x1  }
0xb4: {  	[sflag:s29] =	ssyncadd.s32 $0xFFFFFFFF  }
0xb5: {  	_ =	strace $0x9000005A  }
0xb6: {  	_ =	sfence  }
0xb7: {  	s30 =	sld [smem:$0x0];
	_ =	sdelay $0x2  }
0xb8: {  	s31 =	sshll.u32 s1, $0xD;
	s1 =	sshrl.u32 s1, $0x2  }
0xb9: {  	s3 =	sand.u32 $0x4000, s31;
	s1 =	sadd.s32 s1, s30  }
0xba: {  	s0 =	sor.u32 s3, s0;
	s1 =	sshll.u32 s1, $0x11  }
0xbb: {  	s0 =	sor.u32 s1, s0  }
0xbc: {  	s0 =	sadd.s32 $0x8F2B, s0  }
0xbd: {  	[sflag:s0] =	ssyncadd.remote.s32 $0x1  }
0xbe: {  	_ =	sfence.sel $0xFFFF  }
0xbf: {  	[dreg:$0x0] =	wrdreg $0xFFFFFFFF;
	(pc) =	sbr.abs _section_cstart, $3  }
0xc0: {  	[dreg:$0x1] =	wrdreg $0xFFFFFFFF  }
0xc1: {  	_ =	task.clear_ibuf [dreg:s6], $0x2FFFF;
	_ =	strace $0x9FFFFFFF  }
0xc2: {  	(tm) =	ssettm $0x7FFFFFFF  }
0xc3: {  	_ =	shalt  }
tec
execute0_lowered:
.L_overlay_start_1:
0x0: {  	(tag) =	ssettag $0x1  }
0x1: {  	s0 =	rddreg [dreg:$0x0]  }
0x2: {  	s1 =	rddreg [dreg:$0x1]  }
0x3: {  	s2 =	simm.s32 $0x0;
	s3 =	srdreg.scid;
	s18 =	stileid.u32  }
0x4: {  	s16 =	simm.s32 $0x13880;
	s17 =	simm.s32 $0x1;
	s20 =	simm.s32 $0x80  }
0x5: {  	s21 =	simm.s32 $0x5;
	[smem:$0x7FF] =	sst s2;
	s4 =	sadd.s32 $0xA01400, s0  }
0x6: {  	s3 =	sand.u32 $0x1, s3;
	s5 =	sadd.s32 $0xC400, s0;
	s8 =	smul.u32 $0x4E000, s18  }
0x7: {  	s0 =	sadd.s32 $0x16200, s0;
	s12 =	smul.u32 $0x13800, s18;
	_ =	strace $0x80000053  }
0x8: {  	s6 =	sshll.u32 s3, $0x4;
	s7 =	ssub.s32 $0x2, s3;
	s3 =	smul.u32 $0x138800, s3  }
0x9: {  	s9 =	sor.u32 s18, s6;
	s25 =	sshrl.u32 s7, $0x1;
	s26 =	sshrl.u32 s8, $0x2  }
0xa: {  	s8 =	sadd.s32 $0x138000, s1;
	s10 =	smul.u32 $0x4E, s9;
	s14 =	ssub.s32 s7, s25  }
0xb: {  	s11 =	smul.u32 $0x4F, s9;
	s6 =	sadd.s32 s26, s1;
	p0 =	slt.u32 s9, $0x4  }
0xc: {  	s9 =	simm.s32 $0x4F;
	s13 =	sshrl.u32 s3, $0x3;
	s3 =	sadd.s32 s12, s3  }
0xd: {  	[dreg:$0x3] =	wrdreg s8;
	s9 =	simm.s32 @!p0 $0x4E;
	s7 =	sadd.s32 $0x4, s10  }
0xe: {  	s13 =	sadd.s32 s0, s13;
	s3 =	sshrl.u32 s3, $0x3;
	s7 =	smov.u32 @p0 s11  }
0xf: {  	s31 =	smax.u32 s14, $0x1;
	s30 =	sadd.s32 $0x27000, s13;
	s28 =	sshll.u32 s7, $0xB  }
0x10: {  	[dreg:$0x7] =	wrdreg s31;
	s11 =	sshll.u32 s7, $0x4;
	s10 =	sand.u32 $0x1FFFF800, s28  }
0x11: {  	[dreg:$0x6] =	wrdreg s30;
	s11 =	sand.u32 $0x1FFFFFF0, s11;
	s10 =	sadd.s32 s4, s10  }
0x12: {  	s12 =	sadd.s32 $0xFFFFFFFF, s9;
	s29 =	sadd.s32 s5, s11;
	[dreg:$0x4] =	wrdreg s10  }
0x13: {  	v0 =	vimm.f32 $0.0e+00;
	s15 =	sadd.s32 s3, s0;
	p0 =	sne.s32 s18, $0xF;
	[dreg:$0x5] =	wrdreg s29  }
.LBB2_1:
0x14: {  	s0 =	simm.s32 $0x0;
	s3 =	simm.s32 $0x200  }
.LBB2_2:
0x15: {  	p1 =	sne.s32 s3, $0x1E00;
	[tilespmem:s0+$0x138F0] =	vst v0  }
0x16: {  	[tilespmem:s0+$0x13880] =	vst v0  }
0x17: {  	[tilespmem:s0+$0x13890] =	vst v0  }
.Ltmp0:
0x18: {  	[tilespmem:s0+$0x138A0] =	vst v0;
	(pc) =	sbr.rel @p1 .LBB2_2-.Ltmp0, $4  }
0x19: {  	[tilespmem:s0+$0x138B0] =	vst v0  }
0x1a: {  	[tilespmem:s0+$0x138C0] =	vst v0  }
0x1b: {  	[tilespmem:s0+$0x138D0] =	vst v0  }
0x1c: {  	[tilespmem:s0+$0x138E0] =	vst v0;
	s0 =	sshra.s32 s3, $0x2;
	s3 =	sadd.s32 $0x200, s3  }
0x1d: {  	[tilespmem:s0+$0x138F0] =	vst v0  }
0x1e: {  	[tilespmem:s0+$0x13880] =	vst v0  }
0x1f: {  	[tilespmem:s0+$0x13890] =	vst v0  }
0x20: {  	[tilespmem:s0+$0x138A0] =	vst v0  }
0x21: {  	[tilespmem:s0+$0x138B0] =	vst v0  }
0x22: {  	[tilespmem:s0+$0x138C0] =	vst v0  }
0x23: {  	[tilespmem:s0+$0x138D0] =	vst v0  }
0x24: {  	[tilespmem:s0+$0x138E0] =	vst v0;
	s31 =	sadd.s32 $0x0, s6  }
0x25: {  	[spmem:s31] =	stream.linear.scatter [tilespmem:s16], [sflag:$0x1], $0x800, $0x38;
	[tilespmem:$0x1C180] =	vst v63  }
0x26: {  	s0 =	simm.s32 $0x2000;
	_ =	swait.ge [sflag:s17], $0x800  }
.LBB2_4:
0x27: {  	s3 =	sshra.s32 s0, $0x2;
	[sflag:s17] =	ssyncset.done $0x0;
	p1 =	sne.s32 s0, $0x4C000  }
.Ltmp1:
0x28: {  	s3 =	sadd.s32 s3, s6;
	[sflag:s17] =	ssyncadd.s32 $0xFFFFF800;
	(pc) =	sbr.rel @p1 .LBB2_4-.Ltmp1, $3  }
0x29: {  	[spmem:s3] =	stream.linear.scatter [tilespmem:s16], [sflag:$0x1], $0x800, $0x38;
	[tilespmem:$0x1C180] =	vst v63  }
0x2a: {  	s0 =	sadd.s32 $0x2000, s0;
	_ =	sdelay $0x1  }
0x2b: {  	_ =	swait.ge [sflag:s17], $0x800  }
0x2c: {  	[sflag:s17] =	ssyncset.done $0x0  }
0x2d: {  	s0 =	simm.s32 @!p0 $0x13880;
	[sflag:s17] =	ssyncadd.s32 $0xFFFFF800  }
0x2e: {  	[spmem:s8] =	stream.linear.scatter @!p0 [tilespmem:s0], [sflag:$0x1], $0x800, $0x38;
	[tilespmem:$0x1C180] =	vst v63  }
0x2f: {  	s0 =	simm.s32 @!p0 $0x1  }
0x30: {  	_ =	swait.ge @!p0 [sflag:s0], $0x800  }
0x31: {  	[sflag:s0] =	ssyncset.done @!p0 $0x0  }
0x32: {  	s22 =	simm.s32 $0x0;
	[sflag:s0] =	ssyncadd.s32 @!p0 $0xFFFFF800  }
0x33: {  	s3 =	simm.s32 $0x14080;
	s31 =	simm.s32 $0x1C080;
	[bflag:$0x0] =	sbarrier.arrive $0xFFFF  }
0x34: {  	s29 =	simm.s32 $0x1;
	p2 =	sne.s32 s12, $0x1;
	_ =	strace $0x80000054  }
.Ltmp2:
0x35: {  	p1 =	seq.s32 s9, $0x1;
	s28 =	rddreg [dreg:$0x4];
	(pc) =	sbr.rel @!p2 .LBB2_6-.Ltmp2, $4  }
0x36: {  	[tilespmem:s3], [sflag:$0x1] =	stream.linear.gather [hbm4b:s28+s22], $0x4000, $0x200038;
	[tilespmem:$0x1C180] =	vst v63  }
0x37: {  	s23 =	simm.s32 $0x1;
	s24 =	simm.s32 $0x1;
	s30 =	rddreg [dreg:$0x5]  }
0x38: {  	[tilespmem:s31], [sflag:$0x3] =	stream.linear.gather [hbm4b:s30+s22], $0x80, $0x200038;
	[tilespmem:$0x1C180] =	vst v63  }
0x39: {  	s23 =	simm.s32 @p1 $0x0;
	p1 =	por $0x0, $0x0;
	_ =	strace $0x90000054  }
0x3a: {  	p1 =	seq.s32 s23, $0x0;
	s24 =	simm.s32 $0x2;
	s13 =	simm.s32 $0x0  }
0x3b: {  	s14 =	sand.u32 $0x1, s22;
	p2 =	sne.s32 s12, $0x2;
	s31 =	simm.s32 $0x1  }
0x3c: {  	s0 =	sadd.s32 @!p1 s7, s23;
	s3 =	sand.u32 @!p1 $0x1, s29;
	s26 =	simm.s32 @!p1 $0x0  }
0x3d: {  	s30 =	simm.s32 @!p1 $0x1;
	_ =	strace @!p1 $0x80000055;
	s18 =	sshll.u32 @!p1 s0, $0xB  }
0x3e: {  	s19 =	sshll.u32 @!p1 s3, $0xE;
	s25 =	sadd.s32 @!p1 $0x1, s3;
	s0 =	sshll.u32 @!p1 s0, $0x4  }
0x3f: {  	s28 =	sshll.u32 @!p1 s3, $0x7;
	s3 =	sadd.s32 @!p1 $0x3, s3;
	s18 =	sand.u32 @!p1 $0x1FFFF800, s18  }
0x40: {  	s19 =	sadd.s32 @!p1 $0x14080, s19;
	s0 =	sand.u32 @!p1 $0x1FFFFFF0, s0;
	s18 =	sadd.s32 @!p1 s4, s18  }
0x41: {  	[tilespmem:s19], [sflag:s25] =	stream.linear.gather @!p1 [hbm4b:s18+s26], $0x4000, $0x200038;
	[tilespmem:$0x1C180] =	vst v63  }
0x42: {  	s30 =	simm.s32 @p1 $0x0;
	s28 =	sadd.s32 @!p1 $0x1C080, s28;
	_ =	strace @!p1 $0x90000055  }
0x43: {  	s0 =	sadd.s32 @!p1 s5, s0;
	s25 =	sadd.s32 $0x1, s30;
	_ =	strace @!p1 $0x80000056  }
0x44: {  	[tilespmem:s28], [sflag:s3] =	stream.linear.gather @!p1 [hbm4b:s0+s26], $0x80, $0x200038;
	[tilespmem:$0x1C180] =	vst v63  }
0x45: {  	s19 =	simm.s32 $0x0;
	s18 =	simm.s32 @!p1 $0x2;
	_ =	strace @!p1 $0x90000056  }
0x46: {  	s30 =	sand.u32 $0x80, s19;
	s26 =	sadd.s32 $0x1, s14;
	_ =	strace $0x80000057  }
0x47: {  	s18 =	smov.u32 @p1 s29;
	s29 =	sadd.s32 $0x1, s23;
	_ =	swait.ge [sflag:s26], $0x4000  }
0x48: {  	s0 =	sadd.s32 $0x3, s14;
	s3 =	sand.u32 $0x4000, s13;
	[sflag:s26] =	ssyncset.done $0x0  }
.Ltmp3:
0x49: {  	s28 =	simm.s32 $0x0;
	[sflag:s26] =	ssyncadd.s32 $0xFFFFC000;
	(pc) =	sbr.rel @!p2 .LBB2_8-.Ltmp3, $4  }
0x4a: {  	p1 =	sne.s32 s23, $0x0;
	s19 =	sadd.s32 $0x14080, s3;
	_ =	strace $0x90000057  }
0x4b: {  	s31 =	simm.s32 @!p1 $0x0;
	p1 =	seq.s32 s29, s9;
	_ =	strace $0x80000058  }
0x4c: {  	s3 =	sadd.s32 $0x1C080, s30;
	s29 =	simm.s32 @p1 $0x0;
	_ =	swait.ge [sflag:s0], $0x80  }
0x4d: {  	p1 =	por $0x1, $0x1;
	s26 =	sadd.s32 $0x0, s31;
	[sflag:s0] =	ssyncset.done $0x0  }
.LBB2_9:
0x4e: {  	s30 =	smov.u32 s18  }
0x4f: {  	s24 =	sadd.s32 $0x1, s24;
	p2 =	seq.s32 s23, s29;
	s28 =	sadd.s32 s31, s28  }
0x50: {  	s18 =	sadd.s32 @!p2 s7, s29;
	s31 =	sand.u32 @!p2 $0x1, s30;
	[sflag:s0] =	ssyncadd.s32 $0xFFFFFF80  }
0x51: {  	s0 =	sshll.u32 @!p2 s31, $0xE;
	s10 =	sshll.u32 @!p2 s18, $0xB;
	_ =	strace $0x90000058  }
0x52: {  	s11 =	sand.u32 @!p2 $0x1, s25;
	s10 =	sand.u32 @!p2 $0x1FFFF800, s10;
	_ =	strace $0x80000059  }
0x53: {  	[spmem:s1] =	stream.indirect.scatter.add.f32 [tilespmem:s19], [sflag:$0x5], $0x80, s3, s20, $0x2000b8;
	[tilespmem:$0x1C180] =	vst v63  }
0x54: {  	s18 =	sshll.u32 @!p2 s18, $0x4;
	s3 =	sadd.s32 @!p2 $0x1, s31;
	s19 =	simm.s32 @!p2 $0x0  }
0x55: {  	s0 =	sadd.s32 @!p2 $0x14080, s0;
	s18 =	sand.u32 @!p2 $0x1FFFFFF0, s18;
	s31 =	sshll.u32 @!p2 s11, $0x7  }
0x56: {  	s13 =	simm.s32 @!p2 $0x1;
	s31 =	sadd.s32 @!p2 $0x1C080, s31;
	_ =	swait.ge [sflag:s21], $0x4000  }
0x57: {  	s10 =	sadd.s32 @!p2 s4, s10;
	s11 =	sadd.s32 @!p2 $0x3, s11;
	[sflag:s21] =	ssyncset.done $0x0  }
0x58: {  	s13 =	simm.s32 @p2 $0x0;
	s14 =	sadd.s32 @!p2 s5, s18;
	[sflag:s21] =	ssyncadd.s32 $0xFFFFC000  }
0x59: {  	s25 =	sadd.s32 s25, s13;
	s13 =	sshll.u32 s28, $0xE;
	_ =	strace $0x90000059  }
0x5a: {  	s8 =	sshll.u32 s26, $0x7;
	s18 =	sand.u32 $0x1, s28;
	_ =	strace @!p2 $0x80000055  }
0x5b: {  	[tilespmem:s0], [sflag:s3] =	stream.linear.gather @!p2 [hbm4b:s10+s19], $0x4000, $0x200038;
	[tilespmem:$0x1C180] =	vst v63  }
0x5c: {  	s8 =	sand.u32 $0x80, s8;
	s3 =	sadd.s32 $0x1, s18;
	_ =	strace @!p2 $0x90000055  }
0x5d: {  	s18 =	sadd.s32 @!p2 $0x1, s30;
	s0 =	sand.u32 $0x1, s26;
	_ =	strace @!p2 $0x80000056  }
0x5e: {  	[tilespmem:s31], [sflag:s11] =	stream.linear.gather @!p2 [hbm4b:s14+s19], $0x80, $0x200038;
	[tilespmem:$0x1C180] =	vst v63  }
0x5f: {  	s18 =	smov.u32 @p2 s30;
	s0 =	sadd.s32 $0x3, s0;
	_ =	strace @!p2 $0x90000056  }
0x60: {  	p2 =	sne.s32 s12, s24;
	_ =	strace $0x80000057  }
0x61: {  	p3 =	sne.s32 s23, s29;
	_ =	swait.ge [sflag:s3], $0x4000  }
0x62: {  	s23 =	smov.u32 s29;
	s31 =	simm.s32 $0x1;
	[sflag:s3] =	ssyncset.done $0x0  }
.Ltmp4:
0x63: {  	[sflag:s3] =	ssyncadd.s32 $0xFFFFC000;
	s3 =	sand.u32 $0x4000, s13;
	(pc) =	sbr.rel @p2 .LBB2_9-.Ltmp4, $4  }
0x64: {  	s29 =	sadd.s32 $0x1, s29;
	s31 =	simm.s32 @!p3 $0x0;
	_ =	strace $0x90000057  }
0x65: {  	p3 =	seq.s32 s29, s9;
	s19 =	sadd.s32 $0x14080, s3;
	_ =	strace $0x80000058  }
0x66: {  	s29 =	simm.s32 @p3 $0x0;
	s3 =	sadd.s32 $0x1C080, s8;
	_ =	swait.ge [sflag:s0], $0x80  }
0x67: {  	s26 =	sadd.s32 s31, s26;
	[sflag:s0] =	ssyncset.done $0x0  }
0x68: {  	s30 =	smov.u32 s23;
	s23 =	smov.u32 s29;
	s29 =	smov.u32 s18  }
.LBB2_11:
0x69: {  	[sflag:s0] =	ssyncadd.s32 @p1 $0xFFFFFF80  }
0x6a: {  	_ =	strace @p1 $0x90000058  }
0x6b: {  	p2 =	seq.s32 s30, s23;
	_ =	strace @p1 $0x80000059  }
0x6c: {  	[spmem:s1] =	stream.indirect.scatter.add.f32 @p1 [tilespmem:s19], [sflag:$0x5], $0x80, s3, s20, $0x2000b8;
	[tilespmem:$0x1C180] =	vst v63  }
0x6d: {  	s0 =	sadd.s32 @!p2 s7, s23;
	s11 =	simm.s32 @!p2 $0x0;
	_ =	swait.ge @p1 [sflag:s21], $0x4000  }
0x6e: {  	s8 =	sshll.u32 @!p2 s0, $0xB;
	s0 =	sshll.u32 @!p2 s0, $0x4;
	[sflag:s21] =	ssyncset.done @p1 $0x0  }
0x6f: {  	s3 =	sand.u32 @!p2 $0x1, s29;
	s8 =	sand.u32 @!p2 $0x1FFFF800, s8;
	[sflag:s21] =	ssyncadd.s32 @p1 $0xFFFFC000  }
0x70: {  	s10 =	sshll.u32 @!p2 s3, $0xE;
	s3 =	sadd.s32 @!p2 $0x1, s3;
	_ =	strace @p1 $0x90000059  }
0x71: {  	s8 =	sadd.s32 @!p2 s4, s8;
	s10 =	sadd.s32 @!p2 $0x14080, s10;
	_ =	strace @!p2 $0x80000055  }
0x72: {  	[tilespmem:s10], [sflag:s3] =	stream.linear.gather @!p2 [hbm4b:s8+s11], $0x4000, $0x200038;
	[tilespmem:$0x1C180] =	vst v63  }
0x73: {  	s0 =	sand.u32 @!p2 $0x1FFFFFF0, s0;
	s3 =	sand.u32 @!p2 $0x1, s25  }
0x74: {  	s0 =	sadd.s32 @!p2 s5, s0;
	s8 =	sshll.u32 @!p2 s3, $0x7;
	_ =	strace @!p2 $0x90000055  }
0x75: {  	s3 =	sadd.s32 @!p2 $0x3, s3;
	s8 =	sadd.s32 @!p2 $0x1C080, s8;
	_ =	strace @!p2 $0x80000056  }
0x76: {  	[tilespmem:s8], [sflag:s3] =	stream.linear.gather @!p2 [hbm4b:s0+s11], $0x80, $0x200038;
	[tilespmem:$0x1C180] =	vst v63  }
0x77: {  	s0 =	sadd.s32 @p1 s31, s28  }
0x78: {  	s22 =	smov.u32 @p1 s0  }
0x79: {  	_ =	strace @!p2 $0x90000056;
	s0 =	sand.u32 $0x1, s22  }
0x7a: {  	_ =	strace $0x80000057;
	s0 =	sadd.s32 $0x1, s0  }
0x7b: {  	_ =	swait.ge [sflag:s0], $0x4000  }
0x7c: {  	[sflag:s0] =	ssyncset.done $0x0  }
0x7d: {  	[sflag:s0] =	ssyncadd.s32 $0xFFFFC000  }
0x7e: {  	s13 =	sand.u32 $0x1, s26;
	_ =	strace $0x90000057  }
0x7f: {  	s0 =	sadd.s32 $0x3, s13;
	_ =	strace $0x80000058  }
0x80: {  	_ =	swait.ge [sflag:s0], $0x80  }
0x81: {  	[sflag:s0] =	ssyncset.done $0x0  }
0x82: {  	s18 =	sshll.u32 s26, $0x7;
	s14 =	sshll.u32 s22, $0xE;
	[sflag:s0] =	ssyncadd.s32 $0xFFFFFF80  }
0x83: {  	s19 =	sand.u32 $0x80, s18;
	s3 =	sand.u32 $0x4000, s14;
	_ =	strace $0x90000058  }
0x84: {  	s3 =	sadd.s32 $0x14080, s3;
	s0 =	sadd.s32 $0x1C080, s19;
	_ =	strace $0x80000059  }
0x85: {  	[spmem:s1] =	stream.indirect.scatter.add.f32 [tilespmem:s3], [sflag:$0x5], $0x80, s0, s20, $0x2000b8;
	[tilespmem:$0x1C180] =	vst v63  }
0x86: {  	s0 =	sadd.s32 $0x1, s23  }
0x87: {  	p1 =	seq.s32 s0, s9  }
0x88: {  	_ =	swait.ge [sflag:s21], $0x4000;
	s0 =	simm.s32 @p1 $0x0;
	p1 =	sge.u32 s24, s12  }
0x89: {  	[sflag:s21] =	ssyncset.done $0x0;
	p3 =	seq.s32 @!p1 s23, s0  }
0x8a: {  	s3 =	sadd.s32 @!p2 $0x1, s29;
	[sflag:s21] =	ssyncadd.s32 $0xFFFFC000;
	p1 =	por p3, p1  }
0x8b: {  	s3 =	smov.u32 @p2 s29;
	_ =	strace $0x90000059;
	s0 =	sadd.s32 @!p1 s7, s0  }
0x8c: {  	s3 =	sand.u32 @!p1 $0x1, s3;
	_ =	strace @!p1 $0x80000055;
	s10 =	sshll.u32 @!p1 s0, $0xB  }
0x8d: {  	s11 =	simm.s32 @!p1 $0x0;
	s8 =	sshll.u32 @!p1 s3, $0xE;
	s10 =	sand.u32 @!p1 $0x1FFFF800, s10  }
0x8e: {  	s3 =	sadd.s32 @!p1 $0x1, s3;
	s8 =	sadd.s32 @!p1 $0x14080, s8;
	s10 =	sadd.s32 @!p1 s4, s10  }
0x8f: {  	[tilespmem:s8], [sflag:s3] =	stream.linear.gather @!p1 [hbm4b:s10+s11], $0x4000, $0x200038;
	[tilespmem:$0x1C180] =	vst v63  }
0x90: {  	s3 =	simm.s32 @!p2 $0x1  }
0x91: {  	s3 =	simm.s32 @p2 $0x0  }
0x92: {  	s0 =	sshll.u32 @!p1 s0, $0x4;
	s3 =	sadd.s32 s25, s3  }
0x93: {  	s0 =	sand.u32 @!p1 $0x1FFFFFF0, s0;
	s3 =	sand.u32 @!p1 $0x1, s3  }
0x94: {  	s0 =	sadd.s32 @!p1 s5, s0;
	_ =	strace @!p1 $0x90000055;
	s8 =	sshll.u32 @!p1 s3, $0x7  }
0x95: {  	_ =	strace @!p1 $0x80000056;
	s3 =	sadd.s32 @!p1 $0x3, s3;
	s8 =	sadd.s32 @!p1 $0x1C080, s8  }
0x96: {  	[tilespmem:s8], [sflag:s3] =	stream.linear.gather @!p1 [hbm4b:s0+s11], $0x80, $0x200038;
	[tilespmem:$0x1C180] =	vst v63  }
0x97: {  	p2 =	sne.s32 s30, s23;
	s0 =	simm.s32 $0x1  }
0x98: {  	s0 =	simm.s32 @!p2 $0x0  }
0x99: {  	s24 =	sadd.s32 s0, s22  }
0x9a: {  	_ =	strace @!p1 $0x90000056;
	s25 =	sand.u32 $0x1, s24  }
0x9b: {  	_ =	strace $0x80000057;
	s8 =	sadd.s32 $0x1, s25  }
0x9c: {  	_ =	swait.ge [sflag:s8], $0x4000  }
0x9d: {  	[sflag:s8] =	ssyncset.done $0x0  }
0x9e: {  	s0 =	sadd.s32 s0, s26;
	[sflag:s8] =	ssyncadd.s32 $0xFFFFC000  }
0x9f: {  	s28 =	sand.u32 $0x1, s0;
	_ =	strace $0x90000057  }
0xa0: {  	s8 =	sadd.s32 $0x3, s28;
	_ =	strace $0x80000058  }
0xa1: {  	_ =	swait.ge [sflag:s8], $0x80  }
0xa2: {  	[sflag:s8] =	ssyncset.done $0x0  }
0xa3: {  	s3 =	sshll.u32 s24, $0xE;
	s0 =	sshll.u32 s0, $0x7;
	[sflag:s8] =	ssyncadd.s32 $0xFFFFFF80  }
0xa4: {  	s3 =	sand.u32 $0x4000, s3;
	s0 =	sand.u32 $0x80, s0;
	_ =	strace $0x90000058  }
0xa5: {  	s3 =	sadd.s32 $0x14080, s3;
	s0 =	sadd.s32 $0x1C080, s0;
	_ =	strace $0x80000059  }
0xa6: {  	[spmem:s1] =	stream.indirect.scatter.add.f32 [tilespmem:s3], [sflag:$0x5], $0x80, s0, s20, $0x2000b8;
	[tilespmem:$0x1C180] =	vst v63  }
0xa7: {  	_ =	swait.ge [sflag:s21], $0x4000  }
0xa8: {  	[sflag:s21] =	ssyncset.done $0x0  }
0xa9: {  	s29 =	stileid.u32;
	[sflag:s21] =	ssyncadd.s32 $0xFFFFC000  }
0xaa: {  	s31 =	sshrl.u32 s6, $0x3;
	s0 =	sshll.u32 s29, $0x6;
	_ =	strace $0x90000059  }
0xab: {  	s30 =	sadd.s32 $0x0, s15;
	s0 =	sor.u32 $0x1C01, s0;
	[bflag:$0x0] =	sbarrier.arrive $0xFFFF  }
0xac: {  	[hbm:s30], [sflag:s0] =	dma.local [spmem:s31], $0x100  }
0xad: {  	s18 =	sadd.s32 $0x800, s6;
	s3 =	simm.s32 $0x100;
	_ =	swait.ge [sflag:s17], $0x100  }
.LBB2_12:
0xae: {  	s8 =	sadd.s32 s3, s15;
	[sflag:s17] =	ssyncset.done $0x0;
	p1 =	sne.s32 s3, $0x2600  }
.Ltmp5:
0xaf: {  	s10 =	sshrl.u32 s18, $0x3;
	[sflag:s17] =	ssyncadd.s32 $0xFFFFFF00;
	(pc) =	sbr.rel @p1 .LBB2_12-.Ltmp5, $3  }
0xb0: {  	[hbm:s8], [sflag:s0] =	dma.local [spmem:s10], $0x100  }
0xb1: {  	s3 =	sadd.s32 $0x100, s3;
	_ =	sdelay $0x1  }
0xb2: {  	s18 =	sadd.s32 $0x800, s18;
	_ =	swait.ge [sflag:s17], $0x100  }
0xb3: {  	[sflag:s17] =	ssyncset.done $0x0;
	s8 =	rddreg [dreg:$0x3];
	s3 =	simm.s32 @!p0 $0x1FC1  }
0xb4: {  	s10 =	rddreg [dreg:$0x6];
	[sflag:s17] =	ssyncadd.s32 $0xFFFFFF00;
	s0 =	sshrl.u32 @!p0 s8, $0x3  }
0xb5: {  	[hbm:s10], [sflag:s3] =	dma.local @!p0 [spmem:s0], $0x100  }
0xb6: {  	s0 =	simm.s32 @!p0 $0x1  }
0xb7: {  	_ =	swait.ge @!p0 [sflag:s0], $0x100  }
0xb8: {  	s2 =	sadd.s32 $0x1, s2;
	s31 =	rddreg [dreg:$0x7]  }
0xb9: {  	p1 =	sne.s32 s2, s31  }
.Ltmp6:
0xba: {  	_ = 	snop;
	(pc) =	sbr.rel @p1 .LBB2_1-.Ltmp6, $4  }
.Ltmp7:
0xbb: {  	_ = 	snop;
	(pc) =	sbr.rel @!p1 .LBB2_14-.Ltmp7, $4  }
0xbc: {  	_ = 	snop  }
0xbd: {  	[sflag:s0] =	ssyncset.done @!p0 $0x0  }
0xbe: {  	[sflag:s0] =	ssyncadd.s32 @!p0 $0xFFFFFF00  }
0xbf: {  	_ = 	snop  }
.LBB2_6:
.Ltmp8:
0xc0: {  	(pc) =	sbr.rel .LBB2_11-.Ltmp8, $3  }
0xc1: {  	_ =	sdelay $0x1  }
0xc2: {  	s30 =	simm.s32 $0x0  }
0xc3: {  	s28 =	simm.s32 $0x0;
	s25 =	simm.s32 $0x1;
	s26 =	simm.s32 $0x0  }
.LBB2_8:
.Ltmp9:
0xc4: {  	(pc) =	sbr.rel .LBB2_11-.Ltmp9, $3  }
0xc5: {  	_ =	sdelay $0x1  }
0xc6: {  	s30 =	smov.u32 s23  }
0xc7: {  	s23 =	smov.u32 s29;
	s28 =	simm.s32 $0x0;
	s29 =	smov.u32 s18  }
.LBB2_14:
0xc8: {  	_ =	sfence.sel $0x180000  }
0xc9: {  	[bflag:$0x0] =	sbarrier.arrive $0xFFFF  }
0xca: {  	_ =	strace $0x90000053  }
0xcb: {  	s0 =	stileid.u32;
	[bflag:$0x2] =	sbarrier.arrive $0xFFFF  }
0xcc: {  	p0 =	sne.s32 s0, $0x0;
	s0 =	rddreg [dreg:$0x2]  }
0xcd: {  	s0 =	sadd.s32 @!p0 $0x100000, s0  }
0xce: {  	[sflag:s0] =	ssyncadd.tile.s32 @!p0 $0x1;
	_ =	shalt  }
.Lfunc_end2:
_tile_overlayer_lowered:
.L_overlay_start_2:
0xcf: {  	(tag) =	ssettag $0x2  }
0xd0: {  	s0 =	rddreg [dreg:$0x0];
	s2 =	stileid.u32  }
0xd1: {  	s1 =	rddreg [dreg:$0x1];
	p0 =	sne.s32 s2, $0x0  }
0xd2: {  	s3 =	rddreg [dreg:$0x2];
	[bflag:$0x3] =	sbarrier.arrive $0xFFFF;
	s2 =	simm.s32 @!p0 $0x1C01  }
0xd3: {  	[timem:s3], [sflag:s2] =	dma.local @!p0 [hbm:s0], s1  }
0xd4: {  	s0 =	simm.s32 @!p0 $0x1  }
0xd5: {  	_ =	swait.ge @!p0 [sflag:s0], s1  }
0xd6: {  	s1 =	ssub.s32 @!p0 $0x0, s1;
	[sflag:s0] =	ssyncset.done @!p0 $0x0  }
0xd7: {  	[sflag:s0] =	ssyncadd.s32 @!p0 s1  }
0xd8: {  	[bflag:$0x3] =	sbarrier.arrive $0xFFFF  }
0xd9: {  	_ =	shalt  }

// kernel: kernel.7.cloned.1.call-start
scs
__scs_entry_jumppad:
0x0: {  	(pc) =	sbr.rel $0x88, $3  }
0x1: {  	(tag) =	ssettag $0x0;
	lr =	simm.s32 $0x1  }
0x2: {  	[smem:$0x3F96] =	sst lr;
	_ =	strace $0xD0000000  }
0x3: {  	_ = 	snop  }
0x4: {  	_ = 	snop  }
0x5: {  	_ = 	snop  }
0x6: {  	_ = 	snop  }
0x7: {  	_ = 	snop  }
__scs_overlays_trampoline_lowered:
0x8: {  	[smem:$0x3FA5] =	sst s0  }
0x9: {  	[smem:$0x3FA6] =	sst s1  }
0xa: {  	[smem:$0x3FA7] =	sst s2  }
0xb: {  	[smem:$0x3FA8] =	sst s3  }
0xc: {  	[smem:$0x3FA9] =	sst s4  }
0xd: {  	[smem:$0x3FAA] =	sst s5  }
0xe: {  	[smem:$0x3FAB] =	sst s6  }
0xf: {  	[smem:$0x3FAC] =	sst s7  }
0x10: {  	[smem:$0x3FAD] =	sst s8  }
0x11: {  	[smem:$0x3FAE] =	sst s9;
	s0 =	simm.s32 @!p0 $0x0  }
0x12: {  	s1 =	sld [smem:$0x3F94];
	s0 =	simm.s32 @p0 $0x1  }
0x13: {  	[smem:$0x3FAF] =	sst s0;
	s0 =	simm.s32 @!p1 $0x0  }
0x14: {  	s2 =	sld [smem:$0x3F93];
	s0 =	simm.s32 @p1 $0x1  }
0x15: {  	[smem:$0x3FB0] =	sst s0;
	s0 =	simm.s32 @!p2 $0x0  }
0x16: {  	s3 =	sld [smem:$0x3FDB];
	s0 =	simm.s32 @p2 $0x1  }
0x17: {  	s4 =	simm.s32 $0x1BF5;
	[smem:$0x3FB2] =	sst s0  }
0x18: {  	s0 =	sld [smem:$0x3F95];
	_ =	swait.ge [sflag:s4], $0x0  }
0x19: {  	s7 =	sld [smem:$0x3F96]  }
0x1a: {  	s8 =	sadd.s32 $0xFFFFE003, lr  }
0x1b: {  	s9 =	sadd.s32 $0xFFFFFEF7, lr;
	s5 =	simm.s32 $0xFFFFFFFF;
	p2 =	slt.u32 s8, $0xFFFFF086  }
0x1c: {  	p1 =	slt.u32 s9, $0xF7A;
	s5 =	simm.s32 @!p2 $0x0  }
0x1d: {  	s5 =	simm.s32 @p1 $0x1;
	p0 =	seq.s32 s7, s2  }
0x1e: {  	s7 =	smul.u32 @!p0 $0xF7A, s2;
	p2 =	seq.s32 @!p0 s5, $0x0  }
0x1f: {  	s9 =	smul.u32 $0xF7A, s1;
	s8 =	simm.s32 @!p0 $0x1BF5;
	p2 =	por !p2, p0  }
0x20: {  	[sflag:s8] =	ssyncset.s32 @!p0 $0xFFFFF086;
	s6 =	sadd.s32 @!p0 s3, s7;
	s7 =	simm.s32 @!p0 $0x108  }
0x21: {  	s3 =	sadd.s32 s3, s9;
	s6 =	sadd.s32 @!p0 $0x88, s6;
	s7 =	simm.s32 @p2 $0x1082  }
0x22: {  	[simem:s7], [sflag:s8] =	dma.local @!p0 [hbm:s6], $0xF7A  }
0x23: {  	s9 =	sor.u32 $0xD0000000, s2;
	s6 =	simm.s32 $0x108;
	_ =	swait.ge @!p0 [sflag:s8], $0x0  }
0x24: {  	s3 =	sadd.s32 $0x88, s3;
	s6 =	simm.s32 @!p1 $0x1082;
	[sflag:s4] =	ssyncset.s32 $0xFFFFF086  }
0x25: {  	[simem:s6], [sflag:s4] =	dma.local [hbm:s3], $0xF7A  }
0x26: {  	[smem:$0x3F96] =	sst s1;
	(tag) =	ssettag s2;
	_ =	strace s9  }
0x27: {  	s1 =	sld [smem:$0x3FA6]  }
0x28: {  	s2 =	sld [smem:$0x3FA7]  }
0x29: {  	s4 =	sld [smem:$0x3FA9]  }
0x2a: {  	p0 =	seq.s32 s5, $0x0;
	s5 =	sld [smem:$0x3FAA]  }
0x2b: {  	s6 =	sld [smem:$0x3FAB]  }
0x2c: {  	s7 =	sld [smem:$0x3FAC]  }
0x2d: {  	s3 =	simm.s32 $0x108;
	s8 =	sld [smem:$0x3FAD]  }
0x2e: {  	s3 =	simm.s32 @!p0 $0x1082;
	s9 =	sld [smem:$0x3FAE]  }
0x2f: {  	lr =	sadd.s32 s0, s3;
	s0 =	sld [smem:$0x3FA5]  }
0x30: {  	s3 =	sld [smem:$0x3FA8]  }
0x31: {  	[smem:$0x3FB1] =	sst s10  }
0x32: {  	s10 =	sld [smem:$0x3FAF];
	_ =	sdelay $0x3  }
0x33: {  	p0 =	seq.s32 s10, $0x1;
	s10 =	sld [smem:$0x3FB1];
	_ =	sdelay $0x3  }
0x34: {  	[smem:$0x3FB1] =	sst s10  }
0x35: {  	s10 =	sld [smem:$0x3FB0];
	_ =	sdelay $0x3  }
0x36: {  	p1 =	seq.s32 s10, $0x1;
	s10 =	sld [smem:$0x3FB1];
	_ =	sdelay $0x3  }
0x37: {  	[smem:$0x3FB1] =	sst s10  }
0x38: {  	s10 =	sld [smem:$0x3FB2]  }
0x39: {  	_ = 	snop;
	(pc) =	sbr.ind lr, $3  }
0x3a: {  	_ = 	snop  }
0x3b: {  	_ = 	snop  }
0x3c: {  	p2 =	seq.s32 s10, $0x1;
	s10 =	sld [smem:$0x3FB1]  }
0x3d: {  	_ =	shalt  }
0x3e: {  	_ =	shalt  }
0x3f: {  	_ =	shalt  }
0x40: {  	_ =	shalt  }
0x41: {  	_ =	shalt  }
0x42: {  	_ =	shalt  }
0x43: {  	_ =	shalt  }
0x44: {  	_ =	shalt  }
0x45: {  	_ =	shalt  }
0x46: {  	_ =	shalt  }
0x47: {  	_ =	shalt  }
0x48: {  	_ =	shalt  }
0x49: {  	_ =	shalt  }
0x4a: {  	_ =	shalt  }
0x4b: {  	_ =	shalt  }
0x4c: {  	_ =	shalt  }
0x4d: {  	_ =	shalt  }
0x4e: {  	_ =	shalt  }
0x4f: {  	_ =	shalt  }
0x50: {  	_ =	shalt  }
0x51: {  	_ =	shalt  }
0x52: {  	_ =	shalt  }
0x53: {  	_ =	shalt  }
0x54: {  	_ =	shalt  }
0x55: {  	_ =	shalt  }
0x56: {  	_ =	shalt  }
0x57: {  	_ =	shalt  }
0x58: {  	_ =	shalt  }
0x59: {  	_ =	shalt  }
0x5a: {  	_ =	shalt  }
0x5b: {  	_ =	shalt  }
0x5c: {  	_ =	shalt  }
0x5d: {  	_ =	shalt  }
0x5e: {  	_ =	shalt  }
0x5f: {  	_ =	shalt  }
0x60: {  	_ =	shalt  }
0x61: {  	_ =	shalt  }
0x62: {  	_ =	shalt  }
0x63: {  	_ =	shalt  }
0x64: {  	_ =	shalt  }
0x65: {  	_ =	shalt  }
0x66: {  	_ =	shalt  }
0x67: {  	_ =	shalt  }
0x68: {  	_ =	shalt  }
0x69: {  	_ =	shalt  }
0x6a: {  	_ =	shalt  }
0x6b: {  	_ =	shalt  }
0x6c: {  	_ =	shalt  }
0x6d: {  	_ =	shalt  }
0x6e: {  	_ =	shalt  }
0x6f: {  	_ =	shalt  }
0x70: {  	_ =	shalt  }
0x71: {  	_ =	shalt  }
0x72: {  	_ =	shalt  }
0x73: {  	_ =	shalt  }
0x74: {  	_ =	shalt  }
0x75: {  	_ =	shalt  }
0x76: {  	_ =	shalt  }
0x77: {  	_ =	shalt  }
0x78: {  	_ =	shalt  }
0x79: {  	_ =	shalt  }
0x7a: {  	_ =	shalt  }
0x7b: {  	_ =	shalt  }
0x7c: {  	_ =	shalt  }
0x7d: {  	_ =	shalt  }
0x7e: {  	_ =	shalt  }
0x7f: {  	_ =	shalt  }
0x80: {  	_ =	shalt  }
0x81: {  	_ =	shalt  }
0x82: {  	_ =	shalt  }
0x83: {  	_ =	shalt  }
0x84: {  	_ =	shalt  }
0x85: {  	_ =	shalt  }
0x86: {  	_ =	shalt  }
0x87: {  	_ =	shalt  }
.Lfunc_end0:
.L_simem_size_0:
called_computation_lowered:
.L_overlay_start_0:
0x88: {  	s2 =	sld [smem:$0x3FD9]  }
0x89: {  	s3 =	sld [smem:$0x3FFE];
	_ =	sdelay $0x1  }
0x8a: {  	s1 =	srdreg.scid  }
0x8b: {  	s0 =	sand.u32 $0x1, s1  }
0x8c: {  	s17 =	sshll.u32 s0, $0xA;
	s2 =	sadd.s32 s3, s2  }
0x8d: {  	s2 =	sadd.s32 s2, s17  }
0x8e: {  	[smem:$0x3FBD] =	sst s2  }
0x8f: {  	_ = 	snop  }
0x90: {  	s2 =	sld [smem:$0x3FD0];
	(tm) =	ssettm $0x1  }
0x91: {  	s18 =	sld [smem:$0x3FFB];
	_ =	sdelay $0x3  }
0x92: {  	_ =	strace s18  }
0x93: {  	s3 =	sld [smem:$0x3FFC];
	_ =	sdelay $0x3  }
0x94: {  	_ =	strace s3  }
0x95: {  	s3 =	sld [smem:$0x3FFD];
	_ =	sdelay $0x3  }
0x96: {  	_ =	strace s3  }
0x97: {  	_ =	strace $0x8FFFFFFF  }
0x98: {  	s19 =	sld [smem:$0x3FDB];
	_ =	sdelay $0x1  }
0x99: {  	s4 =	simm.s32 $_scs_section_size  }
0x9a: {  	s5 =	simm.s32 $_size__tile_overlayer_lowered;
	s6 =	simm.s32 $_tile_overlayer_lowered  }
0x9b: {  	s22 =	simm.s32 $0x1BFF;
	s21 =	sshll.u32 s6, $0x1;
	s3 =	sadd.s32 s4, s19  }
0x9c: {  	s7 =	simm.s32 $0x0;
	s20 =	sshll.u32 s5, $0x1;
	s5 =	sadd.s32 s21, s3  }
0x9d: {  	[timem:s7], [sflag:s22] =	dma.local [hbm:s5], s20  }
0x9e: {  	_ =	swait.ge [sflag:s22], s20  }
0x9f: {  	s4 =	ssub.s32 $0x0, s20;
	[sflag:s22] =	ssyncset.done $0x0  }
0xa0: {  	[sflag:s22] =	ssyncadd.s32 s4;
	_ =	sdelay $0x1  }
0xa1: {  	s23 =	simm.s32 $0x1B8B  }
0xa2: {  	_ =	swait.ge [sflag:s23], $0x1  }
0xa3: {  	[sflag:s23] =	ssyncset.done $0x0  }
0xa4: {  	s25 =	simm.s32 $0x1B8E;
	s24 =	sld [smem:$0x3FFE];
	[sflag:s23] =	ssyncadd.s32 $0xFFFFFFFF  }
0xa5: {  	s26 =	simm.s32 $execute0_lowered;
	[smem:$0x3FD2] =	sst s25  }
0xa6: {  	s5 =	sshll.u32 s26, $0x1;
	_ =	strace $0x80000046;
	[dreg:$0x1] =	wrdreg $0xFFFFFFFF  }
0xa7: {  	s28 =	simm.s32 $_size_execute0_lowered;
	s3 =	sadd.s32 s3, s5;
	[dreg:$0x0] =	wrdreg $0x0  }
0xa8: {  	s5 =	sshll.u32 s28, $0x1;
	[dreg:$0x2] =	wrdreg s3  }
0xa9: {  	[dreg:$0x3] =	wrdreg s5  }
0xaa: {  	[dreg:$0x4] =	wrdreg $0xC0  }
0xab: {  	_ =	task [dreg:s7], $0x5FFFF  }
0xac: {  	[dreg:$0x1] =	wrdreg $0xFFFFFFFF  }
0xad: {  	[dreg:$0x0] =	wrdreg $0x60  }
0xae: {  	[dreg:$0x2] =	wrdreg s2  }
0xaf: {  	[dreg:$0x3] =	wrdreg s24  }
0xb0: {  	[dreg:$0x4] =	wrdreg $0x9  }
0xb1: {  	_ =	task.clear_ibuf [dreg:s7], $0x5FFFF;
	_ =	strace $0x90000046  }
0xb2: {  	s29 =	simm.s32 $0x9;
	_ =	strace $0x80000051  }
0xb3: {  	_ =	swait.ge [sflag:s29], $0x1  }
0xb4: {  	[sflag:s29] =	ssyncadd.s32 $0xFFFFFFFF  }
0xb5: {  	_ =	strace $0x90000051  }
0xb6: {  	_ =	sfence  }
0xb7: {  	s30 =	sld [smem:$0x0];
	_ =	sdelay $0x2  }
0xb8: {  	s31 =	sshll.u32 s1, $0xD;
	s1 =	sshrl.u32 s1, $0x2  }
0xb9: {  	s3 =	sand.u32 $0x4000, s31;
	s1 =	sadd.s32 s1, s30  }
0xba: {  	s0 =	sor.u32 s3, s0;
	s1 =	sshll.u32 s1, $0x11  }
0xbb: {  	s0 =	sor.u32 s1, s0  }
0xbc: {  	s0 =	sadd.s32 $0x8F2B, s0  }
0xbd: {  	[sflag:s0] =	ssyncadd.remote.s32 $0x1  }
0xbe: {  	_ =	sfence.sel $0xFFFF  }
0xbf: {  	[dreg:$0x0] =	wrdreg $0xFFFFFFFF;
	(pc) =	sbr.abs _section_cstart, $3  }
0xc0: {  	[dreg:$0x1] =	wrdreg $0xFFFFFFFF  }
0xc1: {  	_ =	task.clear_ibuf [dreg:s7], $0x2FFFF;
	_ =	strace $0x9FFFFFFF  }
0xc2: {  	(tm) =	ssettm $0x7FFFFFFF  }
0xc3: {  	_ =	shalt  }
tec
execute0_lowered:
.L_overlay_start_1:
0x0: {  	(tag) =	ssettag $0x1  }
0x1: {  	s1 =	rddreg [dreg:$0x0]  }
0x2: {  	s0 =	rddreg [dreg:$0x1];
	s2 =	srdreg.scid  }
0x3: {  	s3 =	simm.s32 $0x0;
	s5 =	stileid.u32;
	s2 =	sand.u32 $0x1, s2  }
0x4: {  	s16 =	simm.s32 $0x80;
	s17 =	simm.s32 $0x7;
	s4 =	sshll.u32 s2, $0x4  }
0x5: {  	s18 =	simm.s32 $0x0;
	[smem:$0x7FF] =	sst s3;
	s7 =	sor.u32 s5, s4  }
0x6: {  	s6 =	sadd.s32 $0xC400, s0;
	_ =	strace $0x80000047;
	s8 =	smul.u32 $0x4E, s7  }
0x7: {  	s30 =	ssub.s32 $0x2, s2;
	s4 =	sadd.s32 $0x16200, s0;
	s9 =	smul.u32 $0x4F, s7  }
0x8: {  	s5 =	sadd.s32 $0x2600, s0;
	p0 =	slt.u32 s7, $0x4;
	s7 =	sadd.s32 $0x4, s8  }
0x9: {  	s2 =	sshrl.u32 s30, $0x1;
	s8 =	sadd.s32 $0x3D400, s0;
	s7 =	smov.u32 @p0 s9  }
0xa: {  	s0 =	ssub.s32 s30, s2;
	s9 =	simm.s32 $0x4F;
	s10 =	sshll.u32 s7, $0x4  }
0xb: {  	s13 =	smax.u32 s0, $0x1;
	s9 =	simm.s32 @!p0 $0x4E;
	s31 =	sand.u32 $0x1FFFFFF0, s10  }
0xc: {  	s12 =	sadd.s32 $0xFFFFFFFF, s9;
	s10 =	sadd.s32 s5, s31;
	s11 =	sadd.s32 s6, s31  }
.LBB2_1:
0xd: {  	_ =	strace $0x80000048;
	s0 =	simm.s32 $0x4000;
	s31 =	simm.s32 $0x4100  }
0xe: {  	s28 =	simm.s32 $0x0;
	s19 =	simm.s32 $0x0;
	s20 =	simm.s32 $0x0  }
0xf: {  	[tilespmem:s0], [sflag:$0x1] =	stream.linear.gather [hbm4b:s10+s3], $0x80, $0x200038;
	[tilespmem:$0xC200] =	vst v63  }
0x10: {  	s21 =	simm.s32 $0x0;
	s22 =	simm.s32 $0x1;
	s23 =	simm.s32 $0x0  }
0x11: {  	[tilespmem:s31], [sflag:$0x3] =	stream.linear.gather [hbm4b:s11+s3], $0x80, $0x200038;
	[tilespmem:$0xC200] =	vst v63  }
0x12: {  	s24 =	simm.s32 $0x1;
	s25 =	simm.s32 $0x0;
	_ =	strace $0x90000048  }
.LBB2_2:
0x13: {  	s26 =	sadd.s32 $0x1, s28  }
0x14: {  	p0 =	seq.s32 s26, s9  }
0x15: {  	s26 =	simm.s32 @p0 $0x0;
	p0 =	sge.u32 s25, s12  }
0x16: {  	p1 =	seq.s32 @!p0 s28, s26  }
0x17: {  	p2 =	por p1, p0  }
0x18: {  	s0 =	sadd.s32 @!p2 s7, s26  }
0x19: {  	s2 =	sand.u32 @!p2 $0x1, s24;
	_ =	strace @!p2 $0x80000049;
	s0 =	sshll.u32 @!p2 s0, $0x4  }
0x1a: {  	s30 =	simm.s32 @!p2 $0x0;
	s15 =	sshll.u32 @!p2 s2, $0x7;
	s0 =	sand.u32 @!p2 $0x1FFFFFF0, s0  }
0x1b: {  	s2 =	sadd.s32 @!p2 $0x1, s2;
	s15 =	sor.u32 @!p2 $0x4000, s15;
	s29 =	sadd.s32 @!p2 s5, s0  }
0x1c: {  	[tilespmem:s15], [sflag:s2] =	stream.linear.gather @!p2 [hbm4b:s29+s30], $0x80, $0x200038;
	[tilespmem:$0xC200] =	vst v63  }
0x1d: {  	s2 =	sand.u32 @!p2 $0x1, s22  }
0x1e: {  	s0 =	sadd.s32 @!p2 s6, s0;
	_ =	strace @!p2 $0x90000049;
	s15 =	sshll.u32 @!p2 s2, $0x7  }
0x1f: {  	s2 =	sadd.s32 @!p2 $0x3, s2;
	_ =	strace @!p2 $0x8000004A;
	s15 =	sor.u32 @!p2 $0x4100, s15  }
0x20: {  	[tilespmem:s15], [sflag:s2] =	stream.linear.gather @!p2 [hbm4b:s0+s30], $0x80, $0x200038;
	[tilespmem:$0xC200] =	vst v63  }
0x21: {  	s15 =	sand.u32 $0x1, s23;
	_ =	strace @!p2 $0x9000004A  }
0x22: {  	s0 =	sadd.s32 $0x1, s15;
	_ =	strace $0x8000004B  }
0x23: {  	_ =	swait.ge [sflag:s0], $0x80  }
0x24: {  	[sflag:s0] =	ssyncset.done $0x0  }
0x25: {  	[sflag:s0] =	ssyncadd.s32 $0xFFFFFF80  }
0x26: {  	s2 =	sand.u32 $0x1, s21;
	_ =	strace $0x9000004B  }
0x27: {  	s0 =	sadd.s32 $0x3, s2;
	_ =	strace $0x8000004C  }
0x28: {  	_ =	swait.ge [sflag:s0], $0x80  }
0x29: {  	[sflag:s0] =	ssyncset.done $0x0  }
0x2a: {  	s29 =	sand.u32 $0x1, s20;
	s15 =	sshll.u32 s23, $0x7;
	[sflag:s0] =	ssyncadd.s32 $0xFFFFFF80  }
0x2b: {  	s2 =	sshll.u32 s29, $0xE;
	s0 =	sand.u32 $0x80, s15;
	_ =	strace $0x9000004C  }
0x2c: {  	s30 =	sadd.s32 $0x4200, s2;
	s0 =	sor.u32 $0x4000, s0;
	_ =	strace $0x8000004D  }
0x2d: {  	[tilespmem:s30], [sflag:$0x7] =	stream.indirect.gather [hbm4b:s1+s16], $0x80, s0, s16, $0x2000b8;
	[tilespmem:$0xC200] =	vst v63  }
0x2e: {  	s15 =	sshll.u32 s21, $0x7;
	_ =	swait.ge [sflag:s17], $0x4000  }
0x2f: {  	s2 =	sadd.s32 $0x4240, s2;
	s0 =	sand.u32 $0x80, s15;
	[sflag:s17] =	ssyncset.done $0x0  }
0x30: {  	v0 =	vmov s2;
	s15 =	simm.s32 $0x0;
	s0 =	sor.u32 $0x4100, s0;
	[sflag:s17] =	ssyncadd.s32 $0xFFFFC000  }
0x31: {  	[tilespmem:s15], [sflag:$0x7] =	stream.indirect.gather [hbm4b:s4+s16], $0x80, s0, s16, $0x2000b8;
	[tilespmem:$0xC200] =	vst v63  }
0x32: {  	_ =	swait.ge [sflag:s17], $0x4000  }
0x33: {  	[sflag:s17] =	ssyncset.done $0x0  }
0x34: {  	s2 =	simm.s32 $0x0;
	[sflag:s17] =	ssyncadd.s32 $0xFFFFC000  }
0x35: {  	v1 =	vld.idx.msk [tilespmem:v0+s2+$0xFFFFFFC0 ss:$0x1], $0xffff  }
0x36: {  	v2 =	vld [tilespmem:s2+$0x0];
	_ =	sdelay $0x4  }
0x37: {  	v1 =	vadd.f32 v2, v1;
	_ =	sdelay $0x1  }
0x38: {  	[tilespmem:v0+s2+$0xFFFFFFC0 ss:$0x1] =	vst.idx.msk $0xffff, v1  }
0x39: {  	v1 =	vld.idx.msk [tilespmem:v0+s2+$0xFFFFFFD0 ss:$0x1], $0xffff  }
0x3a: {  	v2 =	vld [tilespmem:s2+$0x10];
	_ =	sdelay $0x4  }
0x3b: {  	v1 =	vadd.f32 v2, v1;
	_ =	sdelay $0x1  }
0x3c: {  	[tilespmem:v0+s2+$0xFFFFFFD0 ss:$0x1] =	vst.idx.msk $0xffff, v1  }
0x3d: {  	v1 =	vld.idx.msk [tilespmem:v0+s2+$0xFFFFFFE0 ss:$0x1], $0xffff  }
0x3e: {  	v2 =	vld [tilespmem:s2+$0x20];
	_ =	sdelay $0x4  }
0x3f: {  	v1 =	vadd.f32 v2, v1;
	_ =	sdelay $0x1  }
0x40: {  	[tilespmem:v0+s2+$0xFFFFFFE0 ss:$0x1] =	vst.idx.msk $0xffff, v1  }
0x41: {  	v1 =	vld.idx.msk [tilespmem:v0+s2+$0xFFFFFFF0 ss:$0x1], $0xffff  }
0x42: {  	v2 =	vld [tilespmem:s2+$0x30];
	_ =	sdelay $0x4  }
0x43: {  	v1 =	vadd.f32 v2, v1;
	_ =	sdelay $0x1  }
0x44: {  	[tilespmem:v0+s2+$0xFFFFFFF0 ss:$0x1] =	vst.idx.msk $0xffff, v1  }
0x45: {  	v1 =	vld.idx.msk [tilespmem:v0+s2+$0x0 ss:$0x1], $0xffff  }
0x46: {  	v2 =	vld [tilespmem:s2+$0x40];
	_ =	sdelay $0x4  }
0x47: {  	v1 =	vadd.f32 v2, v1;
	_ =	sdelay $0x1  }
0x48: {  	[tilespmem:v0+s2+$0x0 ss:$0x1] =	vst.idx.msk $0xffff, v1  }
0x49: {  	v1 =	vld.idx.msk [tilespmem:v0+s2+$0x10 ss:$0x1], $0xffff  }
0x4a: {  	v2 =	vld [tilespmem:s2+$0x50];
	_ =	sdelay $0x4  }
0x4b: {  	v1 =	vadd.f32 v2, v1;
	_ =	sdelay $0x1  }
0x4c: {  	[tilespmem:v0+s2+$0x10 ss:$0x1] =	vst.idx.msk $0xffff, v1  }
0x4d: {  	v1 =	vld.idx.msk [tilespmem:v0+s2+$0x20 ss:$0x1], $0xffff  }
0x4e: {  	v2 =	vld [tilespmem:s2+$0x60];
	_ =	sdelay $0x4  }
0x4f: {  	v1 =	vadd.f32 v2, v1;
	_ =	sdelay $0x1  }
0x50: {  	[tilespmem:v0+s2+$0x20 ss:$0x1] =	vst.idx.msk $0xffff, v1  }
0x51: {  	v1 =	vld.idx.msk [tilespmem:v0+s2+$0x30 ss:$0x1], $0xffff  }
0x52: {  	v2 =	vld [tilespmem:s2+$0x70];
	_ =	sdelay $0x1  }
0x53: {  	s31 =	simm.s32 $0x0;
	p1 =	por !p1, p0  }
0x54: {  	s14 =	smov.u32 s24;
	s31 =	simm.s32 @p1 $0x1;
	s0 =	sadd.s32 @!p2 $0x1, s24  }
0x55: {  	s31 =	simm.s32 @p0 $0x0;
	s15 =	simm.s32 $0x400;
	s24 =	smov.u32 @p1 s0  }
0x56: {  	s0 =	sadd.s32 s7, s28;
	s24 =	smov.u32 @p0 s14;
	s14 =	simm.s32 $0x200;
	v1 =	vadd.f32 v2, v1  }
.LBB2_3:
0x57: {  	p0 =	sne.s32 s15, $0xFE00  }
0x58: {  	[tilespmem:v0+s2+$0x30 ss:$0x1] =	vst.idx.msk $0xffff, v1;
	s2 =	sshra.s32 s14, $0x2;
	s14 =	smov.u32 s15;
	s15 =	sadd.s32 $0x200, s15  }
0x59: {  	v1 =	vld.idx.msk [tilespmem:v0+s2+$0xFFFFFFC0 ss:$0x1], $0xffff  }
0x5a: {  	v2 =	vld [tilespmem:s2+$0x0];
	_ =	sdelay $0x4  }
0x5b: {  	v1 =	vadd.f32 v2, v1;
	_ =	sdelay $0x1  }
0x5c: {  	[tilespmem:v0+s2+$0xFFFFFFC0 ss:$0x1] =	vst.idx.msk $0xffff, v1  }
0x5d: {  	v1 =	vld.idx.msk [tilespmem:v0+s2+$0xFFFFFFD0 ss:$0x1], $0xffff  }
0x5e: {  	v2 =	vld [tilespmem:s2+$0x10];
	_ =	sdelay $0x4  }
0x5f: {  	v1 =	vadd.f32 v2, v1;
	_ =	sdelay $0x1  }
0x60: {  	[tilespmem:v0+s2+$0xFFFFFFD0 ss:$0x1] =	vst.idx.msk $0xffff, v1  }
0x61: {  	v1 =	vld.idx.msk [tilespmem:v0+s2+$0xFFFFFFE0 ss:$0x1], $0xffff  }
0x62: {  	v2 =	vld [tilespmem:s2+$0x20];
	_ =	sdelay $0x4  }
0x63: {  	v1 =	vadd.f32 v2, v1;
	_ =	sdelay $0x1  }
0x64: {  	[tilespmem:v0+s2+$0xFFFFFFE0 ss:$0x1] =	vst.idx.msk $0xffff, v1  }
0x65: {  	v1 =	vld.idx.msk [tilespmem:v0+s2+$0xFFFFFFF0 ss:$0x1], $0xffff  }
0x66: {  	v2 =	vld [tilespmem:s2+$0x30];
	_ =	sdelay $0x4  }
0x67: {  	v1 =	vadd.f32 v2, v1;
	_ =	sdelay $0x1  }
0x68: {  	[tilespmem:v0+s2+$0xFFFFFFF0 ss:$0x1] =	vst.idx.msk $0xffff, v1  }
0x69: {  	v1 =	vld.idx.msk [tilespmem:v0+s2+$0x0 ss:$0x1], $0xffff  }
0x6a: {  	v2 =	vld [tilespmem:s2+$0x40];
	_ =	sdelay $0x4  }
0x6b: {  	v1 =	vadd.f32 v2, v1;
	_ =	sdelay $0x1  }
0x6c: {  	[tilespmem:v0+s2+$0x0 ss:$0x1] =	vst.idx.msk $0xffff, v1  }
0x6d: {  	v1 =	vld.idx.msk [tilespmem:v0+s2+$0x10 ss:$0x1], $0xffff  }
0x6e: {  	v2 =	vld [tilespmem:s2+$0x50];
	_ =	sdelay $0x4  }
0x6f: {  	v1 =	vadd.f32 v2, v1;
	_ =	sdelay $0x1  }
0x70: {  	[tilespmem:v0+s2+$0x10 ss:$0x1] =	vst.idx.msk $0xffff, v1  }
0x71: {  	v1 =	vld.idx.msk [tilespmem:v0+s2+$0x20 ss:$0x1], $0xffff  }
0x72: {  	v2 =	vld [tilespmem:s2+$0x60];
	_ =	sdelay $0x4  }
0x73: {  	v1 =	vadd.f32 v2, v1;
	_ =	sdelay $0x1  }
0x74: {  	[tilespmem:v0+s2+$0x20 ss:$0x1] =	vst.idx.msk $0xffff, v1  }
0x75: {  	v1 =	vld.idx.msk [tilespmem:v0+s2+$0x30 ss:$0x1], $0xffff  }
0x76: {  	v2 =	vld [tilespmem:s2+$0x70]  }
.Ltmp0:
0x77: {  	(pc) =	sbr.rel @p0 .LBB2_3-.Ltmp0, $2  }
0x78: {  	_ =	sdelay $0x2  }
0x79: {  	v1 =	vadd.f32 v2, v1  }
0x7a: {  	_ =	sdelay $0x3  }
0x7b: {  	s14 =	sshra.s32 s14, $0x2;
	[tilespmem:v0+s2+$0x30 ss:$0x1] =	vst.idx.msk $0xffff, v1  }
0x7c: {  	v1 =	vld.idx.msk [tilespmem:v0+s14+$0xFFFFFFC0 ss:$0x1], $0xffff  }
0x7d: {  	v2 =	vld [tilespmem:s14+$0x0];
	_ =	sdelay $0x4  }
0x7e: {  	v1 =	vadd.f32 v2, v1;
	_ =	sdelay $0x1  }
0x7f: {  	[tilespmem:v0+s14+$0xFFFFFFC0 ss:$0x1] =	vst.idx.msk $0xffff, v1  }
0x80: {  	v1 =	vld.idx.msk [tilespmem:v0+s14+$0xFFFFFFD0 ss:$0x1], $0xffff  }
0x81: {  	v57 =	vld [tilespmem:s14+$0x10];
	_ =	sdelay $0x4  }
0x82: {  	v1 =	vadd.f32 v57, v1;
	_ =	sdelay $0x1  }
0x83: {  	[tilespmem:v0+s14+$0xFFFFFFD0 ss:$0x1] =	vst.idx.msk $0xffff, v1  }
0x84: {  	v1 =	vld.idx.msk [tilespmem:v0+s14+$0xFFFFFFE0 ss:$0x1], $0xffff  }
0x85: {  	v58 =	vld [tilespmem:s14+$0x20];
	_ =	sdelay $0x4  }
0x86: {  	v1 =	vadd.f32 v58, v1;
	_ =	sdelay $0x1  }
0x87: {  	[tilespmem:v0+s14+$0xFFFFFFE0 ss:$0x1] =	vst.idx.msk $0xffff, v1  }
0x88: {  	v1 =	vld.idx.msk [tilespmem:v0+s14+$0xFFFFFFF0 ss:$0x1], $0xffff  }
0x89: {  	v59 =	vld [tilespmem:s14+$0x30];
	_ =	sdelay $0x4  }
0x8a: {  	v1 =	vadd.f32 v59, v1;
	_ =	sdelay $0x1  }
0x8b: {  	[tilespmem:v0+s14+$0xFFFFFFF0 ss:$0x1] =	vst.idx.msk $0xffff, v1  }
0x8c: {  	v1 =	vld.idx.msk [tilespmem:v0+s14+$0x0 ss:$0x1], $0xffff  }
0x8d: {  	v60 =	vld [tilespmem:s14+$0x40];
	_ =	sdelay $0x4  }
0x8e: {  	v1 =	vadd.f32 v60, v1;
	_ =	sdelay $0x1  }
0x8f: {  	[tilespmem:v0+s14+$0x0 ss:$0x1] =	vst.idx.msk $0xffff, v1  }
0x90: {  	v1 =	vld.idx.msk [tilespmem:v0+s14+$0x10 ss:$0x1], $0xffff  }
0x91: {  	v61 =	vld [tilespmem:s14+$0x50];
	_ =	sdelay $0x4  }
0x92: {  	v1 =	vadd.f32 v61, v1;
	_ =	sdelay $0x1  }
0x93: {  	[tilespmem:v0+s14+$0x10 ss:$0x1] =	vst.idx.msk $0xffff, v1  }
0x94: {  	v1 =	vld.idx.msk [tilespmem:v0+s14+$0x20 ss:$0x1], $0xffff  }
0x95: {  	v62 =	vld [tilespmem:s14+$0x60];
	_ =	sdelay $0x4  }
0x96: {  	v1 =	vadd.f32 v62, v1;
	_ =	sdelay $0x1  }
0x97: {  	[tilespmem:v0+s14+$0x20 ss:$0x1] =	vst.idx.msk $0xffff, v1  }
0x98: {  	v1 =	vld.idx.msk [tilespmem:v0+s14+$0x30 ss:$0x1], $0xffff  }
0x99: {  	v63 =	vld [tilespmem:s14+$0x70];
	_ =	sdelay $0x4  }
0x9a: {  	p0 =	sne.s32 s28, s26;
	p1 =	seq.s32 s25, s12;
	v1 =	vadd.f32 v63, v1  }
0x9b: {  	p0 =	por p1, p0  }
0x9c: {  	p1 =	seq.s32 s25, $0x0;
	s0 =	sshll.u32 @p0 s0, $0xB;
	[tilespmem:v0+s14+$0x30 ss:$0x1] =	vst.idx.msk $0xffff, v1  }
0x9d: {  	s2 =	sadd.s32 @p0 $0x5, s29;
	s0 =	sand.u32 @p0 $0x1FFFF800, s0;
	_ =	strace $0x9000004D  }
0x9e: {  	s0 =	sadd.s32 @p0 s8, s0;
	s14 =	simm.s32 @p0 $0x0;
	_ =	strace @p0 $0x8000004E  }
0x9f: {  	[hbm4b:s0+s14] =	stream.linear.scatter @p0 [tilespmem:s30], [sflag:s2], $0x4000, $0x200038;
	[tilespmem:$0xC200] =	vst v63  }
0xa0: {  	s0 =	sand.u32 @!p1 $0x1, s19;
	_ =	strace @p0 $0x9000004E  }
0xa1: {  	s0 =	sadd.s32 @!p1 $0x5, s0;
	_ =	strace @!p1 $0x8000004F  }
0xa2: {  	s2 =	simm.s32 $0x1;
	_ =	swait.ge @!p1 [sflag:s0], $0x4000  }
0xa3: {  	s2 =	simm.s32 @!p0 $0x0;
	p0 =	sne.s32 s25, $0x0;
	[sflag:s0] =	ssyncset.done @!p1 $0x0  }
0xa4: {  	s25 =	sadd.s32 $0x1, s25;
	[sflag:s0] =	ssyncadd.s32 @!p1 $0xFFFFC000;
	s0 =	simm.s32 $0x1  }
0xa5: {  	s0 =	simm.s32 @!p0 $0x0;
	p0 =	sne.s32 s25, s9  }
.Ltmp1:
0xa6: {  	_ = 	snop;
	(pc) =	sbr.rel @p0 .LBB2_2-.Ltmp1, $4  }
0xa7: {  	_ = 	snop  }
0xa8: {  	s22 =	sadd.s32 s22, s31  }
0xa9: {  	s28 =	smov.u32 s26;
	s20 =	sadd.s32 s2, s20;
	s23 =	sadd.s32 s2, s23  }
0xaa: {  	s21 =	sadd.s32 s2, s21;
	_ =	strace @!p1 $0x9000004F;
	s19 =	sadd.s32 s0, s19  }
0xab: {  	s18 =	sadd.s32 $0x1, s18  }
0xac: {  	s0 =	sand.u32 $0x1, s19;
	p0 =	sne.s32 s18, s13  }
.Ltmp2:
0xad: {  	_ =	strace $0x80000050;
	s0 =	sadd.s32 $0x5, s0;
	(pc) =	sbr.rel @p0 .LBB2_1-.Ltmp2, $4  }
0xae: {  	_ =	swait.ge [sflag:s0], $0x4000  }
0xaf: {  	[sflag:s0] =	ssyncset.done $0x0  }
0xb0: {  	[sflag:s0] =	ssyncadd.s32 $0xFFFFC000  }
0xb1: {  	_ =	strace $0x90000050  }
0xb2: {  	_ =	sfence.sel $0x180000  }
0xb3: {  	[bflag:$0x0] =	sbarrier.arrive $0xFFFF  }
0xb4: {  	_ =	strace $0x90000047  }
0xb5: {  	s0 =	stileid.u32;
	[bflag:$0x2] =	sbarrier.arrive $0xFFFF  }
0xb6: {  	p0 =	sne.s32 s0, $0x0;
	s0 =	rddreg [dreg:$0x2]  }
0xb7: {  	s0 =	sadd.s32 @!p0 $0x100000, s0  }
0xb8: {  	[sflag:s0] =	ssyncadd.tile.s32 @!p0 $0x1;
	_ =	shalt  }
.Lfunc_end2:
_tile_overlayer_lowered:
.L_overlay_start_2:
0xb9: {  	(tag) =	ssettag $0x2  }
0xba: {  	s0 =	rddreg [dreg:$0x0];
	s2 =	stileid.u32  }
0xbb: {  	s1 =	rddreg [dreg:$0x1];
	p0 =	sne.s32 s2, $0x0  }
0xbc: {  	s3 =	rddreg [dreg:$0x2];
	[bflag:$0x3] =	sbarrier.arrive $0xFFFF;
	s2 =	simm.s32 @!p0 $0x1C01  }
0xbd: {  	[timem:s3], [sflag:s2] =	dma.local @!p0 [hbm:s0], s1  }
0xbe: {  	s0 =	simm.s32 @!p0 $0x1  }
0xbf: {  	_ =	swait.ge @!p0 [sflag:s0], s1  }
0xc0: {  	s1 =	ssub.s32 @!p0 $0x0, s1;
	[sflag:s0] =	ssyncset.done @!p0 $0x0  }
0xc1: {  	[sflag:s0] =	ssyncadd.s32 @!p0 s1  }
0xc2: {  	[bflag:$0x3] =	sbarrier.arrive $0xFFFF  }
0xc3: {  	_ =	shalt  }

</sc_bundles>
